<compile_context>
chip_gen: v7x
topology: tpu7x:2x2x1
jax: 0.10.2.dev20260603
libtpu: 0.0.44.dev20260713+nightly
codegen_flags: <defaults>
</compile_context>

<pallas_src>
import functools

import jax
import jax.numpy as jnp
from jax import lax
from jax.experimental import pallas as pl
from jax.experimental.pallas import tpu as pltpu
from jax.experimental.pallas import tpu_sc as plsc




def _cumsum_lanes(m, width):
    x = m
    shift = 1
    while shift < width:
        rows = x.shape[0]
        pad = jnp.zeros((rows, shift), jnp.int32)
        x = x + jnp.concatenate([pad, x[:, : width - shift]], axis=1)
        shift *= 2
    return x


def _select_body(s_ref, idx_ref, srcid_ref, *, B, L, K, jblk, npad):
    sc = s_ref[...] + 0.0
    u = lax.bitcast_convert_type(sc, jnp.int32)
    key = jnp.where(u >= 0, u, u ^ jnp.int32(0x7FFFFFFF))
    ukey = lax.bitcast_convert_type(key ^ jnp.int32(-2147483648),
                                    jnp.uint32)

    thr = jnp.zeros((B, 1), jnp.uint32)
    for bit in range(31, -1, -1):
        cand = thr | jnp.uint32(1 << bit)
        cnt = jnp.sum((ukey >= cand).astype(jnp.int32), axis=1,
                      keepdims=True)
        thr = jnp.where(cnt >= K, cand, thr)

    gt = (ukey > thr).astype(jnp.int32)
    eq = (ukey == thr).astype(jnp.int32)
    r = K - jnp.sum(gt, axis=1, keepdims=True)
    eqrank = _cumsum_lanes(eq, L)
    sel = gt | (eq & (eqrank <= r).astype(jnp.int32))
    csel = _cumsum_lanes(sel, L)

    pos = lax.broadcasted_iota(jnp.int32, (B, L), 1)
    boff = lax.broadcasted_iota(jnp.int32, (B, L), 0) * K
    zid = B * K + (pos & (npad - 1))
    srcid_ref[...] = jnp.where(sel == 1, boff + csel - 1, zid)

    for bb in range(B):
        csel_col = csel[bb : bb + 1, :].T
        for jb in range(K // jblk):
            jv = (lax.broadcasted_iota(jnp.int32, (1, jblk), 1)
                  + jb * jblk)
            m = (csel_col <= jv).astype(jnp.int32)
            vals = jnp.sum(m, axis=0) + bb * L
            idx_ref[bb, pl.ds(jb * jblk, jblk)] = vals


def _select(scores, B, L, K, npad):
    jblk = 512
    body = functools.partial(_select_body, B=B, L=L, K=K, jblk=jblk,
                             npad=npad)
    return pl.pallas_call(
        body,
        out_shape=[
            jax.ShapeDtypeStruct((B, K), jnp.int32),
            jax.ShapeDtypeStruct((B, L), jnp.int32),
        ],
    )(scores)




def _gather(x2d, idxf, D, npad=0, zrows=None):
    n = idxf.shape[0]
    mesh = plsc.VectorSubcoreMesh(core_axis_name="c", subcore_axis_name="s")
    info = plsc.get_sparse_core_info()
    nw = info.num_cores * info.num_subcores
    rpw = n // nw
    ch = 64
    nch = rpw // ch
    zpw = npad // nw

    @functools.partial(
        pl.kernel,
        mesh=mesh,
        out_type=jax.ShapeDtypeStruct((n + npad, D), jnp.float32),
        scratch_types=[
            pltpu.VMEM((ch,), jnp.int32),
            pltpu.VMEM((ch, D), jnp.float32),
            pltpu.SemaphoreType.DMA,
        ],
    )
    def gk(x_hbm, idx_hbm, z_hbm, out_hbm, idx_v, rows_v, sem):
        wid = lax.axis_index("s") * info.num_cores + lax.axis_index("c")
        base = wid * rpw
        for c in range(nch):
            off = base + c * ch
            pltpu.sync_copy(idx_hbm.at[pl.ds(off, ch)], idx_v)
            pltpu.async_copy(x_hbm.at[idx_v], rows_v, sem).wait()
            pltpu.sync_copy(rows_v, out_hbm.at[pl.ds(off, ch)])
        if npad:
            pltpu.sync_copy(z_hbm, rows_v.at[pl.ds(0, zpw)])
            pltpu.sync_copy(rows_v.at[pl.ds(0, zpw)],
                            out_hbm.at[pl.ds(n + wid * zpw, zpw)])

    if zrows is None:
        zrows = jnp.zeros((max(zpw, 1), D), jnp.float32)
    return gk(x2d, idxf, zrows)




def _mlp_body(x_ref, w1_ref, b1_ref, w2_ref, b2_ref, o_ref):
    xb = x_ref[...].astype(jnp.bfloat16)
    dff = w1_ref.shape[1]
    cdff = dff // 4
    o = jnp.zeros(o_ref.shape, jnp.float32) + b2_ref[...]
    for c in range(dff // cdff):
        h = jnp.dot(xb, w1_ref[:, pl.ds(c * cdff, cdff)],
                    preferred_element_type=jnp.float32)
        h = h + b1_ref[:, pl.ds(c * cdff, cdff)]
        g = jax.nn.gelu(h).astype(jnp.bfloat16)
        o = o + jnp.dot(g, w2_ref[pl.ds(c * cdff, cdff), :],
                        preferred_element_type=jnp.float32)
    o_ref[...] = o


def _mlp(xsel, w1, b1_row, w2, b2_row, nrows):
    n, D = xsel.shape
    DFF = w1.shape[1]
    rblk = 1024
    grid = (nrows // rblk,)
    return pl.pallas_call(
        _mlp_body,
        grid=grid,
        in_specs=[
            pl.BlockSpec((rblk, D), lambda i: (i, 0)),
            pl.BlockSpec((D, DFF), lambda i: (0, 0)),
            pl.BlockSpec((1, DFF), lambda i: (0, 0)),
            pl.BlockSpec((DFF, D), lambda i: (0, 0)),
            pl.BlockSpec((1, D), lambda i: (0, 0)),
        ],
        out_specs=pl.BlockSpec((rblk, D), lambda i: (i, 0)),
        out_shape=jax.ShapeDtypeStruct((n, D), jnp.float32),
        input_output_aliases={0: 0},
    )(xsel, w1, b1_row, w2, b2_row)




def kernel(x, Wr, br, W1, b1, W2, b2):
    B, L, D = x.shape
    DFF = W1.shape[1]
    K = L // 2
    NPAD = 512

    x2d = x.reshape(B * L, D)
    scores = jnp.einsum('bld,d->bl', x, Wr) + br
    idxg, srcid = _select(scores, B, L, K, NPAD)
    idxf = idxg.reshape(B * K)
    srcidf = srcid.reshape(B * L)

    xsel = _gather(x2d, idxf, D, npad=NPAD)
    combo = _mlp(xsel, W1.astype(jnp.bfloat16), b1.reshape(1, DFF),
                 W2.astype(jnp.bfloat16), b2.reshape(1, D), B * K)
    out2d = _gather(combo, srcidf, D)
    return out2d.reshape(B, L, D)

# --- scband reference (transcript-rebuilt; emitter-appended) ---
"""Pipeline reference for scband-hydra-mo-rblock-59657095741548 (READ-ONLY COPY).

The authoritative reference and input builder live on the scoring server;
editing this copy changes nothing except your own understanding.
"""

import jax, jax.numpy as jnp
import numpy as np

B, L, D, DFF = 2, 8192, 1024, 4096
CAPACITY_RATIO = 0.5


def setup_inputs(seed: int = 0) -> dict:
    key = jax.random.key(seed)
    ks = jax.random.split(key, 6)
    x = jax.random.normal(ks[0], (B, L, D), dtype=jnp.float32)
    # MoDRouter: Linear(dim -> 1) producing per-token logits
    Wr = jax.random.normal(ks[1], (D,), dtype=jnp.float32) * (1.0 / np.sqrt(D))
    br = jnp.zeros((), dtype=jnp.float32)
    # MLP sublayer: Linear(D->DFF), GELU, Linear(DFF->D)
    W1 = jax.random.normal(ks[2], (D, DFF), dtype=jnp.float32) * 0.02
    b1 = jnp.zeros((DFF,), dtype=jnp.float32)
    W2 = jax.random.normal(ks[3], (DFF, D), dtype=jnp.float32) * 0.02
    b2 = jnp.zeros((D,), dtype=jnp.float32)
    return {"x": x, "Wr": Wr, "br": br, "W1": W1, "b1": b1, "W2": W2, "b2": b2}


def reference(x, Wr, br, W1, b1, W2, b2):
    # MoDMLPWrapper._forward_hard (eval-mode hard Mixture-of-Depths routing)
    Bq, Lq, Dq = x.shape
    k = int(Lq * CAPACITY_RATIO)
    # router logits: [B, L]
    scores = jnp.einsum('bld,d->bl', x, Wr) + br
    # top-k token selection per sequence
    _, indices = jax.lax.top_k(scores, k)
    # sort selected indices to preserve causal/token order (torch.sort(indices, dim=1))
    indices = jnp.sort(indices, axis=1)
    # gather selected tokens: torch.gather(x, 1, indices_exp)
    idx_exp = jnp.broadcast_to(indices[:, :, None], (Bq, k, Dq))
    x_selected = jnp.take_along_axis(x, idx_exp, axis=1)
    # MLP on selected tokens only
    h = jax.nn.gelu(x_selected @ W1 + b1)
    mlp_out_selected = h @ W2 + b2
    # scatter back into zeros: output.scatter_(1, indices_exp, mlp_out_selected)
    bidx = jnp.arange(Bq)[:, None]
    output = jnp.zeros_like(x).at[bidx, indices].set(mlp_out_selected)
    return output

if __name__ == "__main__":
    import jax
    _d = setup_inputs()
    print(jax.jit(kernel)(*tuple(_d.values())))

</pallas_src>

<mosaic_0001>
#map = affine_map<(d0, d1) -> (0, 0)>
#map1 = affine_map<(d0, d1) -> (0)>
module attributes {stable_mosaic.version = 14 : i64} {
  func.func @gk(%arg0: i32, %arg1: i32, %arg2: memref<16384x1024xf32, #tpu.memory_space<hbm>>, %arg3: memref<8192xi32, #tpu.memory_space<hbm>>, %arg4: memref<16x1024xf32, #tpu.memory_space<hbm>>, %arg5: memref<8704x1024xf32, #tpu.memory_space<hbm>>, %arg6: memref<64xi32, #tpu.memory_space<vmem>>, %arg7: memref<64x1024xf32, #tpu.memory_space<vmem>>, %arg8: memref<!tpu.dma_semaphore, #tpu.memory_space<semaphore_mem>>) attributes {dimension_semantics = [#tpu.dimension_semantics<core_parallel>, #tpu.dimension_semantics<subcore_parallel>], iteration_bounds = array<i64: 2, 16>, scalar_prefetch = 0 : i64, scratch_operands = 3 : i64, tpu.core_type = #tpu.core_type<sc_vector_subcore>, window_params = [{transform_indices = #map}, {transform_indices = #map1}, {transform_indices = #map}, {transform_indices = #map}]} {
    %mul3A = arith.constant 2 : i32
    %mul3A_0 = arith.muli %arg1, %mul3A : i32
    %add3A = arith.addi %mul3A_0, %arg0 : i32
    %mul3A_1 = arith.constant 256 : i32
    %mul3A_2 = arith.muli %add3A, %mul3A_1 : i32
    %add3A_3 = arith.constant 0 : i32
    %add3A_4 = arith.addi %mul3A_2, %add3A_3 : i32
    "tpu.region"() ({
      %run_scoped3A = tpu.sem_alloc : memref<!tpu.dma_semaphore, #tpu.memory_space<semaphore_mem>>
      %dma_start3A_37 = tpu.memref_slice %arg3[%add3A_4] : memref<8192xi32, #tpu.memory_space<hbm>> -> memref<64xi32, #tpu.memory_space<hbm>>
      %dma_start3A_38 = tpu.memref_slice %arg3[%add3A_4] : memref<8192xi32, #tpu.memory_space<hbm>> -> memref<64xi32, #tpu.memory_space<hbm>>
      tpu.enqueue_dma source(%dma_start3A_38 : memref<64xi32, #tpu.memory_space<hbm>>) target(%arg6 : memref<64xi32, #tpu.memory_space<vmem>>) target_semaphore(%run_scoped3A : memref<!tpu.dma_semaphore, #tpu.memory_space<semaphore_mem>>)
      %dma_wait3A_39 = tpu.memref_slice %arg3[%add3A_4] : memref<8192xi32, #tpu.memory_space<hbm>> -> memref<64xi32, #tpu.memory_space<hbm>>
      %dma_wait3A_40 = tpu.memref_slice %arg3[%add3A_4] : memref<8192xi32, #tpu.memory_space<hbm>> -> memref<64xi32, #tpu.memory_space<hbm>>
      tpu.wait_dma2 semaphore(%run_scoped3A : memref<!tpu.dma_semaphore, #tpu.memory_space<semaphore_mem>>) src(%dma_wait3A_40 : memref<64xi32, #tpu.memory_space<hbm>>) dst(%arg6 : memref<64xi32, #tpu.memory_space<vmem>>)
      tpu.yield
    }) : () -> ()
    %dma_start3A = arith.constant 0 : i32
    %dma_start3A_5 = arith.constant 0 : i32
    %dma_start3A_6 = tpu.memref_slice %arg2[%dma_start3A, %dma_start3A_5] : memref<16384x1024xf32, #tpu.memory_space<hbm>> -> memref<16384x1024xf32, #tpu.memory_space<hbm>>
    tpu.enqueue_indirect_dma source(%dma_start3A_6 : memref<16384x1024xf32, #tpu.memory_space<hbm>>) target(%arg7 : memref<64x1024xf32, #tpu.memory_space<vmem>>) offsets(%arg6 : memref<64xi32, #tpu.memory_space<vmem>>) semaphore(%arg8 : memref<!tpu.dma_semaphore, #tpu.memory_space<semaphore_mem>>)
    %dma_wait3A = arith.constant 0 : i32
    %dma_wait3A_7 = arith.constant 0 : i32
    %dma_wait3A_8 = tpu.memref_slice %arg2[%dma_wait3A, %dma_wait3A_7] : memref<16384x1024xf32, #tpu.memory_space<hbm>> -> memref<16384x1024xf32, #tpu.memory_space<hbm>>
    tpu.wait_indirect_dma semaphore(%arg8 : memref<!tpu.dma_semaphore, #tpu.memory_space<semaphore_mem>>) src(%dma_wait3A_8 : memref<16384x1024xf32, #tpu.memory_space<hbm>>) dst(%arg7 : memref<64x1024xf32, #tpu.memory_space<vmem>>)
    "tpu.region"() ({
      %run_scoped3A = tpu.sem_alloc : memref<!tpu.dma_semaphore, #tpu.memory_space<semaphore_mem>>
      %dma_start3A_37 = arith.constant 0 : i32
      %dma_start3A_38 = tpu.memref_slice %arg5[%add3A_4, %dma_start3A_37] : memref<8704x1024xf32, #tpu.memory_space<hbm>> -> memref<64x1024xf32, #tpu.memory_space<hbm>>
      %dma_start3A_39 = arith.constant 0 : i32
      %dma_start3A_40 = tpu.memref_slice %arg5[%add3A_4, %dma_start3A_39] : memref<8704x1024xf32, #tpu.memory_space<hbm>> -> memref<64x1024xf32, #tpu.memory_space<hbm>>
      tpu.enqueue_dma source(%arg7 : memref<64x1024xf32, #tpu.memory_space<vmem>>) target(%dma_start3A_40 : memref<64x1024xf32, #tpu.memory_space<hbm>>) target_semaphore(%run_scoped3A : memref<!tpu.dma_semaphore, #tpu.memory_space<semaphore_mem>>)
      %dma_wait3A_41 = arith.constant 0 : i32
      %dma_wait3A_42 = tpu.memref_slice %arg5[%add3A_4, %dma_wait3A_41] : memref<8704x1024xf32, #tpu.memory_space<hbm>> -> memref<64x1024xf32, #tpu.memory_space<hbm>>
      %dma_wait3A_43 = arith.constant 0 : i32
      %dma_wait3A_44 = tpu.memref_slice %arg5[%add3A_4, %dma_wait3A_43] : memref<8704x1024xf32, #tpu.memory_space<hbm>> -> memref<64x1024xf32, #tpu.memory_space<hbm>>
      tpu.wait_dma2 semaphore(%run_scoped3A : memref<!tpu.dma_semaphore, #tpu.memory_space<semaphore_mem>>) src(%arg7 : memref<64x1024xf32, #tpu.memory_space<vmem>>) dst(%dma_wait3A_44 : memref<64x1024xf32, #tpu.memory_space<hbm>>)
      tpu.yield
    }) : () -> ()
    %add3A_9 = arith.constant 64 : i32
    %add3A_10 = arith.addi %mul3A_2, %add3A_9 : i32
    "tpu.region"() ({
      %run_scoped3A = tpu.sem_alloc : memref<!tpu.dma_semaphore, #tpu.memory_space<semaphore_mem>>
      %dma_start3A_37 = tpu.memref_slice %arg3[%add3A_10] : memref<8192xi32, #tpu.memory_space<hbm>> -> memref<64xi32, #tpu.memory_space<hbm>>
      %dma_start3A_38 = tpu.memref_slice %arg3[%add3A_10] : memref<8192xi32, #tpu.memory_space<hbm>> -> memref<64xi32, #tpu.memory_space<hbm>>
      tpu.enqueue_dma source(%dma_start3A_38 : memref<64xi32, #tpu.memory_space<hbm>>) target(%arg6 : memref<64xi32, #tpu.memory_space<vmem>>) target_semaphore(%run_scoped3A : memref<!tpu.dma_semaphore, #tpu.memory_space<semaphore_mem>>)
      %dma_wait3A_39 = tpu.memref_slice %arg3[%add3A_10] : memref<8192xi32, #tpu.memory_space<hbm>> -> memref<64xi32, #tpu.memory_space<hbm>>
      %dma_wait3A_40 = tpu.memref_slice %arg3[%add3A_10] : memref<8192xi32, #tpu.memory_space<hbm>> -> memref<64xi32, #tpu.memory_space<hbm>>
      tpu.wait_dma2 semaphore(%run_scoped3A : memref<!tpu.dma_semaphore, #tpu.memory_space<semaphore_mem>>) src(%dma_wait3A_40 : memref<64xi32, #tpu.memory_space<hbm>>) dst(%arg6 : memref<64xi32, #tpu.memory_space<vmem>>)
      tpu.yield
    }) : () -> ()
    %dma_start3A_11 = arith.constant 0 : i32
    %dma_start3A_12 = arith.constant 0 : i32
    %dma_start3A_13 = tpu.memref_slice %arg2[%dma_start3A_11, %dma_start3A_12] : memref<16384x1024xf32, #tpu.memory_space<hbm>> -> memref<16384x1024xf32, #tpu.memory_space<hbm>>
    tpu.enqueue_indirect_dma source(%dma_start3A_13 : memref<16384x1024xf32, #tpu.memory_space<hbm>>) target(%arg7 : memref<64x1024xf32, #tpu.memory_space<vmem>>) offsets(%arg6 : memref<64xi32, #tpu.memory_space<vmem>>) semaphore(%arg8 : memref<!tpu.dma_semaphore, #tpu.memory_space<semaphore_mem>>)
    %dma_wait3A_14 = arith.constant 0 : i32
    %dma_wait3A_15 = arith.constant 0 : i32
    %dma_wait3A_16 = tpu.memref_slice %arg2[%dma_wait3A_14, %dma_wait3A_15] : memref<16384x1024xf32, #tpu.memory_space<hbm>> -> memref<16384x1024xf32, #tpu.memory_space<hbm>>
    tpu.wait_indirect_dma semaphore(%arg8 : memref<!tpu.dma_semaphore, #tpu.memory_space<semaphore_mem>>) src(%dma_wait3A_16 : memref<16384x1024xf32, #tpu.memory_space<hbm>>) dst(%arg7 : memref<64x1024xf32, #tpu.memory_space<vmem>>)
    "tpu.region"() ({
      %run_scoped3A = tpu.sem_alloc : memref<!tpu.dma_semaphore, #tpu.memory_space<semaphore_mem>>
      %dma_start3A_37 = arith.constant 0 : i32
      %dma_start3A_38 = tpu.memref_slice %arg5[%add3A_10, %dma_start3A_37] : memref<8704x1024xf32, #tpu.memory_space<hbm>> -> memref<64x1024xf32, #tpu.memory_space<hbm>>
      %dma_start3A_39 = arith.constant 0 : i32
      %dma_start3A_40 = tpu.memref_slice %arg5[%add3A_10, %dma_start3A_39] : memref<8704x1024xf32, #tpu.memory_space<hbm>> -> memref<64x1024xf32, #tpu.memory_space<hbm>>
      tpu.enqueue_dma source(%arg7 : memref<64x1024xf32, #tpu.memory_space<vmem>>) target(%dma_start3A_40 : memref<64x1024xf32, #tpu.memory_space<hbm>>) target_semaphore(%run_scoped3A : memref<!tpu.dma_semaphore, #tpu.memory_space<semaphore_mem>>)
      %dma_wait3A_41 = arith.constant 0 : i32
      %dma_wait3A_42 = tpu.memref_slice %arg5[%add3A_10, %dma_wait3A_41] : memref<8704x1024xf32, #tpu.memory_space<hbm>> -> memref<64x1024xf32, #tpu.memory_space<hbm>>
      %dma_wait3A_43 = arith.constant 0 : i32
      %dma_wait3A_44 = tpu.memref_slice %arg5[%add3A_10, %dma_wait3A_43] : memref<8704x1024xf32, #tpu.memory_space<hbm>> -> memref<64x1024xf32, #tpu.memory_space<hbm>>
      tpu.wait_dma2 semaphore(%run_scoped3A : memref<!tpu.dma_semaphore, #tpu.memory_space<semaphore_mem>>) src(%arg7 : memref<64x1024xf32, #tpu.memory_space<vmem>>) dst(%dma_wait3A_44 : memref<64x1024xf32, #tpu.memory_space<hbm>>)
      tpu.yield
    }) : () -> ()
    %add3A_17 = arith.constant 128 : i32
    %add3A_18 = arith.addi %mul3A_2, %add3A_17 : i32
    "tpu.region"() ({
      %run_scoped3A = tpu.sem_alloc : memref<!tpu.dma_semaphore, #tpu.memory_space<semaphore_mem>>
      %dma_start3A_37 = tpu.memref_slice %arg3[%add3A_18] : memref<8192xi32, #tpu.memory_space<hbm>> -> memref<64xi32, #tpu.memory_space<hbm>>
      %dma_start3A_38 = tpu.memref_slice %arg3[%add3A_18] : memref<8192xi32, #tpu.memory_space<hbm>> -> memref<64xi32, #tpu.memory_space<hbm>>
      tpu.enqueue_dma source(%dma_start3A_38 : memref<64xi32, #tpu.memory_space<hbm>>) target(%arg6 : memref<64xi32, #tpu.memory_space<vmem>>) target_semaphore(%run_scoped3A : memref<!tpu.dma_semaphore, #tpu.memory_space<semaphore_mem>>)
      %dma_wait3A_39 = tpu.memref_slice %arg3[%add3A_18] : memref<8192xi32, #tpu.memory_space<hbm>> -> memref<64xi32, #tpu.memory_space<hbm>>
      %dma_wait3A_40 = tpu.memref_slice %arg3[%add3A_18] : memref<8192xi32, #tpu.memory_space<hbm>> -> memref<64xi32, #tpu.memory_space<hbm>>
      tpu.wait_dma2 semaphore(%run_scoped3A : memref<!tpu.dma_semaphore, #tpu.memory_space<semaphore_mem>>) src(%dma_wait3A_40 : memref<64xi32, #tpu.memory_space<hbm>>) dst(%arg6 : memref<64xi32, #tpu.memory_space<vmem>>)
      tpu.yield
    }) : () -> ()
    %dma_start3A_19 = arith.constant 0 : i32
    %dma_start3A_20 = arith.constant 0 : i32
    %dma_start3A_21 = tpu.memref_slice %arg2[%dma_start3A_19, %dma_start3A_20] : memref<16384x1024xf32, #tpu.memory_space<hbm>> -> memref<16384x1024xf32, #tpu.memory_space<hbm>>
    tpu.enqueue_indirect_dma source(%dma_start3A_21 : memref<16384x1024xf32, #tpu.memory_space<hbm>>) target(%arg7 : memref<64x1024xf32, #tpu.memory_space<vmem>>) offsets(%arg6 : memref<64xi32, #tpu.memory_space<vmem>>) semaphore(%arg8 : memref<!tpu.dma_semaphore, #tpu.memory_space<semaphore_mem>>)
    %dma_wait3A_22 = arith.constant 0 : i32
    %dma_wait3A_23 = arith.constant 0 : i32
    %dma_wait3A_24 = tpu.memref_slice %arg2[%dma_wait3A_22, %dma_wait3A_23] : memref<16384x1024xf32, #tpu.memory_space<hbm>> -> memref<16384x1024xf32, #tpu.memory_space<hbm>>
    tpu.wait_indirect_dma semaphore(%arg8 : memref<!tpu.dma_semaphore, #tpu.memory_space<semaphore_mem>>) src(%dma_wait3A_24 : memref<16384x1024xf32, #tpu.memory_space<hbm>>) dst(%arg7 : memref<64x1024xf32, #tpu.memory_space<vmem>>)
    "tpu.region"() ({
      %run_scoped3A = tpu.sem_alloc : memref<!tpu.dma_semaphore, #tpu.memory_space<semaphore_mem>>
      %dma_start3A_37 = arith.constant 0 : i32
      %dma_start3A_38 = tpu.memref_slice %arg5[%add3A_18, %dma_start3A_37] : memref<8704x1024xf32, #tpu.memory_space<hbm>> -> memref<64x1024xf32, #tpu.memory_space<hbm>>
      %dma_start3A_39 = arith.constant 0 : i32
      %dma_start3A_40 = tpu.memref_slice %arg5[%add3A_18, %dma_start3A_39] : memref<8704x1024xf32, #tpu.memory_space<hbm>> -> memref<64x1024xf32, #tpu.memory_space<hbm>>
      tpu.enqueue_dma source(%arg7 : memref<64x1024xf32, #tpu.memory_space<vmem>>) target(%dma_start3A_40 : memref<64x1024xf32, #tpu.memory_space<hbm>>) target_semaphore(%run_scoped3A : memref<!tpu.dma_semaphore, #tpu.memory_space<semaphore_mem>>)
      %dma_wait3A_41 = arith.constant 0 : i32
      %dma_wait3A_42 = tpu.memref_slice %arg5[%add3A_18, %dma_wait3A_41] : memref<8704x1024xf32, #tpu.memory_space<hbm>> -> memref<64x1024xf32, #tpu.memory_space<hbm>>
      %dma_wait3A_43 = arith.constant 0 : i32
      %dma_wait3A_44 = tpu.memref_slice %arg5[%add3A_18, %dma_wait3A_43] : memref<8704x1024xf32, #tpu.memory_space<hbm>> -> memref<64x1024xf32, #tpu.memory_space<hbm>>
      tpu.wait_dma2 semaphore(%run_scoped3A : memref<!tpu.dma_semaphore, #tpu.memory_space<semaphore_mem>>) src(%arg7 : memref<64x1024xf32, #tpu.memory_space<vmem>>) dst(%dma_wait3A_44 : memref<64x1024xf32, #tpu.memory_space<hbm>>)
      tpu.yield
    }) : () -> ()
    %add3A_25 = arith.constant 192 : i32
    %add3A_26 = arith.addi %mul3A_2, %add3A_25 : i32
    "tpu.region"() ({
      %run_scoped3A = tpu.sem_alloc : memref<!tpu.dma_semaphore, #tpu.memory_space<semaphore_mem>>
      %dma_start3A_37 = tpu.memref_slice %arg3[%add3A_26] : memref<8192xi32, #tpu.memory_space<hbm>> -> memref<64xi32, #tpu.memory_space<hbm>>
      %dma_start3A_38 = tpu.memref_slice %arg3[%add3A_26] : memref<8192xi32, #tpu.memory_space<hbm>> -> memref<64xi32, #tpu.memory_space<hbm>>
      tpu.enqueue_dma source(%dma_start3A_38 : memref<64xi32, #tpu.memory_space<hbm>>) target(%arg6 : memref<64xi32, #tpu.memory_space<vmem>>) target_semaphore(%run_scoped3A : memref<!tpu.dma_semaphore, #tpu.memory_space<semaphore_mem>>)
      %dma_wait3A_39 = tpu.memref_slice %arg3[%add3A_26] : memref<8192xi32, #tpu.memory_space<hbm>> -> memref<64xi32, #tpu.memory_space<hbm>>
      %dma_wait3A_40 = tpu.memref_slice %arg3[%add3A_26] : memref<8192xi32, #tpu.memory_space<hbm>> -> memref<64xi32, #tpu.memory_space<hbm>>
      tpu.wait_dma2 semaphore(%run_scoped3A : memref<!tpu.dma_semaphore, #tpu.memory_space<semaphore_mem>>) src(%dma_wait3A_40 : memref<64xi32, #tpu.memory_space<hbm>>) dst(%arg6 : memref<64xi32, #tpu.memory_space<vmem>>)
      tpu.yield
    }) : () -> ()
    %dma_start3A_27 = arith.constant 0 : i32
    %dma_start3A_28 = arith.constant 0 : i32
    %dma_start3A_29 = tpu.memref_slice %arg2[%dma_start3A_27, %dma_start3A_28] : memref<16384x1024xf32, #tpu.memory_space<hbm>> -> memref<16384x1024xf32, #tpu.memory_space<hbm>>
    tpu.enqueue_indirect_dma source(%dma_start3A_29 : memref<16384x1024xf32, #tpu.memory_space<hbm>>) target(%arg7 : memref<64x1024xf32, #tpu.memory_space<vmem>>) offsets(%arg6 : memref<64xi32, #tpu.memory_space<vmem>>) semaphore(%arg8 : memref<!tpu.dma_semaphore, #tpu.memory_space<semaphore_mem>>)
    %dma_wait3A_30 = arith.constant 0 : i32
    %dma_wait3A_31 = arith.constant 0 : i32
    %dma_wait3A_32 = tpu.memref_slice %arg2[%dma_wait3A_30, %dma_wait3A_31] : memref<16384x1024xf32, #tpu.memory_space<hbm>> -> memref<16384x1024xf32, #tpu.memory_space<hbm>>
    tpu.wait_indirect_dma semaphore(%arg8 : memref<!tpu.dma_semaphore, #tpu.memory_space<semaphore_mem>>) src(%dma_wait3A_32 : memref<16384x1024xf32, #tpu.memory_space<hbm>>) dst(%arg7 : memref<64x1024xf32, #tpu.memory_space<vmem>>)
    "tpu.region"() ({
      %run_scoped3A = tpu.sem_alloc : memref<!tpu.dma_semaphore, #tpu.memory_space<semaphore_mem>>
      %dma_start3A_37 = arith.constant 0 : i32
      %dma_start3A_38 = tpu.memref_slice %arg5[%add3A_26, %dma_start3A_37] : memref<8704x1024xf32, #tpu.memory_space<hbm>> -> memref<64x1024xf32, #tpu.memory_space<hbm>>
      %dma_start3A_39 = arith.constant 0 : i32
      %dma_start3A_40 = tpu.memref_slice %arg5[%add3A_26, %dma_start3A_39] : memref<8704x1024xf32, #tpu.memory_space<hbm>> -> memref<64x1024xf32, #tpu.memory_space<hbm>>
      tpu.enqueue_dma source(%arg7 : memref<64x1024xf32, #tpu.memory_space<vmem>>) target(%dma_start3A_40 : memref<64x1024xf32, #tpu.memory_space<hbm>>) target_semaphore(%run_scoped3A : memref<!tpu.dma_semaphore, #tpu.memory_space<semaphore_mem>>)
      %dma_wait3A_41 = arith.constant 0 : i32
      %dma_wait3A_42 = tpu.memref_slice %arg5[%add3A_26, %dma_wait3A_41] : memref<8704x1024xf32, #tpu.memory_space<hbm>> -> memref<64x1024xf32, #tpu.memory_space<hbm>>
      %dma_wait3A_43 = arith.constant 0 : i32
      %dma_wait3A_44 = tpu.memref_slice %arg5[%add3A_26, %dma_wait3A_43] : memref<8704x1024xf32, #tpu.memory_space<hbm>> -> memref<64x1024xf32, #tpu.memory_space<hbm>>
      tpu.wait_dma2 semaphore(%run_scoped3A : memref<!tpu.dma_semaphore, #tpu.memory_space<semaphore_mem>>) src(%arg7 : memref<64x1024xf32, #tpu.memory_space<vmem>>) dst(%dma_wait3A_44 : memref<64x1024xf32, #tpu.memory_space<hbm>>)
      tpu.yield
    }) : () -> ()
    "tpu.region"() ({
      %run_scoped3A = tpu.sem_alloc : memref<!tpu.dma_semaphore, #tpu.memory_space<semaphore_mem>>
      %dma_start3A_37 = arith.constant 0 : i32
      %dma_start3A_38 = arith.constant 0 : i32
      %dma_start3A_39 = tpu.memref_slice %arg7[%dma_start3A_37, %dma_start3A_38] : memref<64x1024xf32, #tpu.memory_space<vmem>> -> memref<16x1024xf32, #tpu.memory_space<vmem>>
      %dma_start3A_40 = arith.constant 0 : i32
      %dma_start3A_41 = arith.constant 0 : i32
      %dma_start3A_42 = tpu.memref_slice %arg7[%dma_start3A_40, %dma_start3A_41] : memref<64x1024xf32, #tpu.memory_space<vmem>> -> memref<16x1024xf32, #tpu.memory_space<vmem>>
      tpu.enqueue_dma source(%arg4 : memref<16x1024xf32, #tpu.memory_space<hbm>>) target(%dma_start3A_42 : memref<16x1024xf32, #tpu.memory_space<vmem>>) target_semaphore(%run_scoped3A : memref<!tpu.dma_semaphore, #tpu.memory_space<semaphore_mem>>)
      %dma_wait3A_43 = arith.constant 0 : i32
      %dma_wait3A_44 = arith.constant 0 : i32
      %dma_wait3A_45 = tpu.memref_slice %arg7[%dma_wait3A_43, %dma_wait3A_44] : memref<64x1024xf32, #tpu.memory_space<vmem>> -> memref<16x1024xf32, #tpu.memory_space<vmem>>
      %dma_wait3A_46 = arith.constant 0 : i32
      %dma_wait3A_47 = arith.constant 0 : i32
      %dma_wait3A_48 = tpu.memref_slice %arg7[%dma_wait3A_46, %dma_wait3A_47] : memref<64x1024xf32, #tpu.memory_space<vmem>> -> memref<16x1024xf32, #tpu.memory_space<vmem>>
      tpu.wait_dma2 semaphore(%run_scoped3A : memref<!tpu.dma_semaphore, #tpu.memory_space<semaphore_mem>>) src(%arg4 : memref<16x1024xf32, #tpu.memory_space<hbm>>) dst(%dma_wait3A_48 : memref<16x1024xf32, #tpu.memory_space<vmem>>)
      tpu.yield
    }) : () -> ()
    %mul3A_33 = arith.constant 16 : i32
    %mul3A_34 = arith.muli %add3A, %mul3A_33 : i32
    %add3A_35 = arith.constant 8192 : i32
    %add3A_36 = arith.addi %add3A_35, %mul3A_34 : i32
    "tpu.region"() ({
      %run_scoped3A = tpu.sem_alloc : memref<!tpu.dma_semaphore, #tpu.memory_space<semaphore_mem>>
      %dma_start3A_37 = arith.constant 0 : i32
      %dma_start3A_38 = arith.constant 0 : i32
      %dma_start3A_39 = tpu.memref_slice %arg7[%dma_start3A_37, %dma_start3A_38] : memref<64x1024xf32, #tpu.memory_space<vmem>> -> memref<16x1024xf32, #tpu.memory_space<vmem>>
      %dma_start3A_40 = arith.constant 0 : i32
      %dma_start3A_41 = tpu.memref_slice %arg5[%add3A_36, %dma_start3A_40] : memref<8704x1024xf32, #tpu.memory_space<hbm>> -> memref<16x1024xf32, #tpu.memory_space<hbm>>
      %dma_start3A_42 = arith.constant 0 : i32
      %dma_start3A_43 = tpu.memref_slice %arg5[%add3A_36, %dma_start3A_42] : memref<8704x1024xf32, #tpu.memory_space<hbm>> -> memref<16x1024xf32, #tpu.memory_space<hbm>>
      %dma_start3A_44 = arith.constant 0 : i32
      %dma_start3A_45 = arith.constant 0 : i32
      %dma_start3A_46 = tpu.memref_slice %arg7[%dma_start3A_44, %dma_start3A_45] : memref<64x1024xf32, #tpu.memory_space<vmem>> -> memref<16x1024xf32, #tpu.memory_space<vmem>>
      tpu.enqueue_dma source(%dma_start3A_46 : memref<16x1024xf32, #tpu.memory_space<vmem>>) target(%dma_start3A_43 : memref<16x1024xf32, #tpu.memory_space<hbm>>) target_semaphore(%run_scoped3A : memref<!tpu.dma_semaphore, #tpu.memory_space<semaphore_mem>>)
      %dma_wait3A_47 = arith.constant 0 : i32
      %dma_wait3A_48 = arith.constant 0 : i32
      %dma_wait3A_49 = tpu.memref_slice %arg7[%dma_wait3A_47, %dma_wait3A_48] : memref<64x1024xf32, #tpu.memory_space<vmem>> -> memref<16x1024xf32, #tpu.memory_space<vmem>>
      %dma_wait3A_50 = arith.constant 0 : i32
      %dma_wait3A_51 = tpu.memref_slice %arg5[%add3A_36, %dma_wait3A_50] : memref<8704x1024xf32, #tpu.memory_space<hbm>> -> memref<16x1024xf32, #tpu.memory_space<hbm>>
      %dma_wait3A_52 = arith.constant 0 : i32
      %dma_wait3A_53 = tpu.memref_slice %arg5[%add3A_36, %dma_wait3A_52] : memref<8704x1024xf32, #tpu.memory_space<hbm>> -> memref<16x1024xf32, #tpu.memory_space<hbm>>
      %dma_wait3A_54 = arith.constant 0 : i32
      %dma_wait3A_55 = arith.constant 0 : i32
      %dma_wait3A_56 = tpu.memref_slice %arg7[%dma_wait3A_54, %dma_wait3A_55] : memref<64x1024xf32, #tpu.memory_space<vmem>> -> memref<16x1024xf32, #tpu.memory_space<vmem>>
      tpu.wait_dma2 semaphore(%run_scoped3A : memref<!tpu.dma_semaphore, #tpu.memory_space<semaphore_mem>>) src(%dma_wait3A_56 : memref<16x1024xf32, #tpu.memory_space<vmem>>) dst(%dma_wait3A_53 : memref<16x1024xf32, #tpu.memory_space<hbm>>)
      tpu.yield
    }) : () -> ()
    return
  }
}

#map = affine_map<(d0, d1) -> (0, 0)>
#map1 = affine_map<(d0, d1) -> (0)>
module attributes {stable_mosaic.version = 14 : i64} {
  func.func @gk(%arg0: i32, %arg1: i32, %arg2: memref<8704x1024xf32, #tpu.memory_space<hbm>>, %arg3: memref<16384xi32, #tpu.memory_space<hbm>>, %arg4: memref<1x1024xf32, #tpu.memory_space<hbm>>, %arg5: memref<16384x1024xf32, #tpu.memory_space<hbm>>, %arg6: memref<64xi32, #tpu.memory_space<vmem>>, %arg7: memref<64x1024xf32, #tpu.memory_space<vmem>>, %arg8: memref<!tpu.dma_semaphore, #tpu.memory_space<semaphore_mem>>) attributes {dimension_semantics = [#tpu.dimension_semantics<core_parallel>, #tpu.dimension_semantics<subcore_parallel>], iteration_bounds = array<i64: 2, 16>, scalar_prefetch = 0 : i64, scratch_operands = 3 : i64, tpu.core_type = #tpu.core_type<sc_vector_subcore>, window_params = [{transform_indices = #map}, {transform_indices = #map1}, {transform_indices = #map}, {transform_indices = #map}]} {
    %mul3A = arith.constant 2 : i32
    %mul3A_0 = arith.muli %arg1, %mul3A : i32
    %add3A = arith.addi %mul3A_0, %arg0 : i32
    %mul3A_1 = arith.constant 512 : i32
    %mul3A_2 = arith.muli %add3A, %mul3A_1 : i32
    %add3A_3 = arith.constant 0 : i32
    %add3A_4 = arith.addi %mul3A_2, %add3A_3 : i32
    "tpu.region"() ({
      %run_scoped3A = tpu.sem_alloc : memref<!tpu.dma_semaphore, #tpu.memory_space<semaphore_mem>>
      %dma_start3A_65 = tpu.memref_slice %arg3[%add3A_4] : memref<16384xi32, #tpu.memory_space<hbm>> -> memref<64xi32, #tpu.memory_space<hbm>>
      %dma_start3A_66 = tpu.memref_slice %arg3[%add3A_4] : memref<16384xi32, #tpu.memory_space<hbm>> -> memref<64xi32, #tpu.memory_space<hbm>>
      tpu.enqueue_dma source(%dma_start3A_66 : memref<64xi32, #tpu.memory_space<hbm>>) target(%arg6 : memref<64xi32, #tpu.memory_space<vmem>>) target_semaphore(%run_scoped3A : memref<!tpu.dma_semaphore, #tpu.memory_space<semaphore_mem>>)
      %dma_wait3A_67 = tpu.memref_slice %arg3[%add3A_4] : memref<16384xi32, #tpu.memory_space<hbm>> -> memref<64xi32, #tpu.memory_space<hbm>>
      %dma_wait3A_68 = tpu.memref_slice %arg3[%add3A_4] : memref<16384xi32, #tpu.memory_space<hbm>> -> memref<64xi32, #tpu.memory_space<hbm>>
      tpu.wait_dma2 semaphore(%run_scoped3A : memref<!tpu.dma_semaphore, #tpu.memory_space<semaphore_mem>>) src(%dma_wait3A_68 : memref<64xi32, #tpu.memory_space<hbm>>) dst(%arg6 : memref<64xi32, #tpu.memory_space<vmem>>)
      tpu.yield
    }) : () -> ()
    %dma_start3A = arith.constant 0 : i32
    %dma_start3A_5 = arith.constant 0 : i32
    %dma_start3A_6 = tpu.memref_slice %arg2[%dma_start3A, %dma_start3A_5] : memref<8704x1024xf32, #tpu.memory_space<hbm>> -> memref<8704x1024xf32, #tpu.memory_space<hbm>>
    tpu.enqueue_indirect_dma source(%dma_start3A_6 : memref<8704x1024xf32, #tpu.memory_space<hbm>>) target(%arg7 : memref<64x1024xf32, #tpu.memory_space<vmem>>) offsets(%arg6 : memref<64xi32, #tpu.memory_space<vmem>>) semaphore(%arg8 : memref<!tpu.dma_semaphore, #tpu.memory_space<semaphore_mem>>)
    %dma_wait3A = arith.constant 0 : i32
    %dma_wait3A_7 = arith.constant 0 : i32
    %dma_wait3A_8 = tpu.memref_slice %arg2[%dma_wait3A, %dma_wait3A_7] : memref<8704x1024xf32, #tpu.memory_space<hbm>> -> memref<8704x1024xf32, #tpu.memory_space<hbm>>
    tpu.wait_indirect_dma semaphore(%arg8 : memref<!tpu.dma_semaphore, #tpu.memory_space<semaphore_mem>>) src(%dma_wait3A_8 : memref<8704x1024xf32, #tpu.memory_space<hbm>>) dst(%arg7 : memref<64x1024xf32, #tpu.memory_space<vmem>>)
    "tpu.region"() ({
      %run_scoped3A = tpu.sem_alloc : memref<!tpu.dma_semaphore, #tpu.memory_space<semaphore_mem>>
      %dma_start3A_65 = arith.constant 0 : i32
      %dma_start3A_66 = tpu.memref_slice %arg5[%add3A_4, %dma_start3A_65] : memref<16384x1024xf32, #tpu.memory_space<hbm>> -> memref<64x1024xf32, #tpu.memory_space<hbm>>
      %dma_start3A_67 = arith.constant 0 : i32
      %dma_start3A_68 = tpu.memref_slice %arg5[%add3A_4, %dma_start3A_67] : memref<16384x1024xf32, #tpu.memory_space<hbm>> -> memref<64x1024xf32, #tpu.memory_space<hbm>>
      tpu.enqueue_dma source(%arg7 : memref<64x1024xf32, #tpu.memory_space<vmem>>) target(%dma_start3A_68 : memref<64x1024xf32, #tpu.memory_space<hbm>>) target_semaphore(%run_scoped3A : memref<!tpu.dma_semaphore, #tpu.memory_space<semaphore_mem>>)
      %dma_wait3A_69 = arith.constant 0 : i32
      %dma_wait3A_70 = tpu.memref_slice %arg5[%add3A_4, %dma_wait3A_69] : memref<16384x1024xf32, #tpu.memory_space<hbm>> -> memref<64x1024xf32, #tpu.memory_space<hbm>>
      %dma_wait3A_71 = arith.constant 0 : i32
      %dma_wait3A_72 = tpu.memref_slice %arg5[%add3A_4, %dma_wait3A_71] : memref<16384x1024xf32, #tpu.memory_space<hbm>> -> memref<64x1024xf32, #tpu.memory_space<hbm>>
      tpu.wait_dma2 semaphore(%run_scoped3A : memref<!tpu.dma_semaphore, #tpu.memory_space<semaphore_mem>>) src(%arg7 : memref<64x1024xf32, #tpu.memory_space<vmem>>) dst(%dma_wait3A_72 : memref<64x1024xf32, #tpu.memory_space<hbm>>)
      tpu.yield
    }) : () -> ()
    %add3A_9 = arith.constant 64 : i32
    %add3A_10 = arith.addi %mul3A_2, %add3A_9 : i32
    "tpu.region"() ({
      %run_scoped3A = tpu.sem_alloc : memref<!tpu.dma_semaphore, #tpu.memory_space<semaphore_mem>>
      %dma_start3A_65 = tpu.memref_slice %arg3[%add3A_10] : memref<16384xi32, #tpu.memory_space<hbm>> -> memref<64xi32, #tpu.memory_space<hbm>>
      %dma_start3A_66 = tpu.memref_slice %arg3[%add3A_10] : memref<16384xi32, #tpu.memory_space<hbm>> -> memref<64xi32, #tpu.memory_space<hbm>>
      tpu.enqueue_dma source(%dma_start3A_66 : memref<64xi32, #tpu.memory_space<hbm>>) target(%arg6 : memref<64xi32, #tpu.memory_space<vmem>>) target_semaphore(%run_scoped3A : memref<!tpu.dma_semaphore, #tpu.memory_space<semaphore_mem>>)
      %dma_wait3A_67 = tpu.memref_slice %arg3[%add3A_10] : memref<16384xi32, #tpu.memory_space<hbm>> -> memref<64xi32, #tpu.memory_space<hbm>>
      %dma_wait3A_68 = tpu.memref_slice %arg3[%add3A_10] : memref<16384xi32, #tpu.memory_space<hbm>> -> memref<64xi32, #tpu.memory_space<hbm>>
      tpu.wait_dma2 semaphore(%run_scoped3A : memref<!tpu.dma_semaphore, #tpu.memory_space<semaphore_mem>>) src(%dma_wait3A_68 : memref<64xi32, #tpu.memory_space<hbm>>) dst(%arg6 : memref<64xi32, #tpu.memory_space<vmem>>)
      tpu.yield
    }) : () -> ()
    %dma_start3A_11 = arith.constant 0 : i32
    %dma_start3A_12 = arith.constant 0 : i32
    %dma_start3A_13 = tpu.memref_slice %arg2[%dma_start3A_11, %dma_start3A_12] : memref<8704x1024xf32, #tpu.memory_space<hbm>> -> memref<8704x1024xf32, #tpu.memory_space<hbm>>
    tpu.enqueue_indirect_dma source(%dma_start3A_13 : memref<8704x1024xf32, #tpu.memory_space<hbm>>) target(%arg7 : memref<64x1024xf32, #tpu.memory_space<vmem>>) offsets(%arg6 : memref<64xi32, #tpu.memory_space<vmem>>) semaphore(%arg8 : memref<!tpu.dma_semaphore, #tpu.memory_space<semaphore_mem>>)
    %dma_wait3A_14 = arith.constant 0 : i32
    %dma_wait3A_15 = arith.constant 0 : i32
    %dma_wait3A_16 = tpu.memref_slice %arg2[%dma_wait3A_14, %dma_wait3A_15] : memref<8704x1024xf32, #tpu.memory_space<hbm>> -> memref<8704x1024xf32, #tpu.memory_space<hbm>>
    tpu.wait_indirect_dma semaphore(%arg8 : memref<!tpu.dma_semaphore, #tpu.memory_space<semaphore_mem>>) src(%dma_wait3A_16 : memref<8704x1024xf32, #tpu.memory_space<hbm>>) dst(%arg7 : memref<64x1024xf32, #tpu.memory_space<vmem>>)
    "tpu.region"() ({
      %run_scoped3A = tpu.sem_alloc : memref<!tpu.dma_semaphore, #tpu.memory_space<semaphore_mem>>
      %dma_start3A_65 = arith.constant 0 : i32
      %dma_start3A_66 = tpu.memref_slice %arg5[%add3A_10, %dma_start3A_65] : memref<16384x1024xf32, #tpu.memory_space<hbm>> -> memref<64x1024xf32, #tpu.memory_space<hbm>>
      %dma_start3A_67 = arith.constant 0 : i32
      %dma_start3A_68 = tpu.memref_slice %arg5[%add3A_10, %dma_start3A_67] : memref<16384x1024xf32, #tpu.memory_space<hbm>> -> memref<64x1024xf32, #tpu.memory_space<hbm>>
      tpu.enqueue_dma source(%arg7 : memref<64x1024xf32, #tpu.memory_space<vmem>>) target(%dma_start3A_68 : memref<64x1024xf32, #tpu.memory_space<hbm>>) target_semaphore(%run_scoped3A : memref<!tpu.dma_semaphore, #tpu.memory_space<semaphore_mem>>)
      %dma_wait3A_69 = arith.constant 0 : i32
      %dma_wait3A_70 = tpu.memref_slice %arg5[%add3A_10, %dma_wait3A_69] : memref<16384x1024xf32, #tpu.memory_space<hbm>> -> memref<64x1024xf32, #tpu.memory_space<hbm>>
      %dma_wait3A_71 = arith.constant 0 : i32
      %dma_wait3A_72 = tpu.memref_slice %arg5[%add3A_10, %dma_wait3A_71] : memref<16384x1024xf32, #tpu.memory_space<hbm>> -> memref<64x1024xf32, #tpu.memory_space<hbm>>
      tpu.wait_dma2 semaphore(%run_scoped3A : memref<!tpu.dma_semaphore, #tpu.memory_space<semaphore_mem>>) src(%arg7 : memref<64x1024xf32, #tpu.memory_space<vmem>>) dst(%dma_wait3A_72 : memref<64x1024xf32, #tpu.memory_space<hbm>>)
      tpu.yield
    }) : () -> ()
    %add3A_17 = arith.constant 128 : i32
    %add3A_18 = arith.addi %mul3A_2, %add3A_17 : i32
    "tpu.region"() ({
      %run_scoped3A = tpu.sem_alloc : memref<!tpu.dma_semaphore, #tpu.memory_space<semaphore_mem>>
      %dma_start3A_65 = tpu.memref_slice %arg3[%add3A_18] : memref<16384xi32, #tpu.memory_space<hbm>> -> memref<64xi32, #tpu.memory_space<hbm>>
      %dma_start3A_66 = tpu.memref_slice %arg3[%add3A_18] : memref<16384xi32, #tpu.memory_space<hbm>> -> memref<64xi32, #tpu.memory_space<hbm>>
      tpu.enqueue_dma source(%dma_start3A_66 : memref<64xi32, #tpu.memory_space<hbm>>) target(%arg6 : memref<64xi32, #tpu.memory_space<vmem>>) target_semaphore(%run_scoped3A : memref<!tpu.dma_semaphore, #tpu.memory_space<semaphore_mem>>)
      %dma_wait3A_67 = tpu.memref_slice %arg3[%add3A_18] : memref<16384xi32, #tpu.memory_space<hbm>> -> memref<64xi32, #tpu.memory_space<hbm>>
      %dma_wait3A_68 = tpu.memref_slice %arg3[%add3A_18] : memref<16384xi32, #tpu.memory_space<hbm>> -> memref<64xi32, #tpu.memory_space<hbm>>
      tpu.wait_dma2 semaphore(%run_scoped3A : memref<!tpu.dma_semaphore, #tpu.memory_space<semaphore_mem>>) src(%dma_wait3A_68 : memref<64xi32, #tpu.memory_space<hbm>>) dst(%arg6 : memref<64xi32, #tpu.memory_space<vmem>>)
      tpu.yield
    }) : () -> ()
    %dma_start3A_19 = arith.constant 0 : i32
    %dma_start3A_20 = arith.constant 0 : i32
    %dma_start3A_21 = tpu.memref_slice %arg2[%dma_start3A_19, %dma_start3A_20] : memref<8704x1024xf32, #tpu.memory_space<hbm>> -> memref<8704x1024xf32, #tpu.memory_space<hbm>>
    tpu.enqueue_indirect_dma source(%dma_start3A_21 : memref<8704x1024xf32, #tpu.memory_space<hbm>>) target(%arg7 : memref<64x1024xf32, #tpu.memory_space<vmem>>) offsets(%arg6 : memref<64xi32, #tpu.memory_space<vmem>>) semaphore(%arg8 : memref<!tpu.dma_semaphore, #tpu.memory_space<semaphore_mem>>)
    %dma_wait3A_22 = arith.constant 0 : i32
    %dma_wait3A_23 = arith.constant 0 : i32
    %dma_wait3A_24 = tpu.memref_slice %arg2[%dma_wait3A_22, %dma_wait3A_23] : memref<8704x1024xf32, #tpu.memory_space<hbm>> -> memref<8704x1024xf32, #tpu.memory_space<hbm>>
    tpu.wait_indirect_dma semaphore(%arg8 : memref<!tpu.dma_semaphore, #tpu.memory_space<semaphore_mem>>) src(%dma_wait3A_24 : memref<8704x1024xf32, #tpu.memory_space<hbm>>) dst(%arg7 : memref<64x1024xf32, #tpu.memory_space<vmem>>)
    "tpu.region"() ({
      %run_scoped3A = tpu.sem_alloc : memref<!tpu.dma_semaphore, #tpu.memory_space<semaphore_mem>>
      %dma_start3A_65 = arith.constant 0 : i32
      %dma_start3A_66 = tpu.memref_slice %arg5[%add3A_18, %dma_start3A_65] : memref<16384x1024xf32, #tpu.memory_space<hbm>> -> memref<64x1024xf32, #tpu.memory_space<hbm>>
      %dma_start3A_67 = arith.constant 0 : i32
      %dma_start3A_68 = tpu.memref_slice %arg5[%add3A_18, %dma_start3A_67] : memref<16384x1024xf32, #tpu.memory_space<hbm>> -> memref<64x1024xf32, #tpu.memory_space<hbm>>
      tpu.enqueue_dma source(%arg7 : memref<64x1024xf32, #tpu.memory_space<vmem>>) target(%dma_start3A_68 : memref<64x1024xf32, #tpu.memory_space<hbm>>) target_semaphore(%run_scoped3A : memref<!tpu.dma_semaphore, #tpu.memory_space<semaphore_mem>>)
      %dma_wait3A_69 = arith.constant 0 : i32
      %dma_wait3A_70 = tpu.memref_slice %arg5[%add3A_18, %dma_wait3A_69] : memref<16384x1024xf32, #tpu.memory_space<hbm>> -> memref<64x1024xf32, #tpu.memory_space<hbm>>
      %dma_wait3A_71 = arith.constant 0 : i32
      %dma_wait3A_72 = tpu.memref_slice %arg5[%add3A_18, %dma_wait3A_71] : memref<16384x1024xf32, #tpu.memory_space<hbm>> -> memref<64x1024xf32, #tpu.memory_space<hbm>>
      tpu.wait_dma2 semaphore(%run_scoped3A : memref<!tpu.dma_semaphore, #tpu.memory_space<semaphore_mem>>) src(%arg7 : memref<64x1024xf32, #tpu.memory_space<vmem>>) dst(%dma_wait3A_72 : memref<64x1024xf32, #tpu.memory_space<hbm>>)
      tpu.yield
    }) : () -> ()
    %add3A_25 = arith.constant 192 : i32
    %add3A_26 = arith.addi %mul3A_2, %add3A_25 : i32
    "tpu.region"() ({
      %run_scoped3A = tpu.sem_alloc : memref<!tpu.dma_semaphore, #tpu.memory_space<semaphore_mem>>
      %dma_start3A_65 = tpu.memref_slice %arg3[%add3A_26] : memref<16384xi32, #tpu.memory_space<hbm>> -> memref<64xi32, #tpu.memory_space<hbm>>
      %dma_start3A_66 = tpu.memref_slice %arg3[%add3A_26] : memref<16384xi32, #tpu.memory_space<hbm>> -> memref<64xi32, #tpu.memory_space<hbm>>
      tpu.enqueue_dma source(%dma_start3A_66 : memref<64xi32, #tpu.memory_space<hbm>>) target(%arg6 : memref<64xi32, #tpu.memory_space<vmem>>) target_semaphore(%run_scoped3A : memref<!tpu.dma_semaphore, #tpu.memory_space<semaphore_mem>>)
      %dma_wait3A_67 = tpu.memref_slice %arg3[%add3A_26] : memref<16384xi32, #tpu.memory_space<hbm>> -> memref<64xi32, #tpu.memory_space<hbm>>
      %dma_wait3A_68 = tpu.memref_slice %arg3[%add3A_26] : memref<16384xi32, #tpu.memory_space<hbm>> -> memref<64xi32, #tpu.memory_space<hbm>>
      tpu.wait_dma2 semaphore(%run_scoped3A : memref<!tpu.dma_semaphore, #tpu.memory_space<semaphore_mem>>) src(%dma_wait3A_68 : memref<64xi32, #tpu.memory_space<hbm>>) dst(%arg6 : memref<64xi32, #tpu.memory_space<vmem>>)
      tpu.yield
    }) : () -> ()
    %dma_start3A_27 = arith.constant 0 : i32
    %dma_start3A_28 = arith.constant 0 : i32
    %dma_start3A_29 = tpu.memref_slice %arg2[%dma_start3A_27, %dma_start3A_28] : memref<8704x1024xf32, #tpu.memory_space<hbm>> -> memref<8704x1024xf32, #tpu.memory_space<hbm>>
    tpu.enqueue_indirect_dma source(%dma_start3A_29 : memref<8704x1024xf32, #tpu.memory_space<hbm>>) target(%arg7 : memref<64x1024xf32, #tpu.memory_space<vmem>>) offsets(%arg6 : memref<64xi32, #tpu.memory_space<vmem>>) semaphore(%arg8 : memref<!tpu.dma_semaphore, #tpu.memory_space<semaphore_mem>>)
    %dma_wait3A_30 = arith.constant 0 : i32
    %dma_wait3A_31 = arith.constant 0 : i32
    %dma_wait3A_32 = tpu.memref_slice %arg2[%dma_wait3A_30, %dma_wait3A_31] : memref<8704x1024xf32, #tpu.memory_space<hbm>> -> memref<8704x1024xf32, #tpu.memory_space<hbm>>
    tpu.wait_indirect_dma semaphore(%arg8 : memref<!tpu.dma_semaphore, #tpu.memory_space<semaphore_mem>>) src(%dma_wait3A_32 : memref<8704x1024xf32, #tpu.memory_space<hbm>>) dst(%arg7 : memref<64x1024xf32, #tpu.memory_space<vmem>>)
    "tpu.region"() ({
      %run_scoped3A = tpu.sem_alloc : memref<!tpu.dma_semaphore, #tpu.memory_space<semaphore_mem>>
      %dma_start3A_65 = arith.constant 0 : i32
      %dma_start3A_66 = tpu.memref_slice %arg5[%add3A_26, %dma_start3A_65] : memref<16384x1024xf32, #tpu.memory_space<hbm>> -> memref<64x1024xf32, #tpu.memory_space<hbm>>
      %dma_start3A_67 = arith.constant 0 : i32
      %dma_start3A_68 = tpu.memref_slice %arg5[%add3A_26, %dma_start3A_67] : memref<16384x1024xf32, #tpu.memory_space<hbm>> -> memref<64x1024xf32, #tpu.memory_space<hbm>>
      tpu.enqueue_dma source(%arg7 : memref<64x1024xf32, #tpu.memory_space<vmem>>) target(%dma_start3A_68 : memref<64x1024xf32, #tpu.memory_space<hbm>>) target_semaphore(%run_scoped3A : memref<!tpu.dma_semaphore, #tpu.memory_space<semaphore_mem>>)
      %dma_wait3A_69 = arith.constant 0 : i32
      %dma_wait3A_70 = tpu.memref_slice %arg5[%add3A_26, %dma_wait3A_69] : memref<16384x1024xf32, #tpu.memory_space<hbm>> -> memref<64x1024xf32, #tpu.memory_space<hbm>>
      %dma_wait3A_71 = arith.constant 0 : i32
      %dma_wait3A_72 = tpu.memref_slice %arg5[%add3A_26, %dma_wait3A_71] : memref<16384x1024xf32, #tpu.memory_space<hbm>> -> memref<64x1024xf32, #tpu.memory_space<hbm>>
      tpu.wait_dma2 semaphore(%run_scoped3A : memref<!tpu.dma_semaphore, #tpu.memory_space<semaphore_mem>>) src(%arg7 : memref<64x1024xf32, #tpu.memory_space<vmem>>) dst(%dma_wait3A_72 : memref<64x1024xf32, #tpu.memory_space<hbm>>)
      tpu.yield
    }) : () -> ()
    %add3A_33 = arith.constant 256 : i32
    %add3A_34 = arith.addi %mul3A_2, %add3A_33 : i32
    "tpu.region"() ({
      %run_scoped3A = tpu.sem_alloc : memref<!tpu.dma_semaphore, #tpu.memory_space<semaphore_mem>>
      %dma_start3A_65 = tpu.memref_slice %arg3[%add3A_34] : memref<16384xi32, #tpu.memory_space<hbm>> -> memref<64xi32, #tpu.memory_space<hbm>>
      %dma_start3A_66 = tpu.memref_slice %arg3[%add3A_34] : memref<16384xi32, #tpu.memory_space<hbm>> -> memref<64xi32, #tpu.memory_space<hbm>>
      tpu.enqueue_dma source(%dma_start3A_66 : memref<64xi32, #tpu.memory_space<hbm>>) target(%arg6 : memref<64xi32, #tpu.memory_space<vmem>>) target_semaphore(%run_scoped3A : memref<!tpu.dma_semaphore, #tpu.memory_space<semaphore_mem>>)
      %dma_wait3A_67 = tpu.memref_slice %arg3[%add3A_34] : memref<16384xi32, #tpu.memory_space<hbm>> -> memref<64xi32, #tpu.memory_space<hbm>>
      %dma_wait3A_68 = tpu.memref_slice %arg3[%add3A_34] : memref<16384xi32, #tpu.memory_space<hbm>> -> memref<64xi32, #tpu.memory_space<hbm>>
      tpu.wait_dma2 semaphore(%run_scoped3A : memref<!tpu.dma_semaphore, #tpu.memory_space<semaphore_mem>>) src(%dma_wait3A_68 : memref<64xi32, #tpu.memory_space<hbm>>) dst(%arg6 : memref<64xi32, #tpu.memory_space<vmem>>)
      tpu.yield
    }) : () -> ()
    %dma_start3A_35 = arith.constant 0 : i32
    %dma_start3A_36 = arith.constant 0 : i32
    %dma_start3A_37 = tpu.memref_slice %arg2[%dma_start3A_35, %dma_start3A_36] : memref<8704x1024xf32, #tpu.memory_space<hbm>> -> memref<8704x1024xf32, #tpu.memory_space<hbm>>
    tpu.enqueue_indirect_dma source(%dma_start3A_37 : memref<8704x1024xf32, #tpu.memory_space<hbm>>) target(%arg7 : memref<64x1024xf32, #tpu.memory_space<vmem>>) offsets(%arg6 : memref<64xi32, #tpu.memory_space<vmem>>) semaphore(%arg8 : memref<!tpu.dma_semaphore, #tpu.memory_space<semaphore_mem>>)
    %dma_wait3A_38 = arith.constant 0 : i32
    %dma_wait3A_39 = arith.constant 0 : i32
    %dma_wait3A_40 = tpu.memref_slice %arg2[%dma_wait3A_38, %dma_wait3A_39] : memref<8704x1024xf32, #tpu.memory_space<hbm>> -> memref<8704x1024xf32, #tpu.memory_space<hbm>>
    tpu.wait_indirect_dma semaphore(%arg8 : memref<!tpu.dma_semaphore, #tpu.memory_space<semaphore_mem>>) src(%dma_wait3A_40 : memref<8704x1024xf32, #tpu.memory_space<hbm>>) dst(%arg7 : memref<64x1024xf32, #tpu.memory_space<vmem>>)
    "tpu.region"() ({
      %run_scoped3A = tpu.sem_alloc : memref<!tpu.dma_semaphore, #tpu.memory_space<semaphore_mem>>
      %dma_start3A_65 = arith.constant 0 : i32
      %dma_start3A_66 = tpu.memref_slice %arg5[%add3A_34, %dma_start3A_65] : memref<16384x1024xf32, #tpu.memory_space<hbm>> -> memref<64x1024xf32, #tpu.memory_space<hbm>>
      %dma_start3A_67 = arith.constant 0 : i32
      %dma_start3A_68 = tpu.memref_slice %arg5[%add3A_34, %dma_start3A_67] : memref<16384x1024xf32, #tpu.memory_space<hbm>> -> memref<64x1024xf32, #tpu.memory_space<hbm>>
      tpu.enqueue_dma source(%arg7 : memref<64x1024xf32, #tpu.memory_space<vmem>>) target(%dma_start3A_68 : memref<64x1024xf32, #tpu.memory_space<hbm>>) target_semaphore(%run_scoped3A : memref<!tpu.dma_semaphore, #tpu.memory_space<semaphore_mem>>)
      %dma_wait3A_69 = arith.constant 0 : i32
      %dma_wait3A_70 = tpu.memref_slice %arg5[%add3A_34, %dma_wait3A_69] : memref<16384x1024xf32, #tpu.memory_space<hbm>> -> memref<64x1024xf32, #tpu.memory_space<hbm>>
      %dma_wait3A_71 = arith.constant 0 : i32
      %dma_wait3A_72 = tpu.memref_slice %arg5[%add3A_34, %dma_wait3A_71] : memref<16384x1024xf32, #tpu.memory_space<hbm>> -> memref<64x1024xf32, #tpu.memory_space<hbm>>
      tpu.wait_dma2 semaphore(%run_scoped3A : memref<!tpu.dma_semaphore, #tpu.memory_space<semaphore_mem>>) src(%arg7 : memref<64x1024xf32, #tpu.memory_space<vmem>>) dst(%dma_wait3A_72 : memref<64x1024xf32, #tpu.memory_space<hbm>>)
      tpu.yield
    }) : () -> ()
    %add3A_41 = arith.constant 320 : i32
    %add3A_42 = arith.addi %mul3A_2, %add3A_41 : i32
    "tpu.region"() ({
      %run_scoped3A = tpu.sem_alloc : memref<!tpu.dma_semaphore, #tpu.memory_space<semaphore_mem>>
      %dma_start3A_65 = tpu.memref_slice %arg3[%add3A_42] : memref<16384xi32, #tpu.memory_space<hbm>> -> memref<64xi32, #tpu.memory_space<hbm>>
      %dma_start3A_66 = tpu.memref_slice %arg3[%add3A_42] : memref<16384xi32, #tpu.memory_space<hbm>> -> memref<64xi32, #tpu.memory_space<hbm>>
      tpu.enqueue_dma source(%dma_start3A_66 : memref<64xi32, #tpu.memory_space<hbm>>) target(%arg6 : memref<64xi32, #tpu.memory_space<vmem>>) target_semaphore(%run_scoped3A : memref<!tpu.dma_semaphore, #tpu.memory_space<semaphore_mem>>)
      %dma_wait3A_67 = tpu.memref_slice %arg3[%add3A_42] : memref<16384xi32, #tpu.memory_space<hbm>> -> memref<64xi32, #tpu.memory_space<hbm>>
      %dma_wait3A_68 = tpu.memref_slice %arg3[%add3A_42] : memref<16384xi32, #tpu.memory_space<hbm>> -> memref<64xi32, #tpu.memory_space<hbm>>
      tpu.wait_dma2 semaphore(%run_scoped3A : memref<!tpu.dma_semaphore, #tpu.memory_space<semaphore_mem>>) src(%dma_wait3A_68 : memref<64xi32, #tpu.memory_space<hbm>>) dst(%arg6 : memref<64xi32, #tpu.memory_space<vmem>>)
      tpu.yield
    }) : () -> ()
    %dma_start3A_43 = arith.constant 0 : i32
    %dma_start3A_44 = arith.constant 0 : i32
    %dma_start3A_45 = tpu.memref_slice %arg2[%dma_start3A_43, %dma_start3A_44] : memref<8704x1024xf32, #tpu.memory_space<hbm>> -> memref<8704x1024xf32, #tpu.memory_space<hbm>>
    tpu.enqueue_indirect_dma source(%dma_start3A_45 : memref<8704x1024xf32, #tpu.memory_space<hbm>>) target(%arg7 : memref<64x1024xf32, #tpu.memory_space<vmem>>) offsets(%arg6 : memref<64xi32, #tpu.memory_space<vmem>>) semaphore(%arg8 : memref<!tpu.dma_semaphore, #tpu.memory_space<semaphore_mem>>)
    %dma_wait3A_46 = arith.constant 0 : i32
    %dma_wait3A_47 = arith.constant 0 : i32
    %dma_wait3A_48 = tpu.memref_slice %arg2[%dma_wait3A_46, %dma_wait3A_47] : memref<8704x1024xf32, #tpu.memory_space<hbm>> -> memref<8704x1024xf32, #tpu.memory_space<hbm>>
    tpu.wait_indirect_dma semaphore(%arg8 : memref<!tpu.dma_semaphore, #tpu.memory_space<semaphore_mem>>) src(%dma_wait3A_48 : memref<8704x1024xf32, #tpu.memory_space<hbm>>) dst(%arg7 : memref<64x1024xf32, #tpu.memory_space<vmem>>)
    "tpu.region"() ({
      %run_scoped3A = tpu.sem_alloc : memref<!tpu.dma_semaphore, #tpu.memory_space<semaphore_mem>>
      %dma_start3A_65 = arith.constant 0 : i32
      %dma_start3A_66 = tpu.memref_slice %arg5[%add3A_42, %dma_start3A_65] : memref<16384x1024xf32, #tpu.memory_space<hbm>> -> memref<64x1024xf32, #tpu.memory_space<hbm>>
      %dma_start3A_67 = arith.constant 0 : i32
      %dma_start3A_68 = tpu.memref_slice %arg5[%add3A_42, %dma_start3A_67] : memref<16384x1024xf32, #tpu.memory_space<hbm>> -> memref<64x1024xf32, #tpu.memory_space<hbm>>
      tpu.enqueue_dma source(%arg7 : memref<64x1024xf32, #tpu.memory_space<vmem>>) target(%dma_start3A_68 : memref<64x1024xf32, #tpu.memory_space<hbm>>) target_semaphore(%run_scoped3A : memref<!tpu.dma_semaphore, #tpu.memory_space<semaphore_mem>>)
      %dma_wait3A_69 = arith.constant 0 : i32
      %dma_wait3A_70 = tpu.memref_slice %arg5[%add3A_42, %dma_wait3A_69] : memref<16384x1024xf32, #tpu.memory_space<hbm>> -> memref<64x1024xf32, #tpu.memory_space<hbm>>
      %dma_wait3A_71 = arith.constant 0 : i32
      %dma_wait3A_72 = tpu.memref_slice %arg5[%add3A_42, %dma_wait3A_71] : memref<16384x1024xf32, #tpu.memory_space<hbm>> -> memref<64x1024xf32, #tpu.memory_space<hbm>>
      tpu.wait_dma2 semaphore(%run_scoped3A : memref<!tpu.dma_semaphore, #tpu.memory_space<semaphore_mem>>) src(%arg7 : memref<64x1024xf32, #tpu.memory_space<vmem>>) dst(%dma_wait3A_72 : memref<64x1024xf32, #tpu.memory_space<hbm>>)
      tpu.yield
    }) : () -> ()
    %add3A_49 = arith.constant 384 : i32
    %add3A_50 = arith.addi %mul3A_2, %add3A_49 : i32
    "tpu.region"() ({
      %run_scoped3A = tpu.sem_alloc : memref<!tpu.dma_semaphore, #tpu.memory_space<semaphore_mem>>
      %dma_start3A_65 = tpu.memref_slice %arg3[%add3A_50] : memref<16384xi32, #tpu.memory_space<hbm>> -> memref<64xi32, #tpu.memory_space<hbm>>
      %dma_start3A_66 = tpu.memref_slice %arg3[%add3A_50] : memref<16384xi32, #tpu.memory_space<hbm>> -> memref<64xi32, #tpu.memory_space<hbm>>
      tpu.enqueue_dma source(%dma_start3A_66 : memref<64xi32, #tpu.memory_space<hbm>>) target(%arg6 : memref<64xi32, #tpu.memory_space<vmem>>) target_semaphore(%run_scoped3A : memref<!tpu.dma_semaphore, #tpu.memory_space<semaphore_mem>>)
      %dma_wait3A_67 = tpu.memref_slice %arg3[%add3A_50] : memref<16384xi32, #tpu.memory_space<hbm>> -> memref<64xi32, #tpu.memory_space<hbm>>
      %dma_wait3A_68 = tpu.memref_slice %arg3[%add3A_50] : memref<16384xi32, #tpu.memory_space<hbm>> -> memref<64xi32, #tpu.memory_space<hbm>>
      tpu.wait_dma2 semaphore(%run_scoped3A : memref<!tpu.dma_semaphore, #tpu.memory_space<semaphore_mem>>) src(%dma_wait3A_68 : memref<64xi32, #tpu.memory_space<hbm>>) dst(%arg6 : memref<64xi32, #tpu.memory_space<vmem>>)
      tpu.yield
    }) : () -> ()
    %dma_start3A_51 = arith.constant 0 : i32
    %dma_start3A_52 = arith.constant 0 : i32
    %dma_start3A_53 = tpu.memref_slice %arg2[%dma_start3A_51, %dma_start3A_52] : memref<8704x1024xf32, #tpu.memory_space<hbm>> -> memref<8704x1024xf32, #tpu.memory_space<hbm>>
    tpu.enqueue_indirect_dma source(%dma_start3A_53 : memref<8704x1024xf32, #tpu.memory_space<hbm>>) target(%arg7 : memref<64x1024xf32, #tpu.memory_space<vmem>>) offsets(%arg6 : memref<64xi32, #tpu.memory_space<vmem>>) semaphore(%arg8 : memref<!tpu.dma_semaphore, #tpu.memory_space<semaphore_mem>>)
    %dma_wait3A_54 = arith.constant 0 : i32
    %dma_wait3A_55 = arith.constant 0 : i32
    %dma_wait3A_56 = tpu.memref_slice %arg2[%dma_wait3A_54, %dma_wait3A_55] : memref<8704x1024xf32, #tpu.memory_space<hbm>> -> memref<8704x1024xf32, #tpu.memory_space<hbm>>
    tpu.wait_indirect_dma semaphore(%arg8 : memref<!tpu.dma_semaphore, #tpu.memory_space<semaphore_mem>>) src(%dma_wait3A_56 : memref<8704x1024xf32, #tpu.memory_space<hbm>>) dst(%arg7 : memref<64x1024xf32, #tpu.memory_space<vmem>>)
    "tpu.region"() ({
      %run_scoped3A = tpu.sem_alloc : memref<!tpu.dma_semaphore, #tpu.memory_space<semaphore_mem>>
      %dma_start3A_65 = arith.constant 0 : i32
      %dma_start3A_66 = tpu.memref_slice %arg5[%add3A_50, %dma_start3A_65] : memref<16384x1024xf32, #tpu.memory_space<hbm>> -> memref<64x1024xf32, #tpu.memory_space<hbm>>
      %dma_start3A_67 = arith.constant 0 : i32
      %dma_start3A_68 = tpu.memref_slice %arg5[%add3A_50, %dma_start3A_67] : memref<16384x1024xf32, #tpu.memory_space<hbm>> -> memref<64x1024xf32, #tpu.memory_space<hbm>>
      tpu.enqueue_dma source(%arg7 : memref<64x1024xf32, #tpu.memory_space<vmem>>) target(%dma_start3A_68 : memref<64x1024xf32, #tpu.memory_space<hbm>>) target_semaphore(%run_scoped3A : memref<!tpu.dma_semaphore, #tpu.memory_space<semaphore_mem>>)
      %dma_wait3A_69 = arith.constant 0 : i32
      %dma_wait3A_70 = tpu.memref_slice %arg5[%add3A_50, %dma_wait3A_69] : memref<16384x1024xf32, #tpu.memory_space<hbm>> -> memref<64x1024xf32, #tpu.memory_space<hbm>>
      %dma_wait3A_71 = arith.constant 0 : i32
      %dma_wait3A_72 = tpu.memref_slice %arg5[%add3A_50, %dma_wait3A_71] : memref<16384x1024xf32, #tpu.memory_space<hbm>> -> memref<64x1024xf32, #tpu.memory_space<hbm>>
      tpu.wait_dma2 semaphore(%run_scoped3A : memref<!tpu.dma_semaphore, #tpu.memory_space<semaphore_mem>>) src(%arg7 : memref<64x1024xf32, #tpu.memory_space<vmem>>) dst(%dma_wait3A_72 : memref<64x1024xf32, #tpu.memory_space<hbm>>)
      tpu.yield
    }) : () -> ()
    %add3A_57 = arith.constant 448 : i32
    %add3A_58 = arith.addi %mul3A_2, %add3A_57 : i32
    "tpu.region"() ({
      %run_scoped3A = tpu.sem_alloc : memref<!tpu.dma_semaphore, #tpu.memory_space<semaphore_mem>>
      %dma_start3A_65 = tpu.memref_slice %arg3[%add3A_58] : memref<16384xi32, #tpu.memory_space<hbm>> -> memref<64xi32, #tpu.memory_space<hbm>>
      %dma_start3A_66 = tpu.memref_slice %arg3[%add3A_58] : memref<16384xi32, #tpu.memory_space<hbm>> -> memref<64xi32, #tpu.memory_space<hbm>>
      tpu.enqueue_dma source(%dma_start3A_66 : memref<64xi32, #tpu.memory_space<hbm>>) target(%arg6 : memref<64xi32, #tpu.memory_space<vmem>>) target_semaphore(%run_scoped3A : memref<!tpu.dma_semaphore, #tpu.memory_space<semaphore_mem>>)
      %dma_wait3A_67 = tpu.memref_slice %arg3[%add3A_58] : memref<16384xi32, #tpu.memory_space<hbm>> -> memref<64xi32, #tpu.memory_space<hbm>>
      %dma_wait3A_68 = tpu.memref_slice %arg3[%add3A_58] : memref<16384xi32, #tpu.memory_space<hbm>> -> memref<64xi32, #tpu.memory_space<hbm>>
      tpu.wait_dma2 semaphore(%run_scoped3A : memref<!tpu.dma_semaphore, #tpu.memory_space<semaphore_mem>>) src(%dma_wait3A_68 : memref<64xi32, #tpu.memory_space<hbm>>) dst(%arg6 : memref<64xi32, #tpu.memory_space<vmem>>)
      tpu.yield
    }) : () -> ()
    %dma_start3A_59 = arith.constant 0 : i32
    %dma_start3A_60 = arith.constant 0 : i32
    %dma_start3A_61 = tpu.memref_slice %arg2[%dma_start3A_59, %dma_start3A_60] : memref<8704x1024xf32, #tpu.memory_space<hbm>> -> memref<8704x1024xf32, #tpu.memory_space<hbm>>
    tpu.enqueue_indirect_dma source(%dma_start3A_61 : memref<8704x1024xf32, #tpu.memory_space<hbm>>) target(%arg7 : memref<64x1024xf32, #tpu.memory_space<vmem>>) offsets(%arg6 : memref<64xi32, #tpu.memory_space<vmem>>) semaphore(%arg8 : memref<!tpu.dma_semaphore, #tpu.memory_space<semaphore_mem>>)
    %dma_wait3A_62 = arith.constant 0 : i32
    %dma_wait3A_63 = arith.constant 0 : i32
    %dma_wait3A_64 = tpu.memref_slice %arg2[%dma_wait3A_62, %dma_wait3A_63] : memref<8704x1024xf32, #tpu.memory_space<hbm>> -> memref<8704x1024xf32, #tpu.memory_space<hbm>>
    tpu.wait_indirect_dma semaphore(%arg8 : memref<!tpu.dma_semaphore, #tpu.memory_space<semaphore_mem>>) src(%dma_wait3A_64 : memref<8704x1024xf32, #tpu.memory_space<hbm>>) dst(%arg7 : memref<64x1024xf32, #tpu.memory_space<vmem>>)
    "tpu.region"() ({
      %run_scoped3A = tpu.sem_alloc : memref<!tpu.dma_semaphore, #tpu.memory_space<semaphore_mem>>
      %dma_start3A_65 = arith.constant 0 : i32
      %dma_start3A_66 = tpu.memref_slice %arg5[%add3A_58, %dma_start3A_65] : memref<16384x1024xf32, #tpu.memory_space<hbm>> -> memref<64x1024xf32, #tpu.memory_space<hbm>>
      %dma_start3A_67 = arith.constant 0 : i32
      %dma_start3A_68 = tpu.memref_slice %arg5[%add3A_58, %dma_start3A_67] : memref<16384x1024xf32, #tpu.memory_space<hbm>> -> memref<64x1024xf32, #tpu.memory_space<hbm>>
      tpu.enqueue_dma source(%arg7 : memref<64x1024xf32, #tpu.memory_space<vmem>>) target(%dma_start3A_68 : memref<64x1024xf32, #tpu.memory_space<hbm>>) target_semaphore(%run_scoped3A : memref<!tpu.dma_semaphore, #tpu.memory_space<semaphore_mem>>)
      %dma_wait3A_69 = arith.constant 0 : i32
      %dma_wait3A_70 = tpu.memref_slice %arg5[%add3A_58, %dma_wait3A_69] : memref<16384x1024xf32, #tpu.memory_space<hbm>> -> memref<64x1024xf32, #tpu.memory_space<hbm>>
      %dma_wait3A_71 = arith.constant 0 : i32
      %dma_wait3A_72 = tpu.memref_slice %arg5[%add3A_58, %dma_wait3A_71] : memref<16384x1024xf32, #tpu.memory_space<hbm>> -> memref<64x1024xf32, #tpu.memory_space<hbm>>
      tpu.wait_dma2 semaphore(%run_scoped3A : memref<!tpu.dma_semaphore, #tpu.memory_space<semaphore_mem>>) src(%arg7 : memref<64x1024xf32, #tpu.memory_space<vmem>>) dst(%dma_wait3A_72 : memref<64x1024xf32, #tpu.memory_space<hbm>>)
      tpu.yield
    }) : () -> ()
    return
  }
}

module attributes {stable_mosaic.version = 14 : i64} {
  func.func @_select_body(%arg0: memref<2x8192xf32, #tpu.memory_space<vmem>>, %arg1: memref<2x4096xi32, #tpu.memory_space<vmem>>, %arg2: memref<2x8192xi32, #tpu.memory_space<vmem>>) attributes {dimension_semantics = [], scalar_prefetch = 0 : i64, scratch_operands = 0 : i64, tpu.core_type = #tpu.core_type<tc>} {
    %get3A = arith.constant 0 : index
    %get3A_0 = arith.constant 0 : index
    %get3A_1 = vector.load %arg0[%get3A, %get3A_0] : memref<2x8192xf32, #tpu.memory_space<vmem>>, vector<2x8192xf32>
    %add3A = arith.constant 0.000000e+00 : f32
    %add3A_2 = vector.broadcast %add3A : f32 to vector<2x8192xf32>
    %add3A_3 = arith.addf %get3A_1, %add3A_2 : vector<2x8192xf32>
    %bitcast_convert_type3A = tpu.bitcast %add3A_3 : vector<2x8192xf32> -> vector<2x8192xi32>
    %ge3A = arith.constant 0 : i32
    %ge3A_4 = vector.broadcast %ge3A : i32 to vector<2x8192xi32>
    %ge3A_5 = arith.cmpi sge, %bitcast_convert_type3A, %ge3A_4 : vector<2x8192xi32>
    %xor3A = arith.constant 2147483647 : i32
    %xor3A_6 = vector.broadcast %xor3A : i32 to vector<2x8192xi32>
    %xor3A_7 = arith.xori %bitcast_convert_type3A, %xor3A_6 : vector<2x8192xi32>
    %select_n3A = arith.select %ge3A_5, %bitcast_convert_type3A, %xor3A_7 : vector<2x8192xi1>, vector<2x8192xi32>
    %xor3A_8 = arith.constant -2147483648 : i32
    %xor3A_9 = vector.broadcast %xor3A_8 : i32 to vector<2x8192xi32>
    %xor3A_10 = arith.xori %select_n3A, %xor3A_9 : vector<2x8192xi32>
    %bitcast_convert_type3A_11 = tpu.bitcast %xor3A_10 : vector<2x8192xi32> -> vector<2x8192xi32>
    %broadcast_in_dim3A = arith.constant 0 : i32
    %broadcast_in_dim3A_12 = vector.broadcast %broadcast_in_dim3A : i32 to vector<2x1xi32>
    %or3A = arith.constant -2147483648 : i32
    %or3A_13 = vector.broadcast %or3A : i32 to vector<2x1xi32>
    %or3A_14 = arith.ori %broadcast_in_dim3A_12, %or3A_13 : vector<2x1xi32>
    %ge3A_15 = vector.broadcast %or3A_14 : vector<2x1xi32> to vector<2x8192xi32>
    %ge3A_16 = arith.cmpi uge, %bitcast_convert_type3A_11, %ge3A_15 : vector<2x8192xi32>
    %convert_element_type3A = arith.extui %ge3A_16 : vector<2x8192xi1> to vector<2x8192xi32>
    %reduce_sum3A = arith.constant dense<0> : vector<2xi32>
    %reduce_sum3A_17 = vector.multi_reduction <add>, %convert_element_type3A, %reduce_sum3A [1] : vector<2x8192xi32> to vector<2xi32>
    %broadcast_in_dim3A_18 = vector.shape_cast %reduce_sum3A_17 : vector<2xi32> to vector<2x1xi32>
    %ge3A_19 = arith.constant 4096 : i32
    %ge3A_20 = vector.broadcast %ge3A_19 : i32 to vector<2x1xi32>
    %ge3A_21 = arith.cmpi sge, %broadcast_in_dim3A_18, %ge3A_20 : vector<2x1xi32>
    %select_n3A_22 = arith.select %ge3A_21, %or3A_14, %broadcast_in_dim3A_12 : vector<2x1xi1>, vector<2x1xi32>
    %or3A_23 = arith.constant 1073741824 : i32
    %or3A_24 = vector.broadcast %or3A_23 : i32 to vector<2x1xi32>
    %or3A_25 = arith.ori %select_n3A_22, %or3A_24 : vector<2x1xi32>
    %ge3A_26 = vector.broadcast %or3A_25 : vector<2x1xi32> to vector<2x8192xi32>
    %ge3A_27 = arith.cmpi uge, %bitcast_convert_type3A_11, %ge3A_26 : vector<2x8192xi32>
    %convert_element_type3A_28 = arith.extui %ge3A_27 : vector<2x8192xi1> to vector<2x8192xi32>
    %reduce_sum3A_29 = arith.constant dense<0> : vector<2xi32>
    %reduce_sum3A_30 = vector.multi_reduction <add>, %convert_element_type3A_28, %reduce_sum3A_29 [1] : vector<2x8192xi32> to vector<2xi32>
    %broadcast_in_dim3A_31 = vector.shape_cast %reduce_sum3A_30 : vector<2xi32> to vector<2x1xi32>
    %ge3A_32 = arith.constant 4096 : i32
    %ge3A_33 = vector.broadcast %ge3A_32 : i32 to vector<2x1xi32>
    %ge3A_34 = arith.cmpi sge, %broadcast_in_dim3A_31, %ge3A_33 : vector<2x1xi32>
    %select_n3A_35 = arith.select %ge3A_34, %or3A_25, %select_n3A_22 : vector<2x1xi1>, vector<2x1xi32>
    %or3A_36 = arith.constant 536870912 : i32
    %or3A_37 = vector.broadcast %or3A_36 : i32 to vector<2x1xi32>
    %or3A_38 = arith.ori %select_n3A_35, %or3A_37 : vector<2x1xi32>
    %ge3A_39 = vector.broadcast %or3A_38 : vector<2x1xi32> to vector<2x8192xi32>
    %ge3A_40 = arith.cmpi uge, %bitcast_convert_type3A_11, %ge3A_39 : vector<2x8192xi32>
    %convert_element_type3A_41 = arith.extui %ge3A_40 : vector<2x8192xi1> to vector<2x8192xi32>
    %reduce_sum3A_42 = arith.constant dense<0> : vector<2xi32>
    %reduce_sum3A_43 = vector.multi_reduction <add>, %convert_element_type3A_41, %reduce_sum3A_42 [1] : vector<2x8192xi32> to vector<2xi32>
    %broadcast_in_dim3A_44 = vector.shape_cast %reduce_sum3A_43 : vector<2xi32> to vector<2x1xi32>
    %ge3A_45 = arith.constant 4096 : i32
    %ge3A_46 = vector.broadcast %ge3A_45 : i32 to vector<2x1xi32>
    %ge3A_47 = arith.cmpi sge, %broadcast_in_dim3A_44, %ge3A_46 : vector<2x1xi32>
    %select_n3A_48 = arith.select %ge3A_47, %or3A_38, %select_n3A_35 : vector<2x1xi1>, vector<2x1xi32>
    %or3A_49 = arith.constant 268435456 : i32
    %or3A_50 = vector.broadcast %or3A_49 : i32 to vector<2x1xi32>
    %or3A_51 = arith.ori %select_n3A_48, %or3A_50 : vector<2x1xi32>
    %ge3A_52 = vector.broadcast %or3A_51 : vector<2x1xi32> to vector<2x8192xi32>
    %ge3A_53 = arith.cmpi uge, %bitcast_convert_type3A_11, %ge3A_52 : vector<2x8192xi32>
    %convert_element_type3A_54 = arith.extui %ge3A_53 : vector<2x8192xi1> to vector<2x8192xi32>
    %reduce_sum3A_55 = arith.constant dense<0> : vector<2xi32>
    %reduce_sum3A_56 = vector.multi_reduction <add>, %convert_element_type3A_54, %reduce_sum3A_55 [1] : vector<2x8192xi32> to vector<2xi32>
    %broadcast_in_dim3A_57 = vector.shape_cast %reduce_sum3A_56 : vector<2xi32> to vector<2x1xi32>
    %ge3A_58 = arith.constant 4096 : i32
    %ge3A_59 = vector.broadcast %ge3A_58 : i32 to vector<2x1xi32>
    %ge3A_60 = arith.cmpi sge, %broadcast_in_dim3A_57, %ge3A_59 : vector<2x1xi32>
    %select_n3A_61 = arith.select %ge3A_60, %or3A_51, %select_n3A_48 : vector<2x1xi1>, vector<2x1xi32>
    %or3A_62 = arith.constant 134217728 : i32
    %or3A_63 = vector.broadcast %or3A_62 : i32 to vector<2x1xi32>
    %or3A_64 = arith.ori %select_n3A_61, %or3A_63 : vector<2x1xi32>
    %ge3A_65 = vector.broadcast %or3A_64 : vector<2x1xi32> to vector<2x8192xi32>
    %ge3A_66 = arith.cmpi uge, %bitcast_convert_type3A_11, %ge3A_65 : vector<2x8192xi32>
    %convert_element_type3A_67 = arith.extui %ge3A_66 : vector<2x8192xi1> to vector<2x8192xi32>
    %reduce_sum3A_68 = arith.constant dense<0> : vector<2xi32>
    %reduce_sum3A_69 = vector.multi_reduction <add>, %convert_element_type3A_67, %reduce_sum3A_68 [1] : vector<2x8192xi32> to vector<2xi32>
    %broadcast_in_dim3A_70 = vector.shape_cast %reduce_sum3A_69 : vector<2xi32> to vector<2x1xi32>
    %ge3A_71 = arith.constant 4096 : i32
    %ge3A_72 = vector.broadcast %ge3A_71 : i32 to vector<2x1xi32>
    %ge3A_73 = arith.cmpi sge, %broadcast_in_dim3A_70, %ge3A_72 : vector<2x1xi32>
    %select_n3A_74 = arith.select %ge3A_73, %or3A_64, %select_n3A_61 : vector<2x1xi1>, vector<2x1xi32>
    %or3A_75 = arith.constant 67108864 : i32
    %or3A_76 = vector.broadcast %or3A_75 : i32 to vector<2x1xi32>
    %or3A_77 = arith.ori %select_n3A_74, %or3A_76 : vector<2x1xi32>
    %ge3A_78 = vector.broadcast %or3A_77 : vector<2x1xi32> to vector<2x8192xi32>
    %ge3A_79 = arith.cmpi uge, %bitcast_convert_type3A_11, %ge3A_78 : vector<2x8192xi32>
    %convert_element_type3A_80 = arith.extui %ge3A_79 : vector<2x8192xi1> to vector<2x8192xi32>
    %reduce_sum3A_81 = arith.constant dense<0> : vector<2xi32>
    %reduce_sum3A_82 = vector.multi_reduction <add>, %convert_element_type3A_80, %reduce_sum3A_81 [1] : vector<2x8192xi32> to vector<2xi32>
    %broadcast_in_dim3A_83 = vector.shape_cast %reduce_sum3A_82 : vector<2xi32> to vector<2x1xi32>
    %ge3A_84 = arith.constant 4096 : i32
    %ge3A_85 = vector.broadcast %ge3A_84 : i32 to vector<2x1xi32>
    %ge3A_86 = arith.cmpi sge, %broadcast_in_dim3A_83, %ge3A_85 : vector<2x1xi32>
    %select_n3A_87 = arith.select %ge3A_86, %or3A_77, %select_n3A_74 : vector<2x1xi1>, vector<2x1xi32>
    %or3A_88 = arith.constant 33554432 : i32
    %or3A_89 = vector.broadcast %or3A_88 : i32 to vector<2x1xi32>
    %or3A_90 = arith.ori %select_n3A_87, %or3A_89 : vector<2x1xi32>
    %ge3A_91 = vector.broadcast %or3A_90 : vector<2x1xi32> to vector<2x8192xi32>
    %ge3A_92 = arith.cmpi uge, %bitcast_convert_type3A_11, %ge3A_91 : vector<2x8192xi32>
    %convert_element_type3A_93 = arith.extui %ge3A_92 : vector<2x8192xi1> to vector<2x8192xi32>
    %reduce_sum3A_94 = arith.constant dense<0> : vector<2xi32>
    %reduce_sum3A_95 = vector.multi_reduction <add>, %convert_element_type3A_93, %reduce_sum3A_94 [1] : vector<2x8192xi32> to vector<2xi32>
    %broadcast_in_dim3A_96 = vector.shape_cast %reduce_sum3A_95 : vector<2xi32> to vector<2x1xi32>
    %ge3A_97 = arith.constant 4096 : i32
    %ge3A_98 = vector.broadcast %ge3A_97 : i32 to vector<2x1xi32>
    %ge3A_99 = arith.cmpi sge, %broadcast_in_dim3A_96, %ge3A_98 : vector<2x1xi32>
    %select_n3A_100 = arith.select %ge3A_99, %or3A_90, %select_n3A_87 : vector<2x1xi1>, vector<2x1xi32>
    %or3A_101 = arith.constant 16777216 : i32
    %or3A_102 = vector.broadcast %or3A_101 : i32 to vector<2x1xi32>
    %or3A_103 = arith.ori %select_n3A_100, %or3A_102 : vector<2x1xi32>
    %ge3A_104 = vector.broadcast %or3A_103 : vector<2x1xi32> to vector<2x8192xi32>
    %ge3A_105 = arith.cmpi uge, %bitcast_convert_type3A_11, %ge3A_104 : vector<2x8192xi32>
    %convert_element_type3A_106 = arith.extui %ge3A_105 : vector<2x8192xi1> to vector<2x8192xi32>
    %reduce_sum3A_107 = arith.constant dense<0> : vector<2xi32>
    %reduce_sum3A_108 = vector.multi_reduction <add>, %convert_element_type3A_106, %reduce_sum3A_107 [1] : vector<2x8192xi32> to vector<2xi32>
    %broadcast_in_dim3A_109 = vector.shape_cast %reduce_sum3A_108 : vector<2xi32> to vector<2x1xi32>
    %ge3A_110 = arith.constant 4096 : i32
    %ge3A_111 = vector.broadcast %ge3A_110 : i32 to vector<2x1xi32>
    %ge3A_112 = arith.cmpi sge, %broadcast_in_dim3A_109, %ge3A_111 : vector<2x1xi32>
    %select_n3A_113 = arith.select %ge3A_112, %or3A_103, %select_n3A_100 : vector<2x1xi1>, vector<2x1xi32>
    %or3A_114 = arith.constant 8388608 : i32
    %or3A_115 = vector.broadcast %or3A_114 : i32 to vector<2x1xi32>
    %or3A_116 = arith.ori %select_n3A_113, %or3A_115 : vector<2x1xi32>
    %ge3A_117 = vector.broadcast %or3A_116 : vector<2x1xi32> to vector<2x8192xi32>
    %ge3A_118 = arith.cmpi uge, %bitcast_convert_type3A_11, %ge3A_117 : vector<2x8192xi32>
    %convert_element_type3A_119 = arith.extui %ge3A_118 : vector<2x8192xi1> to vector<2x8192xi32>
    %reduce_sum3A_120 = arith.constant dense<0> : vector<2xi32>
    %reduce_sum3A_121 = vector.multi_reduction <add>, %convert_element_type3A_119, %reduce_sum3A_120 [1] : vector<2x8192xi32> to vector<2xi32>
    %broadcast_in_dim3A_122 = vector.shape_cast %reduce_sum3A_121 : vector<2xi32> to vector<2x1xi32>
    %ge3A_123 = arith.constant 4096 : i32
    %ge3A_124 = vector.broadcast %ge3A_123 : i32 to vector<2x1xi32>
    %ge3A_125 = arith.cmpi sge, %broadcast_in_dim3A_122, %ge3A_124 : vector<2x1xi32>
    %select_n3A_126 = arith.select %ge3A_125, %or3A_116, %select_n3A_113 : vector<2x1xi1>, vector<2x1xi32>
    %or3A_127 = arith.constant 4194304 : i32
    %or3A_128 = vector.broadcast %or3A_127 : i32 to vector<2x1xi32>
    %or3A_129 = arith.ori %select_n3A_126, %or3A_128 : vector<2x1xi32>
    %ge3A_130 = vector.broadcast %or3A_129 : vector<2x1xi32> to vector<2x8192xi32>
    %ge3A_131 = arith.cmpi uge, %bitcast_convert_type3A_11, %ge3A_130 : vector<2x8192xi32>
    %convert_element_type3A_132 = arith.extui %ge3A_131 : vector<2x8192xi1> to vector<2x8192xi32>
    %reduce_sum3A_133 = arith.constant dense<0> : vector<2xi32>
    %reduce_sum3A_134 = vector.multi_reduction <add>, %convert_element_type3A_132, %reduce_sum3A_133 [1] : vector<2x8192xi32> to vector<2xi32>
    %broadcast_in_dim3A_135 = vector.shape_cast %reduce_sum3A_134 : vector<2xi32> to vector<2x1xi32>
    %ge3A_136 = arith.constant 4096 : i32
    %ge3A_137 = vector.broadcast %ge3A_136 : i32 to vector<2x1xi32>
    %ge3A_138 = arith.cmpi sge, %broadcast_in_dim3A_135, %ge3A_137 : vector<2x1xi32>
    %select_n3A_139 = arith.select %ge3A_138, %or3A_129, %select_n3A_126 : vector<2x1xi1>, vector<2x1xi32>
    %or3A_140 = arith.constant 2097152 : i32
    %or3A_141 = vector.broadcast %or3A_140 : i32 to vector<2x1xi32>
    %or3A_142 = arith.ori %select_n3A_139, %or3A_141 : vector<2x1xi32>
    %ge3A_143 = vector.broadcast %or3A_142 : vector<2x1xi32> to vector<2x8192xi32>
    %ge3A_144 = arith.cmpi uge, %bitcast_convert_type3A_11, %ge3A_143 : vector<2x8192xi32>
    %convert_element_type3A_145 = arith.extui %ge3A_144 : vector<2x8192xi1> to vector<2x8192xi32>
    %reduce_sum3A_146 = arith.constant dense<0> : vector<2xi32>
    %reduce_sum3A_147 = vector.multi_reduction <add>, %convert_element_type3A_145, %reduce_sum3A_146 [1] : vector<2x8192xi32> to vector<2xi32>
    %broadcast_in_dim3A_148 = vector.shape_cast %reduce_sum3A_147 : vector<2xi32> to vector<2x1xi32>
    %ge3A_149 = arith.constant 4096 : i32
    %ge3A_150 = vector.broadcast %ge3A_149 : i32 to vector<2x1xi32>
    %ge3A_151 = arith.cmpi sge, %broadcast_in_dim3A_148, %ge3A_150 : vector<2x1xi32>
    %select_n3A_152 = arith.select %ge3A_151, %or3A_142, %select_n3A_139 : vector<2x1xi1>, vector<2x1xi32>
    %or3A_153 = arith.constant 1048576 : i32
    %or3A_154 = vector.broadcast %or3A_153 : i32 to vector<2x1xi32>
    %or3A_155 = arith.ori %select_n3A_152, %or3A_154 : vector<2x1xi32>
    %ge3A_156 = vector.broadcast %or3A_155 : vector<2x1xi32> to vector<2x8192xi32>
    %ge3A_157 = arith.cmpi uge, %bitcast_convert_type3A_11, %ge3A_156 : vector<2x8192xi32>
    %convert_element_type3A_158 = arith.extui %ge3A_157 : vector<2x8192xi1> to vector<2x8192xi32>
    %reduce_sum3A_159 = arith.constant dense<0> : vector<2xi32>
    %reduce_sum3A_160 = vector.multi_reduction <add>, %convert_element_type3A_158, %reduce_sum3A_159 [1] : vector<2x8192xi32> to vector<2xi32>
    %broadcast_in_dim3A_161 = vector.shape_cast %reduce_sum3A_160 : vector<2xi32> to vector<2x1xi32>
    %ge3A_162 = arith.constant 4096 : i32
    %ge3A_163 = vector.broadcast %ge3A_162 : i32 to vector<2x1xi32>
    %ge3A_164 = arith.cmpi sge, %broadcast_in_dim3A_161, %ge3A_163 : vector<2x1xi32>
    %select_n3A_165 = arith.select %ge3A_164, %or3A_155, %select_n3A_152 : vector<2x1xi1>, vector<2x1xi32>
    %or3A_166 = arith.constant 524288 : i32
    %or3A_167 = vector.broadcast %or3A_166 : i32 to vector<2x1xi32>
    %or3A_168 = arith.ori %select_n3A_165, %or3A_167 : vector<2x1xi32>
    %ge3A_169 = vector.broadcast %or3A_168 : vector<2x1xi32> to vector<2x8192xi32>
    %ge3A_170 = arith.cmpi uge, %bitcast_convert_type3A_11, %ge3A_169 : vector<2x8192xi32>
    %convert_element_type3A_171 = arith.extui %ge3A_170 : vector<2x8192xi1> to vector<2x8192xi32>
    %reduce_sum3A_172 = arith.constant dense<0> : vector<2xi32>
    %reduce_sum3A_173 = vector.multi_reduction <add>, %convert_element_type3A_171, %reduce_sum3A_172 [1] : vector<2x8192xi32> to vector<2xi32>
    %broadcast_in_dim3A_174 = vector.shape_cast %reduce_sum3A_173 : vector<2xi32> to vector<2x1xi32>
    %ge3A_175 = arith.constant 4096 : i32
    %ge3A_176 = vector.broadcast %ge3A_175 : i32 to vector<2x1xi32>
    %ge3A_177 = arith.cmpi sge, %broadcast_in_dim3A_174, %ge3A_176 : vector<2x1xi32>
    %select_n3A_178 = arith.select %ge3A_177, %or3A_168, %select_n3A_165 : vector<2x1xi1>, vector<2x1xi32>
    %or3A_179 = arith.constant 262144 : i32
    %or3A_180 = vector.broadcast %or3A_179 : i32 to vector<2x1xi32>
    %or3A_181 = arith.ori %select_n3A_178, %or3A_180 : vector<2x1xi32>
    %ge3A_182 = vector.broadcast %or3A_181 : vector<2x1xi32> to vector<2x8192xi32>
    %ge3A_183 = arith.cmpi uge, %bitcast_convert_type3A_11, %ge3A_182 : vector<2x8192xi32>
    %convert_element_type3A_184 = arith.extui %ge3A_183 : vector<2x8192xi1> to vector<2x8192xi32>
    %reduce_sum3A_185 = arith.constant dense<0> : vector<2xi32>
    %reduce_sum3A_186 = vector.multi_reduction <add>, %convert_element_type3A_184, %reduce_sum3A_185 [1] : vector<2x8192xi32> to vector<2xi32>
    %broadcast_in_dim3A_187 = vector.shape_cast %reduce_sum3A_186 : vector<2xi32> to vector<2x1xi32>
    %ge3A_188 = arith.constant 4096 : i32
    %ge3A_189 = vector.broadcast %ge3A_188 : i32 to vector<2x1xi32>
    %ge3A_190 = arith.cmpi sge, %broadcast_in_dim3A_187, %ge3A_189 : vector<2x1xi32>
    %select_n3A_191 = arith.select %ge3A_190, %or3A_181, %select_n3A_178 : vector<2x1xi1>, vector<2x1xi32>
    %or3A_192 = arith.constant 131072 : i32
    %or3A_193 = vector.broadcast %or3A_192 : i32 to vector<2x1xi32>
    %or3A_194 = arith.ori %select_n3A_191, %or3A_193 : vector<2x1xi32>
    %ge3A_195 = vector.broadcast %or3A_194 : vector<2x1xi32> to vector<2x8192xi32>
    %ge3A_196 = arith.cmpi uge, %bitcast_convert_type3A_11, %ge3A_195 : vector<2x8192xi32>
    %convert_element_type3A_197 = arith.extui %ge3A_196 : vector<2x8192xi1> to vector<2x8192xi32>
    %reduce_sum3A_198 = arith.constant dense<0> : vector<2xi32>
    %reduce_sum3A_199 = vector.multi_reduction <add>, %convert_element_type3A_197, %reduce_sum3A_198 [1] : vector<2x8192xi32> to vector<2xi32>
    %broadcast_in_dim3A_200 = vector.shape_cast %reduce_sum3A_199 : vector<2xi32> to vector<2x1xi32>
    %ge3A_201 = arith.constant 4096 : i32
    %ge3A_202 = vector.broadcast %ge3A_201 : i32 to vector<2x1xi32>
    %ge3A_203 = arith.cmpi sge, %broadcast_in_dim3A_200, %ge3A_202 : vector<2x1xi32>
    %select_n3A_204 = arith.select %ge3A_203, %or3A_194, %select_n3A_191 : vector<2x1xi1>, vector<2x1xi32>
    %or3A_205 = arith.constant 65536 : i32
    %or3A_206 = vector.broadcast %or3A_205 : i32 to vector<2x1xi32>
    %or3A_207 = arith.ori %select_n3A_204, %or3A_206 : vector<2x1xi32>
    %ge3A_208 = vector.broadcast %or3A_207 : vector<2x1xi32> to vector<2x8192xi32>
    %ge3A_209 = arith.cmpi uge, %bitcast_convert_type3A_11, %ge3A_208 : vector<2x8192xi32>
    %convert_element_type3A_210 = arith.extui %ge3A_209 : vector<2x8192xi1> to vector<2x8192xi32>
    %reduce_sum3A_211 = arith.constant dense<0> : vector<2xi32>
    %reduce_sum3A_212 = vector.multi_reduction <add>, %convert_element_type3A_210, %reduce_sum3A_211 [1] : vector<2x8192xi32> to vector<2xi32>
    %broadcast_in_dim3A_213 = vector.shape_cast %reduce_sum3A_212 : vector<2xi32> to vector<2x1xi32>
    %ge3A_214 = arith.constant 4096 : i32
    %ge3A_215 = vector.broadcast %ge3A_214 : i32 to vector<2x1xi32>
    %ge3A_216 = arith.cmpi sge, %broadcast_in_dim3A_213, %ge3A_215 : vector<2x1xi32>
    %select_n3A_217 = arith.select %ge3A_216, %or3A_207, %select_n3A_204 : vector<2x1xi1>, vector<2x1xi32>
    %or3A_218 = arith.constant 32768 : i32
    %or3A_219 = vector.broadcast %or3A_218 : i32 to vector<2x1xi32>
    %or3A_220 = arith.ori %select_n3A_217, %or3A_219 : vector<2x1xi32>
    %ge3A_221 = vector.broadcast %or3A_220 : vector<2x1xi32> to vector<2x8192xi32>
    %ge3A_222 = arith.cmpi uge, %bitcast_convert_type3A_11, %ge3A_221 : vector<2x8192xi32>
    %convert_element_type3A_223 = arith.extui %ge3A_222 : vector<2x8192xi1> to vector<2x8192xi32>
    %reduce_sum3A_224 = arith.constant dense<0> : vector<2xi32>
    %reduce_sum3A_225 = vector.multi_reduction <add>, %convert_element_type3A_223, %reduce_sum3A_224 [1] : vector<2x8192xi32> to vector<2xi32>
    %broadcast_in_dim3A_226 = vector.shape_cast %reduce_sum3A_225 : vector<2xi32> to vector<2x1xi32>
    %ge3A_227 = arith.constant 4096 : i32
    %ge3A_228 = vector.broadcast %ge3A_227 : i32 to vector<2x1xi32>
    %ge3A_229 = arith.cmpi sge, %broadcast_in_dim3A_226, %ge3A_228 : vector<2x1xi32>
    %select_n3A_230 = arith.select %ge3A_229, %or3A_220, %select_n3A_217 : vector<2x1xi1>, vector<2x1xi32>
    %or3A_231 = arith.constant 16384 : i32
    %or3A_232 = vector.broadcast %or3A_231 : i32 to vector<2x1xi32>
    %or3A_233 = arith.ori %select_n3A_230, %or3A_232 : vector<2x1xi32>
    %ge3A_234 = vector.broadcast %or3A_233 : vector<2x1xi32> to vector<2x8192xi32>
    %ge3A_235 = arith.cmpi uge, %bitcast_convert_type3A_11, %ge3A_234 : vector<2x8192xi32>
    %convert_element_type3A_236 = arith.extui %ge3A_235 : vector<2x8192xi1> to vector<2x8192xi32>
    %reduce_sum3A_237 = arith.constant dense<0> : vector<2xi32>
    %reduce_sum3A_238 = vector.multi_reduction <add>, %convert_element_type3A_236, %reduce_sum3A_237 [1] : vector<2x8192xi32> to vector<2xi32>
    %broadcast_in_dim3A_239 = vector.shape_cast %reduce_sum3A_238 : vector<2xi32> to vector<2x1xi32>
    %ge3A_240 = arith.constant 4096 : i32
    %ge3A_241 = vector.broadcast %ge3A_240 : i32 to vector<2x1xi32>
    %ge3A_242 = arith.cmpi sge, %broadcast_in_dim3A_239, %ge3A_241 : vector<2x1xi32>
    %select_n3A_243 = arith.select %ge3A_242, %or3A_233, %select_n3A_230 : vector<2x1xi1>, vector<2x1xi32>
    %or3A_244 = arith.constant 8192 : i32
    %or3A_245 = vector.broadcast %or3A_244 : i32 to vector<2x1xi32>
    %or3A_246 = arith.ori %select_n3A_243, %or3A_245 : vector<2x1xi32>
    %ge3A_247 = vector.broadcast %or3A_246 : vector<2x1xi32> to vector<2x8192xi32>
    %ge3A_248 = arith.cmpi uge, %bitcast_convert_type3A_11, %ge3A_247 : vector<2x8192xi32>
    %convert_element_type3A_249 = arith.extui %ge3A_248 : vector<2x8192xi1> to vector<2x8192xi32>
    %reduce_sum3A_250 = arith.constant dense<0> : vector<2xi32>
    %reduce_sum3A_251 = vector.multi_reduction <add>, %convert_element_type3A_249, %reduce_sum3A_250 [1] : vector<2x8192xi32> to vector<2xi32>
    %broadcast_in_dim3A_252 = vector.shape_cast %reduce_sum3A_251 : vector<2xi32> to vector<2x1xi32>
    %ge3A_253 = arith.constant 4096 : i32
    %ge3A_254 = vector.broadcast %ge3A_253 : i32 to vector<2x1xi32>
    %ge3A_255 = arith.cmpi sge, %broadcast_in_dim3A_252, %ge3A_254 : vector<2x1xi32>
    %select_n3A_256 = arith.select %ge3A_255, %or3A_246, %select_n3A_243 : vector<2x1xi1>, vector<2x1xi32>
    %or3A_257 = arith.constant 4096 : i32
    %or3A_258 = vector.broadcast %or3A_257 : i32 to vector<2x1xi32>
    %or3A_259 = arith.ori %select_n3A_256, %or3A_258 : vector<2x1xi32>
    %ge3A_260 = vector.broadcast %or3A_259 : vector<2x1xi32> to vector<2x8192xi32>
    %ge3A_261 = arith.cmpi uge, %bitcast_convert_type3A_11, %ge3A_260 : vector<2x8192xi32>
    %convert_element_type3A_262 = arith.extui %ge3A_261 : vector<2x8192xi1> to vector<2x8192xi32>
    %reduce_sum3A_263 = arith.constant dense<0> : vector<2xi32>
    %reduce_sum3A_264 = vector.multi_reduction <add>, %convert_element_type3A_262, %reduce_sum3A_263 [1] : vector<2x8192xi32> to vector<2xi32>
    %broadcast_in_dim3A_265 = vector.shape_cast %reduce_sum3A_264 : vector<2xi32> to vector<2x1xi32>
    %ge3A_266 = arith.constant 4096 : i32
    %ge3A_267 = vector.broadcast %ge3A_266 : i32 to vector<2x1xi32>
    %ge3A_268 = arith.cmpi sge, %broadcast_in_dim3A_265, %ge3A_267 : vector<2x1xi32>
    %select_n3A_269 = arith.select %ge3A_268, %or3A_259, %select_n3A_256 : vector<2x1xi1>, vector<2x1xi32>
    %or3A_270 = arith.constant 2048 : i32
    %or3A_271 = vector.broadcast %or3A_270 : i32 to vector<2x1xi32>
    %or3A_272 = arith.ori %select_n3A_269, %or3A_271 : vector<2x1xi32>
    %ge3A_273 = vector.broadcast %or3A_272 : vector<2x1xi32> to vector<2x8192xi32>
    %ge3A_274 = arith.cmpi uge, %bitcast_convert_type3A_11, %ge3A_273 : vector<2x8192xi32>
    %convert_element_type3A_275 = arith.extui %ge3A_274 : vector<2x8192xi1> to vector<2x8192xi32>
    %reduce_sum3A_276 = arith.constant dense<0> : vector<2xi32>
    %reduce_sum3A_277 = vector.multi_reduction <add>, %convert_element_type3A_275, %reduce_sum3A_276 [1] : vector<2x8192xi32> to vector<2xi32>
    %broadcast_in_dim3A_278 = vector.shape_cast %reduce_sum3A_277 : vector<2xi32> to vector<2x1xi32>
    %ge3A_279 = arith.constant 4096 : i32
    %ge3A_280 = vector.broadcast %ge3A_279 : i32 to vector<2x1xi32>
    %ge3A_281 = arith.cmpi sge, %broadcast_in_dim3A_278, %ge3A_280 : vector<2x1xi32>
    %select_n3A_282 = arith.select %ge3A_281, %or3A_272, %select_n3A_269 : vector<2x1xi1>, vector<2x1xi32>
    %or3A_283 = arith.constant 1024 : i32
    %or3A_284 = vector.broadcast %or3A_283 : i32 to vector<2x1xi32>
    %or3A_285 = arith.ori %select_n3A_282, %or3A_284 : vector<2x1xi32>
    %ge3A_286 = vector.broadcast %or3A_285 : vector<2x1xi32> to vector<2x8192xi32>
    %ge3A_287 = arith.cmpi uge, %bitcast_convert_type3A_11, %ge3A_286 : vector<2x8192xi32>
    %convert_element_type3A_288 = arith.extui %ge3A_287 : vector<2x8192xi1> to vector<2x8192xi32>
    %reduce_sum3A_289 = arith.constant dense<0> : vector<2xi32>
    %reduce_sum3A_290 = vector.multi_reduction <add>, %convert_element_type3A_288, %reduce_sum3A_289 [1] : vector<2x8192xi32> to vector<2xi32>
    %broadcast_in_dim3A_291 = vector.shape_cast %reduce_sum3A_290 : vector<2xi32> to vector<2x1xi32>
    %ge3A_292 = arith.constant 4096 : i32
    %ge3A_293 = vector.broadcast %ge3A_292 : i32 to vector<2x1xi32>
    %ge3A_294 = arith.cmpi sge, %broadcast_in_dim3A_291, %ge3A_293 : vector<2x1xi32>
    %select_n3A_295 = arith.select %ge3A_294, %or3A_285, %select_n3A_282 : vector<2x1xi1>, vector<2x1xi32>
    %or3A_296 = arith.constant 512 : i32
    %or3A_297 = vector.broadcast %or3A_296 : i32 to vector<2x1xi32>
    %or3A_298 = arith.ori %select_n3A_295, %or3A_297 : vector<2x1xi32>
    %ge3A_299 = vector.broadcast %or3A_298 : vector<2x1xi32> to vector<2x8192xi32>
    %ge3A_300 = arith.cmpi uge, %bitcast_convert_type3A_11, %ge3A_299 : vector<2x8192xi32>
    %convert_element_type3A_301 = arith.extui %ge3A_300 : vector<2x8192xi1> to vector<2x8192xi32>
    %reduce_sum3A_302 = arith.constant dense<0> : vector<2xi32>
    %reduce_sum3A_303 = vector.multi_reduction <add>, %convert_element_type3A_301, %reduce_sum3A_302 [1] : vector<2x8192xi32> to vector<2xi32>
    %broadcast_in_dim3A_304 = vector.shape_cast %reduce_sum3A_303 : vector<2xi32> to vector<2x1xi32>
    %ge3A_305 = arith.constant 4096 : i32
    %ge3A_306 = vector.broadcast %ge3A_305 : i32 to vector<2x1xi32>
    %ge3A_307 = arith.cmpi sge, %broadcast_in_dim3A_304, %ge3A_306 : vector<2x1xi32>
    %select_n3A_308 = arith.select %ge3A_307, %or3A_298, %select_n3A_295 : vector<2x1xi1>, vector<2x1xi32>
    %or3A_309 = arith.constant 256 : i32
    %or3A_310 = vector.broadcast %or3A_309 : i32 to vector<2x1xi32>
    %or3A_311 = arith.ori %select_n3A_308, %or3A_310 : vector<2x1xi32>
    %ge3A_312 = vector.broadcast %or3A_311 : vector<2x1xi32> to vector<2x8192xi32>
    %ge3A_313 = arith.cmpi uge, %bitcast_convert_type3A_11, %ge3A_312 : vector<2x8192xi32>
    %convert_element_type3A_314 = arith.extui %ge3A_313 : vector<2x8192xi1> to vector<2x8192xi32>
    %reduce_sum3A_315 = arith.constant dense<0> : vector<2xi32>
    %reduce_sum3A_316 = vector.multi_reduction <add>, %convert_element_type3A_314, %reduce_sum3A_315 [1] : vector<2x8192xi32> to vector<2xi32>
    %broadcast_in_dim3A_317 = vector.shape_cast %reduce_sum3A_316 : vector<2xi32> to vector<2x1xi32>
    %ge3A_318 = arith.constant 4096 : i32
    %ge3A_319 = vector.broadcast %ge3A_318 : i32 to vector<2x1xi32>
    %ge3A_320 = arith.cmpi sge, %broadcast_in_dim3A_317, %ge3A_319 : vector<2x1xi32>
    %select_n3A_321 = arith.select %ge3A_320, %or3A_311, %select_n3A_308 : vector<2x1xi1>, vector<2x1xi32>
    %or3A_322 = arith.constant 128 : i32
    %or3A_323 = vector.broadcast %or3A_322 : i32 to vector<2x1xi32>
    %or3A_324 = arith.ori %select_n3A_321, %or3A_323 : vector<2x1xi32>
    %ge3A_325 = vector.broadcast %or3A_324 : vector<2x1xi32> to vector<2x8192xi32>
    %ge3A_326 = arith.cmpi uge, %bitcast_convert_type3A_11, %ge3A_325 : vector<2x8192xi32>
    %convert_element_type3A_327 = arith.extui %ge3A_326 : vector<2x8192xi1> to vector<2x8192xi32>
    %reduce_sum3A_328 = arith.constant dense<0> : vector<2xi32>
    %reduce_sum3A_329 = vector.multi_reduction <add>, %convert_element_type3A_327, %reduce_sum3A_328 [1] : vector<2x8192xi32> to vector<2xi32>
    %broadcast_in_dim3A_330 = vector.shape_cast %reduce_sum3A_329 : vector<2xi32> to vector<2x1xi32>
    %ge3A_331 = arith.constant 4096 : i32
    %ge3A_332 = vector.broadcast %ge3A_331 : i32 to vector<2x1xi32>
    %ge3A_333 = arith.cmpi sge, %broadcast_in_dim3A_330, %ge3A_332 : vector<2x1xi32>
    %select_n3A_334 = arith.select %ge3A_333, %or3A_324, %select_n3A_321 : vector<2x1xi1>, vector<2x1xi32>
    %or3A_335 = arith.constant 64 : i32
    %or3A_336 = vector.broadcast %or3A_335 : i32 to vector<2x1xi32>
    %or3A_337 = arith.ori %select_n3A_334, %or3A_336 : vector<2x1xi32>
    %ge3A_338 = vector.broadcast %or3A_337 : vector<2x1xi32> to vector<2x8192xi32>
    %ge3A_339 = arith.cmpi uge, %bitcast_convert_type3A_11, %ge3A_338 : vector<2x8192xi32>
    %convert_element_type3A_340 = arith.extui %ge3A_339 : vector<2x8192xi1> to vector<2x8192xi32>
    %reduce_sum3A_341 = arith.constant dense<0> : vector<2xi32>
    %reduce_sum3A_342 = vector.multi_reduction <add>, %convert_element_type3A_340, %reduce_sum3A_341 [1] : vector<2x8192xi32> to vector<2xi32>
    %broadcast_in_dim3A_343 = vector.shape_cast %reduce_sum3A_342 : vector<2xi32> to vector<2x1xi32>
    %ge3A_344 = arith.constant 4096 : i32
    %ge3A_345 = vector.broadcast %ge3A_344 : i32 to vector<2x1xi32>
    %ge3A_346 = arith.cmpi sge, %broadcast_in_dim3A_343, %ge3A_345 : vector<2x1xi32>
    %select_n3A_347 = arith.select %ge3A_346, %or3A_337, %select_n3A_334 : vector<2x1xi1>, vector<2x1xi32>
    %or3A_348 = arith.constant 32 : i32
    %or3A_349 = vector.broadcast %or3A_348 : i32 to vector<2x1xi32>
    %or3A_350 = arith.ori %select_n3A_347, %or3A_349 : vector<2x1xi32>
    %ge3A_351 = vector.broadcast %or3A_350 : vector<2x1xi32> to vector<2x8192xi32>
    %ge3A_352 = arith.cmpi uge, %bitcast_convert_type3A_11, %ge3A_351 : vector<2x8192xi32>
    %convert_element_type3A_353 = arith.extui %ge3A_352 : vector<2x8192xi1> to vector<2x8192xi32>
    %reduce_sum3A_354 = arith.constant dense<0> : vector<2xi32>
    %reduce_sum3A_355 = vector.multi_reduction <add>, %convert_element_type3A_353, %reduce_sum3A_354 [1] : vector<2x8192xi32> to vector<2xi32>
    %broadcast_in_dim3A_356 = vector.shape_cast %reduce_sum3A_355 : vector<2xi32> to vector<2x1xi32>
    %ge3A_357 = arith.constant 4096 : i32
    %ge3A_358 = vector.broadcast %ge3A_357 : i32 to vector<2x1xi32>
    %ge3A_359 = arith.cmpi sge, %broadcast_in_dim3A_356, %ge3A_358 : vector<2x1xi32>
    %select_n3A_360 = arith.select %ge3A_359, %or3A_350, %select_n3A_347 : vector<2x1xi1>, vector<2x1xi32>
    %or3A_361 = arith.constant 16 : i32
    %or3A_362 = vector.broadcast %or3A_361 : i32 to vector<2x1xi32>
    %or3A_363 = arith.ori %select_n3A_360, %or3A_362 : vector<2x1xi32>
    %ge3A_364 = vector.broadcast %or3A_363 : vector<2x1xi32> to vector<2x8192xi32>
    %ge3A_365 = arith.cmpi uge, %bitcast_convert_type3A_11, %ge3A_364 : vector<2x8192xi32>
    %convert_element_type3A_366 = arith.extui %ge3A_365 : vector<2x8192xi1> to vector<2x8192xi32>
    %reduce_sum3A_367 = arith.constant dense<0> : vector<2xi32>
    %reduce_sum3A_368 = vector.multi_reduction <add>, %convert_element_type3A_366, %reduce_sum3A_367 [1] : vector<2x8192xi32> to vector<2xi32>
    %broadcast_in_dim3A_369 = vector.shape_cast %reduce_sum3A_368 : vector<2xi32> to vector<2x1xi32>
    %ge3A_370 = arith.constant 4096 : i32
    %ge3A_371 = vector.broadcast %ge3A_370 : i32 to vector<2x1xi32>
    %ge3A_372 = arith.cmpi sge, %broadcast_in_dim3A_369, %ge3A_371 : vector<2x1xi32>
    %select_n3A_373 = arith.select %ge3A_372, %or3A_363, %select_n3A_360 : vector<2x1xi1>, vector<2x1xi32>
    %or3A_374 = arith.constant 8 : i32
    %or3A_375 = vector.broadcast %or3A_374 : i32 to vector<2x1xi32>
    %or3A_376 = arith.ori %select_n3A_373, %or3A_375 : vector<2x1xi32>
    %ge3A_377 = vector.broadcast %or3A_376 : vector<2x1xi32> to vector<2x8192xi32>
    %ge3A_378 = arith.cmpi uge, %bitcast_convert_type3A_11, %ge3A_377 : vector<2x8192xi32>
    %convert_element_type3A_379 = arith.extui %ge3A_378 : vector<2x8192xi1> to vector<2x8192xi32>
    %reduce_sum3A_380 = arith.constant dense<0> : vector<2xi32>
    %reduce_sum3A_381 = vector.multi_reduction <add>, %convert_element_type3A_379, %reduce_sum3A_380 [1] : vector<2x8192xi32> to vector<2xi32>
    %broadcast_in_dim3A_382 = vector.shape_cast %reduce_sum3A_381 : vector<2xi32> to vector<2x1xi32>
    %ge3A_383 = arith.constant 4096 : i32
    %ge3A_384 = vector.broadcast %ge3A_383 : i32 to vector<2x1xi32>
    %ge3A_385 = arith.cmpi sge, %broadcast_in_dim3A_382, %ge3A_384 : vector<2x1xi32>
    %select_n3A_386 = arith.select %ge3A_385, %or3A_376, %select_n3A_373 : vector<2x1xi1>, vector<2x1xi32>
    %or3A_387 = arith.constant 4 : i32
    %or3A_388 = vector.broadcast %or3A_387 : i32 to vector<2x1xi32>
    %or3A_389 = arith.ori %select_n3A_386, %or3A_388 : vector<2x1xi32>
    %ge3A_390 = vector.broadcast %or3A_389 : vector<2x1xi32> to vector<2x8192xi32>
    %ge3A_391 = arith.cmpi uge, %bitcast_convert_type3A_11, %ge3A_390 : vector<2x8192xi32>
    %convert_element_type3A_392 = arith.extui %ge3A_391 : vector<2x8192xi1> to vector<2x8192xi32>
    %reduce_sum3A_393 = arith.constant dense<0> : vector<2xi32>
    %reduce_sum3A_394 = vector.multi_reduction <add>, %convert_element_type3A_392, %reduce_sum3A_393 [1] : vector<2x8192xi32> to vector<2xi32>
    %broadcast_in_dim3A_395 = vector.shape_cast %reduce_sum3A_394 : vector<2xi32> to vector<2x1xi32>
    %ge3A_396 = arith.constant 4096 : i32
    %ge3A_397 = vector.broadcast %ge3A_396 : i32 to vector<2x1xi32>
    %ge3A_398 = arith.cmpi sge, %broadcast_in_dim3A_395, %ge3A_397 : vector<2x1xi32>
    %select_n3A_399 = arith.select %ge3A_398, %or3A_389, %select_n3A_386 : vector<2x1xi1>, vector<2x1xi32>
    %or3A_400 = arith.constant 2 : i32
    %or3A_401 = vector.broadcast %or3A_400 : i32 to vector<2x1xi32>
    %or3A_402 = arith.ori %select_n3A_399, %or3A_401 : vector<2x1xi32>
    %ge3A_403 = vector.broadcast %or3A_402 : vector<2x1xi32> to vector<2x8192xi32>
    %ge3A_404 = arith.cmpi uge, %bitcast_convert_type3A_11, %ge3A_403 : vector<2x8192xi32>
    %convert_element_type3A_405 = arith.extui %ge3A_404 : vector<2x8192xi1> to vector<2x8192xi32>
    %reduce_sum3A_406 = arith.constant dense<0> : vector<2xi32>
    %reduce_sum3A_407 = vector.multi_reduction <add>, %convert_element_type3A_405, %reduce_sum3A_406 [1] : vector<2x8192xi32> to vector<2xi32>
    %broadcast_in_dim3A_408 = vector.shape_cast %reduce_sum3A_407 : vector<2xi32> to vector<2x1xi32>
    %ge3A_409 = arith.constant 4096 : i32
    %ge3A_410 = vector.broadcast %ge3A_409 : i32 to vector<2x1xi32>
    %ge3A_411 = arith.cmpi sge, %broadcast_in_dim3A_408, %ge3A_410 : vector<2x1xi32>
    %select_n3A_412 = arith.select %ge3A_411, %or3A_402, %select_n3A_399 : vector<2x1xi1>, vector<2x1xi32>
    %or3A_413 = arith.constant 1 : i32
    %or3A_414 = vector.broadcast %or3A_413 : i32 to vector<2x1xi32>
    %or3A_415 = arith.ori %select_n3A_412, %or3A_414 : vector<2x1xi32>
    %ge3A_416 = vector.broadcast %or3A_415 : vector<2x1xi32> to vector<2x8192xi32>
    %ge3A_417 = arith.cmpi uge, %bitcast_convert_type3A_11, %ge3A_416 : vector<2x8192xi32>
    %convert_element_type3A_418 = arith.extui %ge3A_417 : vector<2x8192xi1> to vector<2x8192xi32>
    %reduce_sum3A_419 = arith.constant dense<0> : vector<2xi32>
    %reduce_sum3A_420 = vector.multi_reduction <add>, %convert_element_type3A_418, %reduce_sum3A_419 [1] : vector<2x8192xi32> to vector<2xi32>
    %broadcast_in_dim3A_421 = vector.shape_cast %reduce_sum3A_420 : vector<2xi32> to vector<2x1xi32>
    %ge3A_422 = arith.constant 4096 : i32
    %ge3A_423 = vector.broadcast %ge3A_422 : i32 to vector<2x1xi32>
    %ge3A_424 = arith.cmpi sge, %broadcast_in_dim3A_421, %ge3A_423 : vector<2x1xi32>
    %select_n3A_425 = arith.select %ge3A_424, %or3A_415, %select_n3A_412 : vector<2x1xi1>, vector<2x1xi32>
    %gt3A = vector.broadcast %select_n3A_425 : vector<2x1xi32> to vector<2x8192xi32>
    %gt3A_426 = arith.cmpi ugt, %bitcast_convert_type3A_11, %gt3A : vector<2x8192xi32>
    %convert_element_type3A_427 = arith.extui %gt3A_426 : vector<2x8192xi1> to vector<2x8192xi32>
    %eq3A = vector.broadcast %select_n3A_425 : vector<2x1xi32> to vector<2x8192xi32>
    %eq3A_428 = arith.cmpi eq, %bitcast_convert_type3A_11, %eq3A : vector<2x8192xi32>
    %convert_element_type3A_429 = arith.extui %eq3A_428 : vector<2x8192xi1> to vector<2x8192xi32>
    %reduce_sum3A_430 = arith.constant dense<0> : vector<2xi32>
    %reduce_sum3A_431 = vector.multi_reduction <add>, %convert_element_type3A_427, %reduce_sum3A_430 [1] : vector<2x8192xi32> to vector<2xi32>
    %broadcast_in_dim3A_432 = vector.shape_cast %reduce_sum3A_431 : vector<2xi32> to vector<2x1xi32>
    %sub3A = arith.constant 4096 : i32
    %sub3A_433 = vector.broadcast %sub3A : i32 to vector<2x1xi32>
    %sub3A_434 = arith.subi %sub3A_433, %broadcast_in_dim3A_432 : vector<2x1xi32>
    %broadcast_in_dim3A_435 = arith.constant 0 : i32
    %broadcast_in_dim3A_436 = vector.broadcast %broadcast_in_dim3A_435 : i32 to vector<2x1xi32>
    %slice3A = vector.extract_strided_slice %convert_element_type3A_429 {offsets = [0, 0], sizes = [2, 8191], strides = [1, 1]} : vector<2x8192xi32> to vector<2x8191xi32>
    %concatenate3A = tpu.concatenate %broadcast_in_dim3A_436, %slice3A in 1 : vector<2x1xi32>, vector<2x8191xi32> -> vector<2x8192xi32>
    %add3A_437 = arith.addi %convert_element_type3A_429, %concatenate3A : vector<2x8192xi32>
    %broadcast_in_dim3A_438 = arith.constant 0 : i32
    %broadcast_in_dim3A_439 = vector.broadcast %broadcast_in_dim3A_438 : i32 to vector<2x2xi32>
    %slice3A_440 = vector.extract_strided_slice %add3A_437 {offsets = [0, 0], sizes = [2, 8190], strides = [1, 1]} : vector<2x8192xi32> to vector<2x8190xi32>
    %concatenate3A_441 = tpu.concatenate %broadcast_in_dim3A_439, %slice3A_440 in 1 : vector<2x2xi32>, vector<2x8190xi32> -> vector<2x8192xi32>
    %add3A_442 = arith.addi %add3A_437, %concatenate3A_441 : vector<2x8192xi32>
    %broadcast_in_dim3A_443 = arith.constant 0 : i32
    %broadcast_in_dim3A_444 = vector.broadcast %broadcast_in_dim3A_443 : i32 to vector<2x4xi32>
    %slice3A_445 = vector.extract_strided_slice %add3A_442 {offsets = [0, 0], sizes = [2, 8188], strides = [1, 1]} : vector<2x8192xi32> to vector<2x8188xi32>
    %concatenate3A_446 = tpu.concatenate %broadcast_in_dim3A_444, %slice3A_445 in 1 : vector<2x4xi32>, vector<2x8188xi32> -> vector<2x8192xi32>
    %add3A_447 = arith.addi %add3A_442, %concatenate3A_446 : vector<2x8192xi32>
    %broadcast_in_dim3A_448 = arith.constant 0 : i32
    %broadcast_in_dim3A_449 = vector.broadcast %broadcast_in_dim3A_448 : i32 to vector<2x8xi32>
    %slice3A_450 = vector.extract_strided_slice %add3A_447 {offsets = [0, 0], sizes = [2, 8184], strides = [1, 1]} : vector<2x8192xi32> to vector<2x8184xi32>
    %concatenate3A_451 = tpu.concatenate %broadcast_in_dim3A_449, %slice3A_450 in 1 : vector<2x8xi32>, vector<2x8184xi32> -> vector<2x8192xi32>
    %add3A_452 = arith.addi %add3A_447, %concatenate3A_451 : vector<2x8192xi32>
    %broadcast_in_dim3A_453 = arith.constant 0 : i32
    %broadcast_in_dim3A_454 = vector.broadcast %broadcast_in_dim3A_453 : i32 to vector<2x16xi32>
    %slice3A_455 = vector.extract_strided_slice %add3A_452 {offsets = [0, 0], sizes = [2, 8176], strides = [1, 1]} : vector<2x8192xi32> to vector<2x8176xi32>
    %concatenate3A_456 = tpu.concatenate %broadcast_in_dim3A_454, %slice3A_455 in 1 : vector<2x16xi32>, vector<2x8176xi32> -> vector<2x8192xi32>
    %add3A_457 = arith.addi %add3A_452, %concatenate3A_456 : vector<2x8192xi32>
    %broadcast_in_dim3A_458 = arith.constant 0 : i32
    %broadcast_in_dim3A_459 = vector.broadcast %broadcast_in_dim3A_458 : i32 to vector<2x32xi32>
    %slice3A_460 = vector.extract_strided_slice %add3A_457 {offsets = [0, 0], sizes = [2, 8160], strides = [1, 1]} : vector<2x8192xi32> to vector<2x8160xi32>
    %concatenate3A_461 = tpu.concatenate %broadcast_in_dim3A_459, %slice3A_460 in 1 : vector<2x32xi32>, vector<2x8160xi32> -> vector<2x8192xi32>
    %add3A_462 = arith.addi %add3A_457, %concatenate3A_461 : vector<2x8192xi32>
    %broadcast_in_dim3A_463 = arith.constant 0 : i32
    %broadcast_in_dim3A_464 = vector.broadcast %broadcast_in_dim3A_463 : i32 to vector<2x64xi32>
    %slice3A_465 = vector.extract_strided_slice %add3A_462 {offsets = [0, 0], sizes = [2, 8128], strides = [1, 1]} : vector<2x8192xi32> to vector<2x8128xi32>
    %concatenate3A_466 = tpu.concatenate %broadcast_in_dim3A_464, %slice3A_465 in 1 : vector<2x64xi32>, vector<2x8128xi32> -> vector<2x8192xi32>
    %add3A_467 = arith.addi %add3A_462, %concatenate3A_466 : vector<2x8192xi32>
    %broadcast_in_dim3A_468 = arith.constant 0 : i32
    %broadcast_in_dim3A_469 = vector.broadcast %broadcast_in_dim3A_468 : i32 to vector<2x128xi32>
    %slice3A_470 = vector.extract_strided_slice %add3A_467 {offsets = [0, 0], sizes = [2, 8064], strides = [1, 1]} : vector<2x8192xi32> to vector<2x8064xi32>
    %concatenate3A_471 = tpu.concatenate %broadcast_in_dim3A_469, %slice3A_470 in 1 : vector<2x128xi32>, vector<2x8064xi32> -> vector<2x8192xi32>
    %add3A_472 = arith.addi %add3A_467, %concatenate3A_471 : vector<2x8192xi32>
    %broadcast_in_dim3A_473 = arith.constant 0 : i32
    %broadcast_in_dim3A_474 = vector.broadcast %broadcast_in_dim3A_473 : i32 to vector<2x256xi32>
    %slice3A_475 = vector.extract_strided_slice %add3A_472 {offsets = [0, 0], sizes = [2, 7936], strides = [1, 1]} : vector<2x8192xi32> to vector<2x7936xi32>
    %concatenate3A_476 = tpu.concatenate %broadcast_in_dim3A_474, %slice3A_475 in 1 : vector<2x256xi32>, vector<2x7936xi32> -> vector<2x8192xi32>
    %add3A_477 = arith.addi %add3A_472, %concatenate3A_476 : vector<2x8192xi32>
    %broadcast_in_dim3A_478 = arith.constant 0 : i32
    %broadcast_in_dim3A_479 = vector.broadcast %broadcast_in_dim3A_478 : i32 to vector<2x512xi32>
    %slice3A_480 = vector.extract_strided_slice %add3A_477 {offsets = [0, 0], sizes = [2, 7680], strides = [1, 1]} : vector<2x8192xi32> to vector<2x7680xi32>
    %concatenate3A_481 = tpu.concatenate %broadcast_in_dim3A_479, %slice3A_480 in 1 : vector<2x512xi32>, vector<2x7680xi32> -> vector<2x8192xi32>
    %add3A_482 = arith.addi %add3A_477, %concatenate3A_481 : vector<2x8192xi32>
    %broadcast_in_dim3A_483 = arith.constant 0 : i32
    %broadcast_in_dim3A_484 = vector.broadcast %broadcast_in_dim3A_483 : i32 to vector<2x1024xi32>
    %slice3A_485 = vector.extract_strided_slice %add3A_482 {offsets = [0, 0], sizes = [2, 7168], strides = [1, 1]} : vector<2x8192xi32> to vector<2x7168xi32>
    %concatenate3A_486 = tpu.concatenate %broadcast_in_dim3A_484, %slice3A_485 in 1 : vector<2x1024xi32>, vector<2x7168xi32> -> vector<2x8192xi32>
    %add3A_487 = arith.addi %add3A_482, %concatenate3A_486 : vector<2x8192xi32>
    %broadcast_in_dim3A_488 = arith.constant 0 : i32
    %broadcast_in_dim3A_489 = vector.broadcast %broadcast_in_dim3A_488 : i32 to vector<2x2048xi32>
    %slice3A_490 = vector.extract_strided_slice %add3A_487 {offsets = [0, 0], sizes = [2, 6144], strides = [1, 1]} : vector<2x8192xi32> to vector<2x6144xi32>
    %concatenate3A_491 = tpu.concatenate %broadcast_in_dim3A_489, %slice3A_490 in 1 : vector<2x2048xi32>, vector<2x6144xi32> -> vector<2x8192xi32>
    %add3A_492 = arith.addi %add3A_487, %concatenate3A_491 : vector<2x8192xi32>
    %broadcast_in_dim3A_493 = arith.constant 0 : i32
    %broadcast_in_dim3A_494 = vector.broadcast %broadcast_in_dim3A_493 : i32 to vector<2x4096xi32>
    %slice3A_495 = vector.extract_strided_slice %add3A_492 {offsets = [0, 0], sizes = [2, 4096], strides = [1, 1]} : vector<2x8192xi32> to vector<2x4096xi32>
    %concatenate3A_496 = tpu.concatenate %broadcast_in_dim3A_494, %slice3A_495 in 1 : vector<2x4096xi32>, vector<2x4096xi32> -> vector<2x8192xi32>
    %add3A_497 = arith.addi %add3A_492, %concatenate3A_496 : vector<2x8192xi32>
    %le3A = vector.broadcast %sub3A_434 : vector<2x1xi32> to vector<2x8192xi32>
    %le3A_498 = arith.cmpi sle, %add3A_497, %le3A : vector<2x8192xi32>
    %convert_element_type3A_499 = arith.extui %le3A_498 : vector<2x8192xi1> to vector<2x8192xi32>
    %and3A = arith.andi %convert_element_type3A_429, %convert_element_type3A_499 : vector<2x8192xi32>
    %or3A_500 = arith.ori %convert_element_type3A_427, %and3A : vector<2x8192xi32>
    %broadcast_in_dim3A_501 = arith.constant 0 : i32
    %broadcast_in_dim3A_502 = vector.broadcast %broadcast_in_dim3A_501 : i32 to vector<2x1xi32>
    %slice3A_503 = vector.extract_strided_slice %or3A_500 {offsets = [0, 0], sizes = [2, 8191], strides = [1, 1]} : vector<2x8192xi32> to vector<2x8191xi32>
    %concatenate3A_504 = tpu.concatenate %broadcast_in_dim3A_502, %slice3A_503 in 1 : vector<2x1xi32>, vector<2x8191xi32> -> vector<2x8192xi32>
    %add3A_505 = arith.addi %or3A_500, %concatenate3A_504 : vector<2x8192xi32>
    %broadcast_in_dim3A_506 = arith.constant 0 : i32
    %broadcast_in_dim3A_507 = vector.broadcast %broadcast_in_dim3A_506 : i32 to vector<2x2xi32>
    %slice3A_508 = vector.extract_strided_slice %add3A_505 {offsets = [0, 0], sizes = [2, 8190], strides = [1, 1]} : vector<2x8192xi32> to vector<2x8190xi32>
    %concatenate3A_509 = tpu.concatenate %broadcast_in_dim3A_507, %slice3A_508 in 1 : vector<2x2xi32>, vector<2x8190xi32> -> vector<2x8192xi32>
    %add3A_510 = arith.addi %add3A_505, %concatenate3A_509 : vector<2x8192xi32>
    %broadcast_in_dim3A_511 = arith.constant 0 : i32
    %broadcast_in_dim3A_512 = vector.broadcast %broadcast_in_dim3A_511 : i32 to vector<2x4xi32>
    %slice3A_513 = vector.extract_strided_slice %add3A_510 {offsets = [0, 0], sizes = [2, 8188], strides = [1, 1]} : vector<2x8192xi32> to vector<2x8188xi32>
    %concatenate3A_514 = tpu.concatenate %broadcast_in_dim3A_512, %slice3A_513 in 1 : vector<2x4xi32>, vector<2x8188xi32> -> vector<2x8192xi32>
    %add3A_515 = arith.addi %add3A_510, %concatenate3A_514 : vector<2x8192xi32>
    %broadcast_in_dim3A_516 = arith.constant 0 : i32
    %broadcast_in_dim3A_517 = vector.broadcast %broadcast_in_dim3A_516 : i32 to vector<2x8xi32>
    %slice3A_518 = vector.extract_strided_slice %add3A_515 {offsets = [0, 0], sizes = [2, 8184], strides = [1, 1]} : vector<2x8192xi32> to vector<2x8184xi32>
    %concatenate3A_519 = tpu.concatenate %broadcast_in_dim3A_517, %slice3A_518 in 1 : vector<2x8xi32>, vector<2x8184xi32> -> vector<2x8192xi32>
    %add3A_520 = arith.addi %add3A_515, %concatenate3A_519 : vector<2x8192xi32>
    %broadcast_in_dim3A_521 = arith.constant 0 : i32
    %broadcast_in_dim3A_522 = vector.broadcast %broadcast_in_dim3A_521 : i32 to vector<2x16xi32>
    %slice3A_523 = vector.extract_strided_slice %add3A_520 {offsets = [0, 0], sizes = [2, 8176], strides = [1, 1]} : vector<2x8192xi32> to vector<2x8176xi32>
    %concatenate3A_524 = tpu.concatenate %broadcast_in_dim3A_522, %slice3A_523 in 1 : vector<2x16xi32>, vector<2x8176xi32> -> vector<2x8192xi32>
    %add3A_525 = arith.addi %add3A_520, %concatenate3A_524 : vector<2x8192xi32>
    %broadcast_in_dim3A_526 = arith.constant 0 : i32
    %broadcast_in_dim3A_527 = vector.broadcast %broadcast_in_dim3A_526 : i32 to vector<2x32xi32>
    %slice3A_528 = vector.extract_strided_slice %add3A_525 {offsets = [0, 0], sizes = [2, 8160], strides = [1, 1]} : vector<2x8192xi32> to vector<2x8160xi32>
    %concatenate3A_529 = tpu.concatenate %broadcast_in_dim3A_527, %slice3A_528 in 1 : vector<2x32xi32>, vector<2x8160xi32> -> vector<2x8192xi32>
    %add3A_530 = arith.addi %add3A_525, %concatenate3A_529 : vector<2x8192xi32>
    %broadcast_in_dim3A_531 = arith.constant 0 : i32
    %broadcast_in_dim3A_532 = vector.broadcast %broadcast_in_dim3A_531 : i32 to vector<2x64xi32>
    %slice3A_533 = vector.extract_strided_slice %add3A_530 {offsets = [0, 0], sizes = [2, 8128], strides = [1, 1]} : vector<2x8192xi32> to vector<2x8128xi32>
    %concatenate3A_534 = tpu.concatenate %broadcast_in_dim3A_532, %slice3A_533 in 1 : vector<2x64xi32>, vector<2x8128xi32> -> vector<2x8192xi32>
    %add3A_535 = arith.addi %add3A_530, %concatenate3A_534 : vector<2x8192xi32>
    %broadcast_in_dim3A_536 = arith.constant 0 : i32
    %broadcast_in_dim3A_537 = vector.broadcast %broadcast_in_dim3A_536 : i32 to vector<2x128xi32>
    %slice3A_538 = vector.extract_strided_slice %add3A_535 {offsets = [0, 0], sizes = [2, 8064], strides = [1, 1]} : vector<2x8192xi32> to vector<2x8064xi32>
    %concatenate3A_539 = tpu.concatenate %broadcast_in_dim3A_537, %slice3A_538 in 1 : vector<2x128xi32>, vector<2x8064xi32> -> vector<2x8192xi32>
    %add3A_540 = arith.addi %add3A_535, %concatenate3A_539 : vector<2x8192xi32>
    %broadcast_in_dim3A_541 = arith.constant 0 : i32
    %broadcast_in_dim3A_542 = vector.broadcast %broadcast_in_dim3A_541 : i32 to vector<2x256xi32>
    %slice3A_543 = vector.extract_strided_slice %add3A_540 {offsets = [0, 0], sizes = [2, 7936], strides = [1, 1]} : vector<2x8192xi32> to vector<2x7936xi32>
    %concatenate3A_544 = tpu.concatenate %broadcast_in_dim3A_542, %slice3A_543 in 1 : vector<2x256xi32>, vector<2x7936xi32> -> vector<2x8192xi32>
    %add3A_545 = arith.addi %add3A_540, %concatenate3A_544 : vector<2x8192xi32>
    %broadcast_in_dim3A_546 = arith.constant 0 : i32
    %broadcast_in_dim3A_547 = vector.broadcast %broadcast_in_dim3A_546 : i32 to vector<2x512xi32>
    %slice3A_548 = vector.extract_strided_slice %add3A_545 {offsets = [0, 0], sizes = [2, 7680], strides = [1, 1]} : vector<2x8192xi32> to vector<2x7680xi32>
    %concatenate3A_549 = tpu.concatenate %broadcast_in_dim3A_547, %slice3A_548 in 1 : vector<2x512xi32>, vector<2x7680xi32> -> vector<2x8192xi32>
    %add3A_550 = arith.addi %add3A_545, %concatenate3A_549 : vector<2x8192xi32>
    %broadcast_in_dim3A_551 = arith.constant 0 : i32
    %broadcast_in_dim3A_552 = vector.broadcast %broadcast_in_dim3A_551 : i32 to vector<2x1024xi32>
    %slice3A_553 = vector.extract_strided_slice %add3A_550 {offsets = [0, 0], sizes = [2, 7168], strides = [1, 1]} : vector<2x8192xi32> to vector<2x7168xi32>
    %concatenate3A_554 = tpu.concatenate %broadcast_in_dim3A_552, %slice3A_553 in 1 : vector<2x1024xi32>, vector<2x7168xi32> -> vector<2x8192xi32>
    %add3A_555 = arith.addi %add3A_550, %concatenate3A_554 : vector<2x8192xi32>
    %broadcast_in_dim3A_556 = arith.constant 0 : i32
    %broadcast_in_dim3A_557 = vector.broadcast %broadcast_in_dim3A_556 : i32 to vector<2x2048xi32>
    %slice3A_558 = vector.extract_strided_slice %add3A_555 {offsets = [0, 0], sizes = [2, 6144], strides = [1, 1]} : vector<2x8192xi32> to vector<2x6144xi32>
    %concatenate3A_559 = tpu.concatenate %broadcast_in_dim3A_557, %slice3A_558 in 1 : vector<2x2048xi32>, vector<2x6144xi32> -> vector<2x8192xi32>
    %add3A_560 = arith.addi %add3A_555, %concatenate3A_559 : vector<2x8192xi32>
    %broadcast_in_dim3A_561 = arith.constant 0 : i32
    %broadcast_in_dim3A_562 = vector.broadcast %broadcast_in_dim3A_561 : i32 to vector<2x4096xi32>
    %slice3A_563 = vector.extract_strided_slice %add3A_560 {offsets = [0, 0], sizes = [2, 4096], strides = [1, 1]} : vector<2x8192xi32> to vector<2x4096xi32>
    %concatenate3A_564 = tpu.concatenate %broadcast_in_dim3A_562, %slice3A_563 in 1 : vector<2x4096xi32>, vector<2x4096xi32> -> vector<2x8192xi32>
    %add3A_565 = arith.addi %add3A_560, %concatenate3A_564 : vector<2x8192xi32>
    %iota3A = tpu.iota {dimensions = array<i32: 1>} : vector<2x8192xi32>
    %iota3A_566 = tpu.iota {dimensions = array<i32: 0>} : vector<2x8192xi32>
    %mul3A = arith.constant 4096 : i32
    %mul3A_567 = vector.broadcast %mul3A : i32 to vector<2x8192xi32>
    %mul3A_568 = arith.muli %iota3A_566, %mul3A_567 : vector<2x8192xi32>
    %and3A_569 = arith.constant 511 : i32
    %and3A_570 = vector.broadcast %and3A_569 : i32 to vector<2x8192xi32>
    %and3A_571 = arith.andi %iota3A, %and3A_570 : vector<2x8192xi32>
    %add3A_572 = arith.constant 8192 : i32
    %add3A_573 = vector.broadcast %add3A_572 : i32 to vector<2x8192xi32>
    %add3A_574 = arith.addi %add3A_573, %and3A_571 : vector<2x8192xi32>
    %eq3A_575 = arith.constant 1 : i32
    %eq3A_576 = vector.broadcast %eq3A_575 : i32 to vector<2x8192xi32>
    %eq3A_577 = arith.cmpi eq, %or3A_500, %eq3A_576 : vector<2x8192xi32>
    %add3A_578 = arith.addi %mul3A_568, %add3A_565 : vector<2x8192xi32>
    %sub3A_579 = arith.constant 1 : i32
    %sub3A_580 = vector.broadcast %sub3A_579 : i32 to vector<2x8192xi32>
    %sub3A_581 = arith.subi %add3A_578, %sub3A_580 : vector<2x8192xi32>
    %select_n3A_582 = arith.select %eq3A_577, %sub3A_581, %add3A_574 : vector<2x8192xi1>, vector<2x8192xi32>
    %swap3A = arith.constant 0 : index
    %swap3A_583 = arith.constant 0 : index
    %swap3A_584 = vector.load %arg2[%swap3A, %swap3A_583] : memref<2x8192xi32, #tpu.memory_space<vmem>>, vector<2x8192xi32>
    tpu.vector_store %arg2[%swap3A, %swap3A_583], %select_n3A_582 {strides = array<i32>} : memref<2x8192xi32, #tpu.memory_space<vmem>>, vector<2x8192xi32>,
    %slice3A_585 = vector.extract_strided_slice %add3A_565 {offsets = [0, 0], sizes = [1, 8192], strides = [1, 1]} : vector<2x8192xi32> to vector<1x8192xi32>
    %transpose3A = tpu.transpose %slice3A_585, [1, 0] : vector<1x8192xi32> -> vector<8192x1xi32>
    %iota3A_586 = tpu.iota {dimensions = array<i32: 1>} : vector<1x512xi32>
    %add3A_587 = arith.constant 0 : i32
    %add3A_588 = vector.broadcast %add3A_587 : i32 to vector<1x512xi32>
    %add3A_589 = arith.addi %iota3A_586, %add3A_588 : vector<1x512xi32>
    %le3A_590 = vector.broadcast %transpose3A : vector<8192x1xi32> to vector<8192x512xi32>
    %le3A_591 = vector.broadcast %add3A_589 : vector<1x512xi32> to vector<8192x512xi32>
    %le3A_592 = arith.cmpi sle, %le3A_590, %le3A_591 : vector<8192x512xi32>
    %convert_element_type3A_593 = arith.extui %le3A_592 : vector<8192x512xi1> to vector<8192x512xi32>
    %reduce_sum3A_594 = arith.constant dense<0> : vector<512xi32>
    %reduce_sum3A_595 = vector.multi_reduction <add>, %convert_element_type3A_593, %reduce_sum3A_594 [0] : vector<8192x512xi32> to vector<512xi32>
    %add3A_596 = arith.constant 0 : i32
    %add3A_597 = vector.broadcast %add3A_596 : i32 to vector<512xi32>
    %add3A_598 = arith.addi %reduce_sum3A_595, %add3A_597 : vector<512xi32>
    %swap3A_599 = arith.constant 0 : index
    %swap3A_600 = arith.constant 0 : index
    %swap3A_601 = vector.load %arg1[%swap3A_599, %swap3A_600] : memref<2x4096xi32, #tpu.memory_space<vmem>>, vector<1x512xi32>
    %swap3A_602 = vector.shape_cast %swap3A_601 : vector<1x512xi32> to vector<512xi32>
    %swap3A_603 = vector.shape_cast %add3A_598 : vector<512xi32> to vector<1x512xi32>
    tpu.vector_store %arg1[%swap3A_599, %swap3A_600], %swap3A_603 {strides = array<i32>} : memref<2x4096xi32, #tpu.memory_space<vmem>>, vector<1x512xi32>,
    %iota3A_604 = tpu.iota {dimensions = array<i32: 1>} : vector<1x512xi32>
    %add3A_605 = arith.constant 512 : i32
    %add3A_606 = vector.broadcast %add3A_605 : i32 to vector<1x512xi32>
    %add3A_607 = arith.addi %iota3A_604, %add3A_606 : vector<1x512xi32>
    %le3A_608 = vector.broadcast %transpose3A : vector<8192x1xi32> to vector<8192x512xi32>
    %le3A_609 = vector.broadcast %add3A_607 : vector<1x512xi32> to vector<8192x512xi32>
    %le3A_610 = arith.cmpi sle, %le3A_608, %le3A_609 : vector<8192x512xi32>
    %convert_element_type3A_611 = arith.extui %le3A_610 : vector<8192x512xi1> to vector<8192x512xi32>
    %reduce_sum3A_612 = arith.constant dense<0> : vector<512xi32>
    %reduce_sum3A_613 = vector.multi_reduction <add>, %convert_element_type3A_611, %reduce_sum3A_612 [0] : vector<8192x512xi32> to vector<512xi32>
    %add3A_614 = arith.constant 0 : i32
    %add3A_615 = vector.broadcast %add3A_614 : i32 to vector<512xi32>
    %add3A_616 = arith.addi %reduce_sum3A_613, %add3A_615 : vector<512xi32>
    %swap3A_617 = arith.constant 0 : index
    %swap3A_618 = arith.constant 512 : index
    %swap3A_619 = vector.load %arg1[%swap3A_617, %swap3A_618] : memref<2x4096xi32, #tpu.memory_space<vmem>>, vector<1x512xi32>
    %swap3A_620 = vector.shape_cast %swap3A_619 : vector<1x512xi32> to vector<512xi32>
    %swap3A_621 = vector.shape_cast %add3A_616 : vector<512xi32> to vector<1x512xi32>
    tpu.vector_store %arg1[%swap3A_617, %swap3A_618], %swap3A_621 {strides = array<i32>} : memref<2x4096xi32, #tpu.memory_space<vmem>>, vector<1x512xi32>,
    %iota3A_622 = tpu.iota {dimensions = array<i32: 1>} : vector<1x512xi32>
    %add3A_623 = arith.constant 1024 : i32
    %add3A_624 = vector.broadcast %add3A_623 : i32 to vector<1x512xi32>
    %add3A_625 = arith.addi %iota3A_622, %add3A_624 : vector<1x512xi32>
    %le3A_626 = vector.broadcast %transpose3A : vector<8192x1xi32> to vector<8192x512xi32>
    %le3A_627 = vector.broadcast %add3A_625 : vector<1x512xi32> to vector<8192x512xi32>
    %le3A_628 = arith.cmpi sle, %le3A_626, %le3A_627 : vector<8192x512xi32>
    %convert_element_type3A_629 = arith.extui %le3A_628 : vector<8192x512xi1> to vector<8192x512xi32>
    %reduce_sum3A_630 = arith.constant dense<0> : vector<512xi32>
    %reduce_sum3A_631 = vector.multi_reduction <add>, %convert_element_type3A_629, %reduce_sum3A_630 [0] : vector<8192x512xi32> to vector<512xi32>
    %add3A_632 = arith.constant 0 : i32
    %add3A_633 = vector.broadcast %add3A_632 : i32 to vector<512xi32>
    %add3A_634 = arith.addi %reduce_sum3A_631, %add3A_633 : vector<512xi32>
    %swap3A_635 = arith.constant 0 : index
    %swap3A_636 = arith.constant 1024 : index
    %swap3A_637 = vector.load %arg1[%swap3A_635, %swap3A_636] : memref<2x4096xi32, #tpu.memory_space<vmem>>, vector<1x512xi32>
    %swap3A_638 = vector.shape_cast %swap3A_637 : vector<1x512xi32> to vector<512xi32>
    %swap3A_639 = vector.shape_cast %add3A_634 : vector<512xi32> to vector<1x512xi32>
    tpu.vector_store %arg1[%swap3A_635, %swap3A_636], %swap3A_639 {strides = array<i32>} : memref<2x4096xi32, #tpu.memory_space<vmem>>, vector<1x512xi32>,
    %iota3A_640 = tpu.iota {dimensions = array<i32: 1>} : vector<1x512xi32>
    %add3A_641 = arith.constant 1536 : i32
    %add3A_642 = vector.broadcast %add3A_641 : i32 to vector<1x512xi32>
    %add3A_643 = arith.addi %iota3A_640, %add3A_642 : vector<1x512xi32>
    %le3A_644 = vector.broadcast %transpose3A : vector<8192x1xi32> to vector<8192x512xi32>
    %le3A_645 = vector.broadcast %add3A_643 : vector<1x512xi32> to vector<8192x512xi32>
    %le3A_646 = arith.cmpi sle, %le3A_644, %le3A_645 : vector<8192x512xi32>
    %convert_element_type3A_647 = arith.extui %le3A_646 : vector<8192x512xi1> to vector<8192x512xi32>
    %reduce_sum3A_648 = arith.constant dense<0> : vector<512xi32>
    %reduce_sum3A_649 = vector.multi_reduction <add>, %convert_element_type3A_647, %reduce_sum3A_648 [0] : vector<8192x512xi32> to vector<512xi32>
    %add3A_650 = arith.constant 0 : i32
    %add3A_651 = vector.broadcast %add3A_650 : i32 to vector<512xi32>
    %add3A_652 = arith.addi %reduce_sum3A_649, %add3A_651 : vector<512xi32>
    %swap3A_653 = arith.constant 0 : index
    %swap3A_654 = arith.constant 1536 : index
    %swap3A_655 = vector.load %arg1[%swap3A_653, %swap3A_654] : memref<2x4096xi32, #tpu.memory_space<vmem>>, vector<1x512xi32>
    %swap3A_656 = vector.shape_cast %swap3A_655 : vector<1x512xi32> to vector<512xi32>
    %swap3A_657 = vector.shape_cast %add3A_652 : vector<512xi32> to vector<1x512xi32>
    tpu.vector_store %arg1[%swap3A_653, %swap3A_654], %swap3A_657 {strides = array<i32>} : memref<2x4096xi32, #tpu.memory_space<vmem>>, vector<1x512xi32>,
    %iota3A_658 = tpu.iota {dimensions = array<i32: 1>} : vector<1x512xi32>
    %add3A_659 = arith.constant 2048 : i32
    %add3A_660 = vector.broadcast %add3A_659 : i32 to vector<1x512xi32>
    %add3A_661 = arith.addi %iota3A_658, %add3A_660 : vector<1x512xi32>
    %le3A_662 = vector.broadcast %transpose3A : vector<8192x1xi32> to vector<8192x512xi32>
    %le3A_663 = vector.broadcast %add3A_661 : vector<1x512xi32> to vector<8192x512xi32>
    %le3A_664 = arith.cmpi sle, %le3A_662, %le3A_663 : vector<8192x512xi32>
    %convert_element_type3A_665 = arith.extui %le3A_664 : vector<8192x512xi1> to vector<8192x512xi32>
    %reduce_sum3A_666 = arith.constant dense<0> : vector<512xi32>
    %reduce_sum3A_667 = vector.multi_reduction <add>, %convert_element_type3A_665, %reduce_sum3A_666 [0] : vector<8192x512xi32> to vector<512xi32>
    %add3A_668 = arith.constant 0 : i32
    %add3A_669 = vector.broadcast %add3A_668 : i32 to vector<512xi32>
    %add3A_670 = arith.addi %reduce_sum3A_667, %add3A_669 : vector<512xi32>
    %swap3A_671 = arith.constant 0 : index
    %swap3A_672 = arith.constant 2048 : index
    %swap3A_673 = vector.load %arg1[%swap3A_671, %swap3A_672] : memref<2x4096xi32, #tpu.memory_space<vmem>>, vector<1x512xi32>
    %swap3A_674 = vector.shape_cast %swap3A_673 : vector<1x512xi32> to vector<512xi32>
    %swap3A_675 = vector.shape_cast %add3A_670 : vector<512xi32> to vector<1x512xi32>
    tpu.vector_store %arg1[%swap3A_671, %swap3A_672], %swap3A_675 {strides = array<i32>} : memref<2x4096xi32, #tpu.memory_space<vmem>>, vector<1x512xi32>,
    %iota3A_676 = tpu.iota {dimensions = array<i32: 1>} : vector<1x512xi32>
    %add3A_677 = arith.constant 2560 : i32
    %add3A_678 = vector.broadcast %add3A_677 : i32 to vector<1x512xi32>
    %add3A_679 = arith.addi %iota3A_676, %add3A_678 : vector<1x512xi32>
    %le3A_680 = vector.broadcast %transpose3A : vector<8192x1xi32> to vector<8192x512xi32>
    %le3A_681 = vector.broadcast %add3A_679 : vector<1x512xi32> to vector<8192x512xi32>
    %le3A_682 = arith.cmpi sle, %le3A_680, %le3A_681 : vector<8192x512xi32>
    %convert_element_type3A_683 = arith.extui %le3A_682 : vector<8192x512xi1> to vector<8192x512xi32>
    %reduce_sum3A_684 = arith.constant dense<0> : vector<512xi32>
    %reduce_sum3A_685 = vector.multi_reduction <add>, %convert_element_type3A_683, %reduce_sum3A_684 [0] : vector<8192x512xi32> to vector<512xi32>
    %add3A_686 = arith.constant 0 : i32
    %add3A_687 = vector.broadcast %add3A_686 : i32 to vector<512xi32>
    %add3A_688 = arith.addi %reduce_sum3A_685, %add3A_687 : vector<512xi32>
    %swap3A_689 = arith.constant 0 : index
    %swap3A_690 = arith.constant 2560 : index
    %swap3A_691 = vector.load %arg1[%swap3A_689, %swap3A_690] : memref<2x4096xi32, #tpu.memory_space<vmem>>, vector<1x512xi32>
    %swap3A_692 = vector.shape_cast %swap3A_691 : vector<1x512xi32> to vector<512xi32>
    %swap3A_693 = vector.shape_cast %add3A_688 : vector<512xi32> to vector<1x512xi32>
    tpu.vector_store %arg1[%swap3A_689, %swap3A_690], %swap3A_693 {strides = array<i32>} : memref<2x4096xi32, #tpu.memory_space<vmem>>, vector<1x512xi32>,
    %iota3A_694 = tpu.iota {dimensions = array<i32: 1>} : vector<1x512xi32>
    %add3A_695 = arith.constant 3072 : i32
    %add3A_696 = vector.broadcast %add3A_695 : i32 to vector<1x512xi32>
    %add3A_697 = arith.addi %iota3A_694, %add3A_696 : vector<1x512xi32>
    %le3A_698 = vector.broadcast %transpose3A : vector<8192x1xi32> to vector<8192x512xi32>
    %le3A_699 = vector.broadcast %add3A_697 : vector<1x512xi32> to vector<8192x512xi32>
    %le3A_700 = arith.cmpi sle, %le3A_698, %le3A_699 : vector<8192x512xi32>
    %convert_element_type3A_701 = arith.extui %le3A_700 : vector<8192x512xi1> to vector<8192x512xi32>
    %reduce_sum3A_702 = arith.constant dense<0> : vector<512xi32>
    %reduce_sum3A_703 = vector.multi_reduction <add>, %convert_element_type3A_701, %reduce_sum3A_702 [0] : vector<8192x512xi32> to vector<512xi32>
    %add3A_704 = arith.constant 0 : i32
    %add3A_705 = vector.broadcast %add3A_704 : i32 to vector<512xi32>
    %add3A_706 = arith.addi %reduce_sum3A_703, %add3A_705 : vector<512xi32>
    %swap3A_707 = arith.constant 0 : index
    %swap3A_708 = arith.constant 3072 : index
    %swap3A_709 = vector.load %arg1[%swap3A_707, %swap3A_708] : memref<2x4096xi32, #tpu.memory_space<vmem>>, vector<1x512xi32>
    %swap3A_710 = vector.shape_cast %swap3A_709 : vector<1x512xi32> to vector<512xi32>
    %swap3A_711 = vector.shape_cast %add3A_706 : vector<512xi32> to vector<1x512xi32>
    tpu.vector_store %arg1[%swap3A_707, %swap3A_708], %swap3A_711 {strides = array<i32>} : memref<2x4096xi32, #tpu.memory_space<vmem>>, vector<1x512xi32>,
    %iota3A_712 = tpu.iota {dimensions = array<i32: 1>} : vector<1x512xi32>
    %add3A_713 = arith.constant 3584 : i32
    %add3A_714 = vector.broadcast %add3A_713 : i32 to vector<1x512xi32>
    %add3A_715 = arith.addi %iota3A_712, %add3A_714 : vector<1x512xi32>
    %le3A_716 = vector.broadcast %transpose3A : vector<8192x1xi32> to vector<8192x512xi32>
    %le3A_717 = vector.broadcast %add3A_715 : vector<1x512xi32> to vector<8192x512xi32>
    %le3A_718 = arith.cmpi sle, %le3A_716, %le3A_717 : vector<8192x512xi32>
    %convert_element_type3A_719 = arith.extui %le3A_718 : vector<8192x512xi1> to vector<8192x512xi32>
    %reduce_sum3A_720 = arith.constant dense<0> : vector<512xi32>
    %reduce_sum3A_721 = vector.multi_reduction <add>, %convert_element_type3A_719, %reduce_sum3A_720 [0] : vector<8192x512xi32> to vector<512xi32>
    %add3A_722 = arith.constant 0 : i32
    %add3A_723 = vector.broadcast %add3A_722 : i32 to vector<512xi32>
    %add3A_724 = arith.addi %reduce_sum3A_721, %add3A_723 : vector<512xi32>
    %swap3A_725 = arith.constant 0 : index
    %swap3A_726 = arith.constant 3584 : index
    %swap3A_727 = vector.load %arg1[%swap3A_725, %swap3A_726] : memref<2x4096xi32, #tpu.memory_space<vmem>>, vector<1x512xi32>
    %swap3A_728 = vector.shape_cast %swap3A_727 : vector<1x512xi32> to vector<512xi32>
    %swap3A_729 = vector.shape_cast %add3A_724 : vector<512xi32> to vector<1x512xi32>
    tpu.vector_store %arg1[%swap3A_725, %swap3A_726], %swap3A_729 {strides = array<i32>} : memref<2x4096xi32, #tpu.memory_space<vmem>>, vector<1x512xi32>,
    %slice3A_730 = vector.extract_strided_slice %add3A_565 {offsets = [1, 0], sizes = [1, 8192], strides = [1, 1]} : vector<2x8192xi32> to vector<1x8192xi32>
    %transpose3A_731 = tpu.transpose %slice3A_730, [1, 0] : vector<1x8192xi32> -> vector<8192x1xi32>
    %iota3A_732 = tpu.iota {dimensions = array<i32: 1>} : vector<1x512xi32>
    %add3A_733 = arith.constant 0 : i32
    %add3A_734 = vector.broadcast %add3A_733 : i32 to vector<1x512xi32>
    %add3A_735 = arith.addi %iota3A_732, %add3A_734 : vector<1x512xi32>
    %le3A_736 = vector.broadcast %transpose3A_731 : vector<8192x1xi32> to vector<8192x512xi32>
    %le3A_737 = vector.broadcast %add3A_735 : vector<1x512xi32> to vector<8192x512xi32>
    %le3A_738 = arith.cmpi sle, %le3A_736, %le3A_737 : vector<8192x512xi32>
    %convert_element_type3A_739 = arith.extui %le3A_738 : vector<8192x512xi1> to vector<8192x512xi32>
    %reduce_sum3A_740 = arith.constant dense<0> : vector<512xi32>
    %reduce_sum3A_741 = vector.multi_reduction <add>, %convert_element_type3A_739, %reduce_sum3A_740 [0] : vector<8192x512xi32> to vector<512xi32>
    %add3A_742 = arith.constant 8192 : i32
    %add3A_743 = vector.broadcast %add3A_742 : i32 to vector<512xi32>
    %add3A_744 = arith.addi %reduce_sum3A_741, %add3A_743 : vector<512xi32>
    %swap3A_745 = arith.constant 1 : index
    %swap3A_746 = arith.constant 0 : index
    %swap3A_747 = vector.load %arg1[%swap3A_745, %swap3A_746] : memref<2x4096xi32, #tpu.memory_space<vmem>>, vector<1x512xi32>
    %swap3A_748 = vector.shape_cast %swap3A_747 : vector<1x512xi32> to vector<512xi32>
    %swap3A_749 = vector.shape_cast %add3A_744 : vector<512xi32> to vector<1x512xi32>
    tpu.vector_store %arg1[%swap3A_745, %swap3A_746], %swap3A_749 {strides = array<i32>} : memref<2x4096xi32, #tpu.memory_space<vmem>>, vector<1x512xi32>,
    %iota3A_750 = tpu.iota {dimensions = array<i32: 1>} : vector<1x512xi32>
    %add3A_751 = arith.constant 512 : i32
    %add3A_752 = vector.broadcast %add3A_751 : i32 to vector<1x512xi32>
    %add3A_753 = arith.addi %iota3A_750, %add3A_752 : vector<1x512xi32>
    %le3A_754 = vector.broadcast %transpose3A_731 : vector<8192x1xi32> to vector<8192x512xi32>
    %le3A_755 = vector.broadcast %add3A_753 : vector<1x512xi32> to vector<8192x512xi32>
    %le3A_756 = arith.cmpi sle, %le3A_754, %le3A_755 : vector<8192x512xi32>
    %convert_element_type3A_757 = arith.extui %le3A_756 : vector<8192x512xi1> to vector<8192x512xi32>
    %reduce_sum3A_758 = arith.constant dense<0> : vector<512xi32>
    %reduce_sum3A_759 = vector.multi_reduction <add>, %convert_element_type3A_757, %reduce_sum3A_758 [0] : vector<8192x512xi32> to vector<512xi32>
    %add3A_760 = arith.constant 8192 : i32
    %add3A_761 = vector.broadcast %add3A_760 : i32 to vector<512xi32>
    %add3A_762 = arith.addi %reduce_sum3A_759, %add3A_761 : vector<512xi32>
    %swap3A_763 = arith.constant 1 : index
    %swap3A_764 = arith.constant 512 : index
    %swap3A_765 = vector.load %arg1[%swap3A_763, %swap3A_764] : memref<2x4096xi32, #tpu.memory_space<vmem>>, vector<1x512xi32>
    %swap3A_766 = vector.shape_cast %swap3A_765 : vector<1x512xi32> to vector<512xi32>
    %swap3A_767 = vector.shape_cast %add3A_762 : vector<512xi32> to vector<1x512xi32>
    tpu.vector_store %arg1[%swap3A_763, %swap3A_764], %swap3A_767 {strides = array<i32>} : memref<2x4096xi32, #tpu.memory_space<vmem>>, vector<1x512xi32>,
    %iota3A_768 = tpu.iota {dimensions = array<i32: 1>} : vector<1x512xi32>
    %add3A_769 = arith.constant 1024 : i32
    %add3A_770 = vector.broadcast %add3A_769 : i32 to vector<1x512xi32>
    %add3A_771 = arith.addi %iota3A_768, %add3A_770 : vector<1x512xi32>
    %le3A_772 = vector.broadcast %transpose3A_731 : vector<8192x1xi32> to vector<8192x512xi32>
    %le3A_773 = vector.broadcast %add3A_771 : vector<1x512xi32> to vector<8192x512xi32>
    %le3A_774 = arith.cmpi sle, %le3A_772, %le3A_773 : vector<8192x512xi32>
    %convert_element_type3A_775 = arith.extui %le3A_774 : vector<8192x512xi1> to vector<8192x512xi32>
    %reduce_sum3A_776 = arith.constant dense<0> : vector<512xi32>
    %reduce_sum3A_777 = vector.multi_reduction <add>, %convert_element_type3A_775, %reduce_sum3A_776 [0] : vector<8192x512xi32> to vector<512xi32>
    %add3A_778 = arith.constant 8192 : i32
    %add3A_779 = vector.broadcast %add3A_778 : i32 to vector<512xi32>
    %add3A_780 = arith.addi %reduce_sum3A_777, %add3A_779 : vector<512xi32>
    %swap3A_781 = arith.constant 1 : index
    %swap3A_782 = arith.constant 1024 : index
    %swap3A_783 = vector.load %arg1[%swap3A_781, %swap3A_782] : memref<2x4096xi32, #tpu.memory_space<vmem>>, vector<1x512xi32>
    %swap3A_784 = vector.shape_cast %swap3A_783 : vector<1x512xi32> to vector<512xi32>
    %swap3A_785 = vector.shape_cast %add3A_780 : vector<512xi32> to vector<1x512xi32>
    tpu.vector_store %arg1[%swap3A_781, %swap3A_782], %swap3A_785 {strides = array<i32>} : memref<2x4096xi32, #tpu.memory_space<vmem>>, vector<1x512xi32>,
    %iota3A_786 = tpu.iota {dimensions = array<i32: 1>} : vector<1x512xi32>
    %add3A_787 = arith.constant 1536 : i32
    %add3A_788 = vector.broadcast %add3A_787 : i32 to vector<1x512xi32>
    %add3A_789 = arith.addi %iota3A_786, %add3A_788 : vector<1x512xi32>
    %le3A_790 = vector.broadcast %transpose3A_731 : vector<8192x1xi32> to vector<8192x512xi32>
    %le3A_791 = vector.broadcast %add3A_789 : vector<1x512xi32> to vector<8192x512xi32>
    %le3A_792 = arith.cmpi sle, %le3A_790, %le3A_791 : vector<8192x512xi32>
    %convert_element_type3A_793 = arith.extui %le3A_792 : vector<8192x512xi1> to vector<8192x512xi32>
    %reduce_sum3A_794 = arith.constant dense<0> : vector<512xi32>
    %reduce_sum3A_795 = vector.multi_reduction <add>, %convert_element_type3A_793, %reduce_sum3A_794 [0] : vector<8192x512xi32> to vector<512xi32>
    %add3A_796 = arith.constant 8192 : i32
    %add3A_797 = vector.broadcast %add3A_796 : i32 to vector<512xi32>
    %add3A_798 = arith.addi %reduce_sum3A_795, %add3A_797 : vector<512xi32>
    %swap3A_799 = arith.constant 1 : index
    %swap3A_800 = arith.constant 1536 : index
    %swap3A_801 = vector.load %arg1[%swap3A_799, %swap3A_800] : memref<2x4096xi32, #tpu.memory_space<vmem>>, vector<1x512xi32>
    %swap3A_802 = vector.shape_cast %swap3A_801 : vector<1x512xi32> to vector<512xi32>
    %swap3A_803 = vector.shape_cast %add3A_798 : vector<512xi32> to vector<1x512xi32>
    tpu.vector_store %arg1[%swap3A_799, %swap3A_800], %swap3A_803 {strides = array<i32>} : memref<2x4096xi32, #tpu.memory_space<vmem>>, vector<1x512xi32>,
    %iota3A_804 = tpu.iota {dimensions = array<i32: 1>} : vector<1x512xi32>
    %add3A_805 = arith.constant 2048 : i32
    %add3A_806 = vector.broadcast %add3A_805 : i32 to vector<1x512xi32>
    %add3A_807 = arith.addi %iota3A_804, %add3A_806 : vector<1x512xi32>
    %le3A_808 = vector.broadcast %transpose3A_731 : vector<8192x1xi32> to vector<8192x512xi32>
    %le3A_809 = vector.broadcast %add3A_807 : vector<1x512xi32> to vector<8192x512xi32>
    %le3A_810 = arith.cmpi sle, %le3A_808, %le3A_809 : vector<8192x512xi32>
    %convert_element_type3A_811 = arith.extui %le3A_810 : vector<8192x512xi1> to vector<8192x512xi32>
    %reduce_sum3A_812 = arith.constant dense<0> : vector<512xi32>
    %reduce_sum3A_813 = vector.multi_reduction <add>, %convert_element_type3A_811, %reduce_sum3A_812 [0] : vector<8192x512xi32> to vector<512xi32>
    %add3A_814 = arith.constant 8192 : i32
    %add3A_815 = vector.broadcast %add3A_814 : i32 to vector<512xi32>
    %add3A_816 = arith.addi %reduce_sum3A_813, %add3A_815 : vector<512xi32>
    %swap3A_817 = arith.constant 1 : index
    %swap3A_818 = arith.constant 2048 : index
    %swap3A_819 = vector.load %arg1[%swap3A_817, %swap3A_818] : memref<2x4096xi32, #tpu.memory_space<vmem>>, vector<1x512xi32>
    %swap3A_820 = vector.shape_cast %swap3A_819 : vector<1x512xi32> to vector<512xi32>
    %swap3A_821 = vector.shape_cast %add3A_816 : vector<512xi32> to vector<1x512xi32>
    tpu.vector_store %arg1[%swap3A_817, %swap3A_818], %swap3A_821 {strides = array<i32>} : memref<2x4096xi32, #tpu.memory_space<vmem>>, vector<1x512xi32>,
    %iota3A_822 = tpu.iota {dimensions = array<i32: 1>} : vector<1x512xi32>
    %add3A_823 = arith.constant 2560 : i32
    %add3A_824 = vector.broadcast %add3A_823 : i32 to vector<1x512xi32>
    %add3A_825 = arith.addi %iota3A_822, %add3A_824 : vector<1x512xi32>
    %le3A_826 = vector.broadcast %transpose3A_731 : vector<8192x1xi32> to vector<8192x512xi32>
    %le3A_827 = vector.broadcast %add3A_825 : vector<1x512xi32> to vector<8192x512xi32>
    %le3A_828 = arith.cmpi sle, %le3A_826, %le3A_827 : vector<8192x512xi32>
    %convert_element_type3A_829 = arith.extui %le3A_828 : vector<8192x512xi1> to vector<8192x512xi32>
    %reduce_sum3A_830 = arith.constant dense<0> : vector<512xi32>
    %reduce_sum3A_831 = vector.multi_reduction <add>, %convert_element_type3A_829, %reduce_sum3A_830 [0] : vector<8192x512xi32> to vector<512xi32>
    %add3A_832 = arith.constant 8192 : i32
    %add3A_833 = vector.broadcast %add3A_832 : i32 to vector<512xi32>
    %add3A_834 = arith.addi %reduce_sum3A_831, %add3A_833 : vector<512xi32>
    %swap3A_835 = arith.constant 1 : index
    %swap3A_836 = arith.constant 2560 : index
    %swap3A_837 = vector.load %arg1[%swap3A_835, %swap3A_836] : memref<2x4096xi32, #tpu.memory_space<vmem>>, vector<1x512xi32>
    %swap3A_838 = vector.shape_cast %swap3A_837 : vector<1x512xi32> to vector<512xi32>
    %swap3A_839 = vector.shape_cast %add3A_834 : vector<512xi32> to vector<1x512xi32>
    tpu.vector_store %arg1[%swap3A_835, %swap3A_836], %swap3A_839 {strides = array<i32>} : memref<2x4096xi32, #tpu.memory_space<vmem>>, vector<1x512xi32>,
    %iota3A_840 = tpu.iota {dimensions = array<i32: 1>} : vector<1x512xi32>
    %add3A_841 = arith.constant 3072 : i32
    %add3A_842 = vector.broadcast %add3A_841 : i32 to vector<1x512xi32>
    %add3A_843 = arith.addi %iota3A_840, %add3A_842 : vector<1x512xi32>
    %le3A_844 = vector.broadcast %transpose3A_731 : vector<8192x1xi32> to vector<8192x512xi32>
    %le3A_845 = vector.broadcast %add3A_843 : vector<1x512xi32> to vector<8192x512xi32>
    %le3A_846 = arith.cmpi sle, %le3A_844, %le3A_845 : vector<8192x512xi32>
    %convert_element_type3A_847 = arith.extui %le3A_846 : vector<8192x512xi1> to vector<8192x512xi32>
    %reduce_sum3A_848 = arith.constant dense<0> : vector<512xi32>
    %reduce_sum3A_849 = vector.multi_reduction <add>, %convert_element_type3A_847, %reduce_sum3A_848 [0] : vector<8192x512xi32> to vector<512xi32>
    %add3A_850 = arith.constant 8192 : i32
    %add3A_851 = vector.broadcast %add3A_850 : i32 to vector<512xi32>
    %add3A_852 = arith.addi %reduce_sum3A_849, %add3A_851 : vector<512xi32>
    %swap3A_853 = arith.constant 1 : index
    %swap3A_854 = arith.constant 3072 : index
    %swap3A_855 = vector.load %arg1[%swap3A_853, %swap3A_854] : memref<2x4096xi32, #tpu.memory_space<vmem>>, vector<1x512xi32>
    %swap3A_856 = vector.shape_cast %swap3A_855 : vector<1x512xi32> to vector<512xi32>
    %swap3A_857 = vector.shape_cast %add3A_852 : vector<512xi32> to vector<1x512xi32>
    tpu.vector_store %arg1[%swap3A_853, %swap3A_854], %swap3A_857 {strides = array<i32>} : memref<2x4096xi32, #tpu.memory_space<vmem>>, vector<1x512xi32>,
    %iota3A_858 = tpu.iota {dimensions = array<i32: 1>} : vector<1x512xi32>
    %add3A_859 = arith.constant 3584 : i32
    %add3A_860 = vector.broadcast %add3A_859 : i32 to vector<1x512xi32>
    %add3A_861 = arith.addi %iota3A_858, %add3A_860 : vector<1x512xi32>
    %le3A_862 = vector.broadcast %transpose3A_731 : vector<8192x1xi32> to vector<8192x512xi32>
    %le3A_863 = vector.broadcast %add3A_861 : vector<1x512xi32> to vector<8192x512xi32>
    %le3A_864 = arith.cmpi sle, %le3A_862, %le3A_863 : vector<8192x512xi32>
    %convert_element_type3A_865 = arith.extui %le3A_864 : vector<8192x512xi1> to vector<8192x512xi32>
    %reduce_sum3A_866 = arith.constant dense<0> : vector<512xi32>
    %reduce_sum3A_867 = vector.multi_reduction <add>, %convert_element_type3A_865, %reduce_sum3A_866 [0] : vector<8192x512xi32> to vector<512xi32>
    %add3A_868 = arith.constant 8192 : i32
    %add3A_869 = vector.broadcast %add3A_868 : i32 to vector<512xi32>
    %add3A_870 = arith.addi %reduce_sum3A_867, %add3A_869 : vector<512xi32>
    %swap3A_871 = arith.constant 1 : index
    %swap3A_872 = arith.constant 3584 : index
    %swap3A_873 = vector.load %arg1[%swap3A_871, %swap3A_872] : memref<2x4096xi32, #tpu.memory_space<vmem>>, vector<1x512xi32>
    %swap3A_874 = vector.shape_cast %swap3A_873 : vector<1x512xi32> to vector<512xi32>
    %swap3A_875 = vector.shape_cast %add3A_870 : vector<512xi32> to vector<1x512xi32>
    tpu.vector_store %arg1[%swap3A_871, %swap3A_872], %swap3A_875 {strides = array<i32>} : memref<2x4096xi32, #tpu.memory_space<vmem>>, vector<1x512xi32>,
    return
  }
}

module attributes {stable_mosaic.version = 14 : i64} {
  func.func @_mlp_body(%arg0: i32, %arg1: memref<1024x1024xf32, #tpu.memory_space<vmem>>, %arg2: memref<1024x4096xbf16, #tpu.memory_space<vmem>>, %arg3: memref<1x4096xf32, #tpu.memory_space<vmem>>, %arg4: memref<4096x1024xbf16, #tpu.memory_space<vmem>>, %arg5: memref<1x1024xf32, #tpu.memory_space<vmem>>, %arg6: memref<1024x1024xf32, #tpu.memory_space<vmem>>) attributes {dimension_semantics = [#tpu.dimension_semantics<arbitrary>], iteration_bounds = array<i64: 8>, scalar_prefetch = 0 : i64, scratch_operands = 0 : i64, tpu.core_type = #tpu.core_type<tc>, window_params = [{transform_indices = @transform_0, window_bounds = array<i64: 1024, 1024>}, {pipeline_mode = #tpu.pipeline_mode<synchronous>, transform_indices = @transform_1, window_bounds = array<i64: 1024, 4096>}, {pipeline_mode = #tpu.pipeline_mode<synchronous>, transform_indices = @transform_2, window_bounds = array<i64: 1, 4096>}, {pipeline_mode = #tpu.pipeline_mode<synchronous>, transform_indices = @transform_3, window_bounds = array<i64: 4096, 1024>}, {pipeline_mode = #tpu.pipeline_mode<synchronous>, transform_indices = @transform_4, window_bounds = array<i64: 1, 1024>}, {transform_indices = @transform_5, window_bounds = array<i64: 1024, 1024>}]} {
    %get3A = arith.constant 0 : index
    %get3A_0 = arith.constant 0 : index
    %get3A_1 = vector.load %arg1[%get3A, %get3A_0] : memref<1024x1024xf32, #tpu.memory_space<vmem>>, vector<1024x1024xf32>
    %convert_element_type3A = arith.truncf %get3A_1 : vector<1024x1024xf32> to vector<1024x1024xbf16>
    %broadcast_in_dim3A = arith.constant 0.000000e+00 : f32
    %broadcast_in_dim3A_2 = vector.broadcast %broadcast_in_dim3A : f32 to vector<1024x1024xf32>
    %get3A_3 = arith.constant 0 : index
    %get3A_4 = arith.constant 0 : index
    %get3A_5 = vector.load %arg5[%get3A_3, %get3A_4] : memref<1x1024xf32, #tpu.memory_space<vmem>>, vector<1x1024xf32>
    %add3A = vector.broadcast %get3A_5 : vector<1x1024xf32> to vector<1024x1024xf32>
    %add3A_6 = arith.addf %broadcast_in_dim3A_2, %add3A : vector<1024x1024xf32>
    %get3A_7 = arith.constant 0 : index
    %get3A_8 = arith.constant 0 : index
    %get3A_9 = vector.load %arg2[%get3A_7, %get3A_8] : memref<1024x4096xbf16, #tpu.memory_space<vmem>>, vector<1024x1024xbf16>
    %dot_general3A = arith.constant dense<0.000000e+00> : vector<1024x1024xf32>
    %dot_general3A_10 = tpu.matmul %convert_element_type3A, %get3A_9, %dot_general3A {dimension_numbers = #tpu.dot_dimension_numbers<[1], [0], [0], [1], [0, 0, 1, 1], [], []>, transpose_lhs_hint = false} : vector<1024x1024xbf16>, vector<1024x1024xbf16>, vector<1024x1024xf32> -> vector<1024x1024xf32>
    %get3A_11 = arith.constant 0 : index
    %get3A_12 = arith.constant 0 : index
    %get3A_13 = vector.load %arg3[%get3A_11, %get3A_12] : memref<1x4096xf32, #tpu.memory_space<vmem>>, vector<1x1024xf32>
    %add3A_14 = vector.broadcast %get3A_13 : vector<1x1024xf32> to vector<1024x1024xf32>
    %add3A_15 = arith.addf %dot_general3A_10, %add3A_14 : vector<1024x1024xf32>
    %integer_pow3A = arith.mulf %add3A_15, %add3A_15 : vector<1024x1024xf32>
    %integer_pow3A_16 = arith.mulf %add3A_15, %integer_pow3A : vector<1024x1024xf32>
    %mul3A = arith.constant 4.471500e-02 : f32
    %mul3A_17 = vector.broadcast %mul3A : f32 to vector<1024x1024xf32>
    %mul3A_18 = arith.mulf %mul3A_17, %integer_pow3A_16 : vector<1024x1024xf32>
    %add3A_19 = arith.addf %add3A_15, %mul3A_18 : vector<1024x1024xf32>
    %mul3A_20 = arith.constant 0.797884583 : f32
    %mul3A_21 = vector.broadcast %mul3A_20 : f32 to vector<1024x1024xf32>
    %mul3A_22 = arith.mulf %mul3A_21, %add3A_19 : vector<1024x1024xf32>
    %tanh3A = math.tanh %mul3A_22 : vector<1024x1024xf32>
    %add3A_23 = arith.constant 1.000000e+00 : f32
    %add3A_24 = vector.broadcast %add3A_23 : f32 to vector<1024x1024xf32>
    %add3A_25 = arith.addf %add3A_24, %tanh3A : vector<1024x1024xf32>
    %mul3A_26 = arith.constant 5.000000e-01 : f32
    %mul3A_27 = vector.broadcast %mul3A_26 : f32 to vector<1024x1024xf32>
    %mul3A_28 = arith.mulf %mul3A_27, %add3A_25 : vector<1024x1024xf32>
    %mul3A_29 = arith.mulf %add3A_15, %mul3A_28 : vector<1024x1024xf32>
    %convert_element_type3A_30 = arith.truncf %mul3A_29 : vector<1024x1024xf32> to vector<1024x1024xbf16>
    %get3A_31 = arith.constant 0 : index
    %get3A_32 = arith.constant 0 : index
    %get3A_33 = vector.load %arg4[%get3A_31, %get3A_32] : memref<4096x1024xbf16, #tpu.memory_space<vmem>>, vector<1024x1024xbf16>
    %dot_general3A_34 = arith.constant dense<0.000000e+00> : vector<1024x1024xf32>
    %dot_general3A_35 = tpu.matmul %convert_element_type3A_30, %get3A_33, %dot_general3A_34 {dimension_numbers = #tpu.dot_dimension_numbers<[1], [0], [0], [1], [0, 0, 1, 1], [], []>, transpose_lhs_hint = false} : vector<1024x1024xbf16>, vector<1024x1024xbf16>, vector<1024x1024xf32> -> vector<1024x1024xf32>
    %add3A_36 = arith.addf %add3A_6, %dot_general3A_35 : vector<1024x1024xf32>
    %get3A_37 = arith.constant 0 : index
    %get3A_38 = arith.constant 1024 : index
    %get3A_39 = vector.load %arg2[%get3A_37, %get3A_38] : memref<1024x4096xbf16, #tpu.memory_space<vmem>>, vector<1024x1024xbf16>
    %dot_general3A_40 = arith.constant dense<0.000000e+00> : vector<1024x1024xf32>
    %dot_general3A_41 = tpu.matmul %convert_element_type3A, %get3A_39, %dot_general3A_40 {dimension_numbers = #tpu.dot_dimension_numbers<[1], [0], [0], [1], [0, 0, 1, 1], [], []>, transpose_lhs_hint = false} : vector<1024x1024xbf16>, vector<1024x1024xbf16>, vector<1024x1024xf32> -> vector<1024x1024xf32>
    %get3A_42 = arith.constant 0 : index
    %get3A_43 = arith.constant 1024 : index
    %get3A_44 = vector.load %arg3[%get3A_42, %get3A_43] : memref<1x4096xf32, #tpu.memory_space<vmem>>, vector<1x1024xf32>
    %add3A_45 = vector.broadcast %get3A_44 : vector<1x1024xf32> to vector<1024x1024xf32>
    %add3A_46 = arith.addf %dot_general3A_41, %add3A_45 : vector<1024x1024xf32>
    %integer_pow3A_47 = arith.mulf %add3A_46, %add3A_46 : vector<1024x1024xf32>
    %integer_pow3A_48 = arith.mulf %add3A_46, %integer_pow3A_47 : vector<1024x1024xf32>
    %mul3A_49 = arith.constant 4.471500e-02 : f32
    %mul3A_50 = vector.broadcast %mul3A_49 : f32 to vector<1024x1024xf32>
    %mul3A_51 = arith.mulf %mul3A_50, %integer_pow3A_48 : vector<1024x1024xf32>
    %add3A_52 = arith.addf %add3A_46, %mul3A_51 : vector<1024x1024xf32>
    %mul3A_53 = arith.constant 0.797884583 : f32
    %mul3A_54 = vector.broadcast %mul3A_53 : f32 to vector<1024x1024xf32>
    %mul3A_55 = arith.mulf %mul3A_54, %add3A_52 : vector<1024x1024xf32>
    %tanh3A_56 = math.tanh %mul3A_55 : vector<1024x1024xf32>
    %add3A_57 = arith.constant 1.000000e+00 : f32
    %add3A_58 = vector.broadcast %add3A_57 : f32 to vector<1024x1024xf32>
    %add3A_59 = arith.addf %add3A_58, %tanh3A_56 : vector<1024x1024xf32>
    %mul3A_60 = arith.constant 5.000000e-01 : f32
    %mul3A_61 = vector.broadcast %mul3A_60 : f32 to vector<1024x1024xf32>
    %mul3A_62 = arith.mulf %mul3A_61, %add3A_59 : vector<1024x1024xf32>
    %mul3A_63 = arith.mulf %add3A_46, %mul3A_62 : vector<1024x1024xf32>
    %convert_element_type3A_64 = arith.truncf %mul3A_63 : vector<1024x1024xf32> to vector<1024x1024xbf16>
    %get3A_65 = arith.constant 1024 : index
    %get3A_66 = arith.constant 0 : index
    %get3A_67 = vector.load %arg4[%get3A_65, %get3A_66] : memref<4096x1024xbf16, #tpu.memory_space<vmem>>, vector<1024x1024xbf16>
    %dot_general3A_68 = arith.constant dense<0.000000e+00> : vector<1024x1024xf32>
    %dot_general3A_69 = tpu.matmul %convert_element_type3A_64, %get3A_67, %dot_general3A_68 {dimension_numbers = #tpu.dot_dimension_numbers<[1], [0], [0], [1], [0, 0, 1, 1], [], []>, transpose_lhs_hint = false} : vector<1024x1024xbf16>, vector<1024x1024xbf16>, vector<1024x1024xf32> -> vector<1024x1024xf32>
    %add3A_70 = arith.addf %add3A_36, %dot_general3A_69 : vector<1024x1024xf32>
    %get3A_71 = arith.constant 0 : index
    %get3A_72 = arith.constant 2048 : index
    %get3A_73 = vector.load %arg2[%get3A_71, %get3A_72] : memref<1024x4096xbf16, #tpu.memory_space<vmem>>, vector<1024x1024xbf16>
    %dot_general3A_74 = arith.constant dense<0.000000e+00> : vector<1024x1024xf32>
    %dot_general3A_75 = tpu.matmul %convert_element_type3A, %get3A_73, %dot_general3A_74 {dimension_numbers = #tpu.dot_dimension_numbers<[1], [0], [0], [1], [0, 0, 1, 1], [], []>, transpose_lhs_hint = false} : vector<1024x1024xbf16>, vector<1024x1024xbf16>, vector<1024x1024xf32> -> vector<1024x1024xf32>
    %get3A_76 = arith.constant 0 : index
    %get3A_77 = arith.constant 2048 : index
    %get3A_78 = vector.load %arg3[%get3A_76, %get3A_77] : memref<1x4096xf32, #tpu.memory_space<vmem>>, vector<1x1024xf32>
    %add3A_79 = vector.broadcast %get3A_78 : vector<1x1024xf32> to vector<1024x1024xf32>
    %add3A_80 = arith.addf %dot_general3A_75, %add3A_79 : vector<1024x1024xf32>
    %integer_pow3A_81 = arith.mulf %add3A_80, %add3A_80 : vector<1024x1024xf32>
    %integer_pow3A_82 = arith.mulf %add3A_80, %integer_pow3A_81 : vector<1024x1024xf32>
    %mul3A_83 = arith.constant 4.471500e-02 : f32
    %mul3A_84 = vector.broadcast %mul3A_83 : f32 to vector<1024x1024xf32>
    %mul3A_85 = arith.mulf %mul3A_84, %integer_pow3A_82 : vector<1024x1024xf32>
    %add3A_86 = arith.addf %add3A_80, %mul3A_85 : vector<1024x1024xf32>
    %mul3A_87 = arith.constant 0.797884583 : f32
    %mul3A_88 = vector.broadcast %mul3A_87 : f32 to vector<1024x1024xf32>
    %mul3A_89 = arith.mulf %mul3A_88, %add3A_86 : vector<1024x1024xf32>
    %tanh3A_90 = math.tanh %mul3A_89 : vector<1024x1024xf32>
    %add3A_91 = arith.constant 1.000000e+00 : f32
    %add3A_92 = vector.broadcast %add3A_91 : f32 to vector<1024x1024xf32>
    %add3A_93 = arith.addf %add3A_92, %tanh3A_90 : vector<1024x1024xf32>
    %mul3A_94 = arith.constant 5.000000e-01 : f32
    %mul3A_95 = vector.broadcast %mul3A_94 : f32 to vector<1024x1024xf32>
    %mul3A_96 = arith.mulf %mul3A_95, %add3A_93 : vector<1024x1024xf32>
    %mul3A_97 = arith.mulf %add3A_80, %mul3A_96 : vector<1024x1024xf32>
    %convert_element_type3A_98 = arith.truncf %mul3A_97 : vector<1024x1024xf32> to vector<1024x1024xbf16>
    %get3A_99 = arith.constant 2048 : index
    %get3A_100 = arith.constant 0 : index
    %get3A_101 = vector.load %arg4[%get3A_99, %get3A_100] : memref<4096x1024xbf16, #tpu.memory_space<vmem>>, vector<1024x1024xbf16>
    %dot_general3A_102 = arith.constant dense<0.000000e+00> : vector<1024x1024xf32>
    %dot_general3A_103 = tpu.matmul %convert_element_type3A_98, %get3A_101, %dot_general3A_102 {dimension_numbers = #tpu.dot_dimension_numbers<[1], [0], [0], [1], [0, 0, 1, 1], [], []>, transpose_lhs_hint = false} : vector<1024x1024xbf16>, vector<1024x1024xbf16>, vector<1024x1024xf32> -> vector<1024x1024xf32>
    %add3A_104 = arith.addf %add3A_70, %dot_general3A_103 : vector<1024x1024xf32>
    %get3A_105 = arith.constant 0 : index
    %get3A_106 = arith.constant 3072 : index
    %get3A_107 = vector.load %arg2[%get3A_105, %get3A_106] : memref<1024x4096xbf16, #tpu.memory_space<vmem>>, vector<1024x1024xbf16>
    %dot_general3A_108 = arith.constant dense<0.000000e+00> : vector<1024x1024xf32>
    %dot_general3A_109 = tpu.matmul %convert_element_type3A, %get3A_107, %dot_general3A_108 {dimension_numbers = #tpu.dot_dimension_numbers<[1], [0], [0], [1], [0, 0, 1, 1], [], []>, transpose_lhs_hint = false} : vector<1024x1024xbf16>, vector<1024x1024xbf16>, vector<1024x1024xf32> -> vector<1024x1024xf32>
    %get3A_110 = arith.constant 0 : index
    %get3A_111 = arith.constant 3072 : index
    %get3A_112 = vector.load %arg3[%get3A_110, %get3A_111] : memref<1x4096xf32, #tpu.memory_space<vmem>>, vector<1x1024xf32>
    %add3A_113 = vector.broadcast %get3A_112 : vector<1x1024xf32> to vector<1024x1024xf32>
    %add3A_114 = arith.addf %dot_general3A_109, %add3A_113 : vector<1024x1024xf32>
    %integer_pow3A_115 = arith.mulf %add3A_114, %add3A_114 : vector<1024x1024xf32>
    %integer_pow3A_116 = arith.mulf %add3A_114, %integer_pow3A_115 : vector<1024x1024xf32>
    %mul3A_117 = arith.constant 4.471500e-02 : f32
    %mul3A_118 = vector.broadcast %mul3A_117 : f32 to vector<1024x1024xf32>
    %mul3A_119 = arith.mulf %mul3A_118, %integer_pow3A_116 : vector<1024x1024xf32>
    %add3A_120 = arith.addf %add3A_114, %mul3A_119 : vector<1024x1024xf32>
    %mul3A_121 = arith.constant 0.797884583 : f32
    %mul3A_122 = vector.broadcast %mul3A_121 : f32 to vector<1024x1024xf32>
    %mul3A_123 = arith.mulf %mul3A_122, %add3A_120 : vector<1024x1024xf32>
    %tanh3A_124 = math.tanh %mul3A_123 : vector<1024x1024xf32>
    %add3A_125 = arith.constant 1.000000e+00 : f32
    %add3A_126 = vector.broadcast %add3A_125 : f32 to vector<1024x1024xf32>
    %add3A_127 = arith.addf %add3A_126, %tanh3A_124 : vector<1024x1024xf32>
    %mul3A_128 = arith.constant 5.000000e-01 : f32
    %mul3A_129 = vector.broadcast %mul3A_128 : f32 to vector<1024x1024xf32>
    %mul3A_130 = arith.mulf %mul3A_129, %add3A_127 : vector<1024x1024xf32>
    %mul3A_131 = arith.mulf %add3A_114, %mul3A_130 : vector<1024x1024xf32>
    %convert_element_type3A_132 = arith.truncf %mul3A_131 : vector<1024x1024xf32> to vector<1024x1024xbf16>
    %get3A_133 = arith.constant 3072 : index
    %get3A_134 = arith.constant 0 : index
    %get3A_135 = vector.load %arg4[%get3A_133, %get3A_134] : memref<4096x1024xbf16, #tpu.memory_space<vmem>>, vector<1024x1024xbf16>
    %dot_general3A_136 = arith.constant dense<0.000000e+00> : vector<1024x1024xf32>
    %dot_general3A_137 = tpu.matmul %convert_element_type3A_132, %get3A_135, %dot_general3A_136 {dimension_numbers = #tpu.dot_dimension_numbers<[1], [0], [0], [1], [0, 0, 1, 1], [], []>, transpose_lhs_hint = false} : vector<1024x1024xbf16>, vector<1024x1024xbf16>, vector<1024x1024xf32> -> vector<1024x1024xf32>
    %add3A_138 = arith.addf %add3A_104, %dot_general3A_137 : vector<1024x1024xf32>
    %swap3A = arith.constant 0 : index
    %swap3A_139 = arith.constant 0 : index
    %swap3A_140 = vector.load %arg6[%swap3A, %swap3A_139] : memref<1024x1024xf32, #tpu.memory_space<vmem>>, vector<1024x1024xf32>
    tpu.vector_store %arg6[%swap3A, %swap3A_139], %add3A_138 {strides = array<i32>} : memref<1024x1024xf32, #tpu.memory_space<vmem>>, vector<1024x1024xf32>,
    return
  }
  func.func @transform_0(%arg0: i32) -> (i32, i32) {
    %c0_i32 = arith.constant 0 : i32
    %c0_i32_0 = arith.constant 0 : i32
    return %arg0, %c0_i32 : i32, i32
  }
  func.func @transform_1(%arg0: i32) -> (i32, i32) {
    %c0_i32 = arith.constant 0 : i32
    %c0_i32_0 = arith.constant 0 : i32
    %c0_i32_1 = arith.constant 0 : i32
    return %c0_i32, %c0_i32_0 : i32, i32
  }
  func.func @transform_2(%arg0: i32) -> (i32, i32) {
    %c0_i32 = arith.constant 0 : i32
    %c0_i32_0 = arith.constant 0 : i32
    %c0_i32_1 = arith.constant 0 : i32
    return %c0_i32, %c0_i32_0 : i32, i32
  }
  func.func @transform_3(%arg0: i32) -> (i32, i32) {
    %c0_i32 = arith.constant 0 : i32
    %c0_i32_0 = arith.constant 0 : i32
    %c0_i32_1 = arith.constant 0 : i32
    return %c0_i32, %c0_i32_0 : i32, i32
  }
  func.func @transform_4(%arg0: i32) -> (i32, i32) {
    %c0_i32 = arith.constant 0 : i32
    %c0_i32_0 = arith.constant 0 : i32
    %c0_i32_1 = arith.constant 0 : i32
    return %c0_i32, %c0_i32_0 : i32, i32
  }
  func.func @transform_5(%arg0: i32) -> (i32, i32) {
    %c0_i32 = arith.constant 0 : i32
    %c0_i32_0 = arith.constant 0 : i32
    return %arg0, %c0_i32 : i32, i32
  }
}

</mosaic_0001>

<sc_bundles>
// kernel: kernel.6.cloned.1.call-start
scs
__scs_entry_jumppad:
0x0: {  	(pc) =	sbr.rel $0x88, $3  }
0x1: {  	(tag) =	ssettag $0x0;
	lr =	simm.s32 $0x1  }
0x2: {  	[smem:$0x3F9A] =	sst lr;
	_ =	strace $0xD0000000  }
0x3: {  	_ = 	snop  }
0x4: {  	_ = 	snop  }
0x5: {  	_ = 	snop  }
0x6: {  	_ = 	snop  }
0x7: {  	_ = 	snop  }
__scs_overlays_trampoline_lowered:
0x8: {  	[smem:$0x3FA9] =	sst s0  }
0x9: {  	[smem:$0x3FAA] =	sst s1  }
0xa: {  	[smem:$0x3FAB] =	sst s2  }
0xb: {  	[smem:$0x3FAC] =	sst s3  }
0xc: {  	[smem:$0x3FAD] =	sst s4  }
0xd: {  	[smem:$0x3FAE] =	sst s5  }
0xe: {  	[smem:$0x3FAF] =	sst s6  }
0xf: {  	[smem:$0x3FB0] =	sst s7  }
0x10: {  	[smem:$0x3FB1] =	sst s8  }
0x11: {  	[smem:$0x3FB2] =	sst s9;
	s0 =	simm.s32 @!p0 $0x0  }
0x12: {  	s1 =	sld [smem:$0x3F98];
	s0 =	simm.s32 @p0 $0x1  }
0x13: {  	[smem:$0x3FB3] =	sst s0;
	s0 =	simm.s32 @!p1 $0x0  }
0x14: {  	s2 =	sld [smem:$0x3F97];
	s0 =	simm.s32 @p1 $0x1  }
0x15: {  	[smem:$0x3FB4] =	sst s0;
	s0 =	simm.s32 @!p2 $0x0  }
0x16: {  	s3 =	sld [smem:$0x3FDB];
	s0 =	simm.s32 @p2 $0x1  }
0x17: {  	s4 =	simm.s32 $0x1BF5;
	[smem:$0x3FB6] =	sst s0  }
0x18: {  	s0 =	sld [smem:$0x3F99];
	_ =	swait.ge [sflag:s4], $0x0  }
0x19: {  	s7 =	sld [smem:$0x3F9A]  }
0x1a: {  	s8 =	sadd.s32 $0xFFFFE003, lr  }
0x1b: {  	s9 =	sadd.s32 $0xFFFFFEF7, lr;
	s5 =	simm.s32 $0xFFFFFFFF;
	p2 =	slt.u32 s8, $0xFFFFF086  }
0x1c: {  	p1 =	slt.u32 s9, $0xF7A;
	s5 =	simm.s32 @!p2 $0x0  }
0x1d: {  	s5 =	simm.s32 @p1 $0x1;
	p0 =	seq.s32 s7, s2  }
0x1e: {  	s7 =	smul.u32 @!p0 $0xF7A, s2;
	p2 =	seq.s32 @!p0 s5, $0x0  }
0x1f: {  	s9 =	smul.u32 $0xF7A, s1;
	s8 =	simm.s32 @!p0 $0x1BF5;
	p2 =	por !p2, p0  }
0x20: {  	[sflag:s8] =	ssyncset.s32 @!p0 $0xFFFFF086;
	s6 =	sadd.s32 @!p0 s3, s7;
	s7 =	simm.s32 @!p0 $0x108  }
0x21: {  	s3 =	sadd.s32 s3, s9;
	s6 =	sadd.s32 @!p0 $0x88, s6;
	s7 =	simm.s32 @p2 $0x1082  }
0x22: {  	[simem:s7], [sflag:s8] =	dma.local @!p0 [hbm:s6], $0xF7A  }
0x23: {  	s9 =	sor.u32 $0xD0000000, s2;
	s6 =	simm.s32 $0x108;
	_ =	swait.ge @!p0 [sflag:s8], $0x0  }
0x24: {  	s3 =	sadd.s32 $0x88, s3;
	s6 =	simm.s32 @!p1 $0x1082;
	[sflag:s4] =	ssyncset.s32 $0xFFFFF086  }
0x25: {  	[simem:s6], [sflag:s4] =	dma.local [hbm:s3], $0xF7A  }
0x26: {  	[smem:$0x3F9A] =	sst s1;
	(tag) =	ssettag s2;
	_ =	strace s9  }
0x27: {  	s1 =	sld [smem:$0x3FAA]  }
0x28: {  	s2 =	sld [smem:$0x3FAB]  }
0x29: {  	s4 =	sld [smem:$0x3FAD]  }
0x2a: {  	p0 =	seq.s32 s5, $0x0;
	s5 =	sld [smem:$0x3FAE]  }
0x2b: {  	s6 =	sld [smem:$0x3FAF]  }
0x2c: {  	s7 =	sld [smem:$0x3FB0]  }
0x2d: {  	s3 =	simm.s32 $0x108;
	s8 =	sld [smem:$0x3FB1]  }
0x2e: {  	s3 =	simm.s32 @!p0 $0x1082;
	s9 =	sld [smem:$0x3FB2]  }
0x2f: {  	lr =	sadd.s32 s0, s3;
	s0 =	sld [smem:$0x3FA9]  }
0x30: {  	s3 =	sld [smem:$0x3FAC]  }
0x31: {  	[smem:$0x3FB5] =	sst s10  }
0x32: {  	s10 =	sld [smem:$0x3FB3];
	_ =	sdelay $0x3  }
0x33: {  	p0 =	seq.s32 s10, $0x1;
	s10 =	sld [smem:$0x3FB5];
	_ =	sdelay $0x3  }
0x34: {  	[smem:$0x3FB5] =	sst s10  }
0x35: {  	s10 =	sld [smem:$0x3FB4];
	_ =	sdelay $0x3  }
0x36: {  	p1 =	seq.s32 s10, $0x1;
	s10 =	sld [smem:$0x3FB5];
	_ =	sdelay $0x3  }
0x37: {  	[smem:$0x3FB5] =	sst s10  }
0x38: {  	s10 =	sld [smem:$0x3FB6]  }
0x39: {  	_ = 	snop;
	(pc) =	sbr.ind lr, $3  }
0x3a: {  	_ = 	snop  }
0x3b: {  	_ = 	snop  }
0x3c: {  	p2 =	seq.s32 s10, $0x1;
	s10 =	sld [smem:$0x3FB5]  }
0x3d: {  	_ =	shalt  }
0x3e: {  	_ =	shalt  }
0x3f: {  	_ =	shalt  }
0x40: {  	_ =	shalt  }
0x41: {  	_ =	shalt  }
0x42: {  	_ =	shalt  }
0x43: {  	_ =	shalt  }
0x44: {  	_ =	shalt  }
0x45: {  	_ =	shalt  }
0x46: {  	_ =	shalt  }
0x47: {  	_ =	shalt  }
0x48: {  	_ =	shalt  }
0x49: {  	_ =	shalt  }
0x4a: {  	_ =	shalt  }
0x4b: {  	_ =	shalt  }
0x4c: {  	_ =	shalt  }
0x4d: {  	_ =	shalt  }
0x4e: {  	_ =	shalt  }
0x4f: {  	_ =	shalt  }
0x50: {  	_ =	shalt  }
0x51: {  	_ =	shalt  }
0x52: {  	_ =	shalt  }
0x53: {  	_ =	shalt  }
0x54: {  	_ =	shalt  }
0x55: {  	_ =	shalt  }
0x56: {  	_ =	shalt  }
0x57: {  	_ =	shalt  }
0x58: {  	_ =	shalt  }
0x59: {  	_ =	shalt  }
0x5a: {  	_ =	shalt  }
0x5b: {  	_ =	shalt  }
0x5c: {  	_ =	shalt  }
0x5d: {  	_ =	shalt  }
0x5e: {  	_ =	shalt  }
0x5f: {  	_ =	shalt  }
0x60: {  	_ =	shalt  }
0x61: {  	_ =	shalt  }
0x62: {  	_ =	shalt  }
0x63: {  	_ =	shalt  }
0x64: {  	_ =	shalt  }
0x65: {  	_ =	shalt  }
0x66: {  	_ =	shalt  }
0x67: {  	_ =	shalt  }
0x68: {  	_ =	shalt  }
0x69: {  	_ =	shalt  }
0x6a: {  	_ =	shalt  }
0x6b: {  	_ =	shalt  }
0x6c: {  	_ =	shalt  }
0x6d: {  	_ =	shalt  }
0x6e: {  	_ =	shalt  }
0x6f: {  	_ =	shalt  }
0x70: {  	_ =	shalt  }
0x71: {  	_ =	shalt  }
0x72: {  	_ =	shalt  }
0x73: {  	_ =	shalt  }
0x74: {  	_ =	shalt  }
0x75: {  	_ =	shalt  }
0x76: {  	_ =	shalt  }
0x77: {  	_ =	shalt  }
0x78: {  	_ =	shalt  }
0x79: {  	_ =	shalt  }
0x7a: {  	_ =	shalt  }
0x7b: {  	_ =	shalt  }
0x7c: {  	_ =	shalt  }
0x7d: {  	_ =	shalt  }
0x7e: {  	_ =	shalt  }
0x7f: {  	_ =	shalt  }
0x80: {  	_ =	shalt  }
0x81: {  	_ =	shalt  }
0x82: {  	_ =	shalt  }
0x83: {  	_ =	shalt  }
0x84: {  	_ =	shalt  }
0x85: {  	_ =	shalt  }
0x86: {  	_ =	shalt  }
0x87: {  	_ =	shalt  }
.Lfunc_end0:
.L_simem_size_0:
called_computation_lowered:
.L_overlay_start_0:
0x88: {  	s2 =	sld [smem:$0x3FD9]  }
0x89: {  	s3 =	sld [smem:$0x3FFE];
	_ =	sdelay $0x1  }
0x8a: {  	s1 =	srdreg.scid  }
0x8b: {  	s0 =	sand.u32 $0x1, s1  }
0x8c: {  	s17 =	sshll.u32 s0, $0xA;
	s2 =	sadd.s32 s3, s2  }
0x8d: {  	s2 =	sadd.s32 s2, s17  }
0x8e: {  	[smem:$0x3FC1] =	sst s2  }
0x8f: {  	_ = 	snop  }
0x90: {  	s2 =	sld [smem:$0x3FC9]  }
0x91: {  	s18 =	sld [smem:$0x3FD0];
	(tm) =	ssettm $0x1  }
0x92: {  	s4 =	sld [smem:$0x3FFB];
	_ =	sdelay $0x3  }
0x93: {  	_ =	strace s4  }
0x94: {  	s4 =	sld [smem:$0x3FFC];
	_ =	sdelay $0x3  }
0x95: {  	_ =	strace s4  }
0x96: {  	s4 =	sld [smem:$0x3FFD];
	_ =	sdelay $0x3  }
0x97: {  	_ =	strace s4  }
0x98: {  	_ =	strace $0x8FFFFFFF  }
0x99: {  	s19 =	sld [smem:$0x3FDB];
	_ =	sdelay $0x1  }
0x9a: {  	s5 =	simm.s32 $_scs_section_size  }
0x9b: {  	s6 =	simm.s32 $_size__tile_overlayer_lowered;
	s7 =	simm.s32 $_tile_overlayer_lowered  }
0x9c: {  	s22 =	simm.s32 $0x1BFF;
	s21 =	sshll.u32 s7, $0x1;
	s4 =	sadd.s32 s5, s19  }
0x9d: {  	s8 =	simm.s32 $0x0;
	s20 =	sshll.u32 s6, $0x1;
	s6 =	sadd.s32 s21, s4  }
0x9e: {  	[timem:s8], [sflag:s22] =	dma.local [hbm:s6], s20  }
0x9f: {  	_ =	swait.ge [sflag:s22], s20  }
0xa0: {  	s5 =	ssub.s32 $0x0, s20;
	[sflag:s22] =	ssyncset.done $0x0  }
0xa1: {  	[sflag:s22] =	ssyncadd.s32 s5;
	_ =	sdelay $0x1  }
0xa2: {  	s23 =	simm.s32 $0x1B8B  }
0xa3: {  	_ =	swait.ge [sflag:s23], $0x1  }
0xa4: {  	[sflag:s23] =	ssyncset.done $0x0  }
0xa5: {  	s25 =	simm.s32 $0x1B8E;
	s24 =	sld [smem:$0x3FFE];
	[sflag:s23] =	ssyncadd.s32 $0xFFFFFFFF  }
0xa6: {  	s26 =	simm.s32 $execute0_lowered;
	[smem:$0x3FD2] =	sst s25  }
0xa7: {  	s6 =	sshll.u32 s26, $0x1;
	_ =	strace $0x80000046;
	[dreg:$0x1] =	wrdreg $0xFFFFFFFF  }
0xa8: {  	s28 =	simm.s32 $_size_execute0_lowered;
	s4 =	sadd.s32 s4, s6;
	[dreg:$0x0] =	wrdreg $0x0  }
0xa9: {  	s6 =	sshll.u32 s28, $0x1;
	[dreg:$0x2] =	wrdreg s4  }
0xaa: {  	[dreg:$0x3] =	wrdreg s6  }
0xab: {  	[dreg:$0x4] =	wrdreg $0xC0  }
0xac: {  	_ =	task [dreg:s8], $0x5FFFF  }
0xad: {  	[dreg:$0x1] =	wrdreg $0xFFFFFFFF  }
0xae: {  	[dreg:$0x0] =	wrdreg $0x60  }
0xaf: {  	[dreg:$0x2] =	wrdreg s2  }
0xb0: {  	[dreg:$0x3] =	wrdreg s24  }
0xb1: {  	[dreg:$0x4] =	wrdreg s18  }
0xb2: {  	[dreg:$0x5] =	wrdreg $0x9  }
0xb3: {  	_ =	task.clear_ibuf [dreg:s8], $0x6FFFF;
	_ =	strace $0x90000046  }
0xb4: {  	s29 =	simm.s32 $0x9;
	_ =	strace $0x80000048  }
0xb5: {  	_ =	swait.ge [sflag:s29], $0x1  }
0xb6: {  	[sflag:s29] =	ssyncadd.s32 $0xFFFFFFFF  }
0xb7: {  	_ =	strace $0x90000048  }
0xb8: {  	_ =	sfence  }
0xb9: {  	s30 =	sld [smem:$0x0];
	_ =	sdelay $0x2  }
0xba: {  	s31 =	sshll.u32 s1, $0xD;
	s1 =	sshrl.u32 s1, $0x2  }
0xbb: {  	s3 =	sand.u32 $0x4000, s31;
	s1 =	sadd.s32 s1, s30  }
0xbc: {  	s0 =	sor.u32 s3, s0;
	s1 =	sshll.u32 s1, $0x11  }
0xbd: {  	s0 =	sor.u32 s1, s0  }
0xbe: {  	s0 =	sadd.s32 $0x8F2B, s0  }
0xbf: {  	[sflag:s0] =	ssyncadd.remote.s32 $0x1  }
0xc0: {  	_ =	sfence.sel $0xFFFF  }
0xc1: {  	[dreg:$0x0] =	wrdreg $0xFFFFFFFF;
	(pc) =	sbr.abs _section_cstart, $3  }
0xc2: {  	[dreg:$0x1] =	wrdreg $0xFFFFFFFF  }
0xc3: {  	_ =	task.clear_ibuf [dreg:s8], $0x2FFFF;
	_ =	strace $0x9FFFFFFF  }
0xc4: {  	(tm) =	ssettm $0x7FFFFFFF  }
0xc5: {  	_ =	shalt  }
tec
execute0_lowered:
.L_overlay_start_1:
0x0: {  	(tag) =	ssettag $0x1  }
0x1: {  	s1 =	rddreg [dreg:$0x0]  }
0x2: {  	s0 =	rddreg [dreg:$0x1]  }
0x3: {  	s2 =	rddreg [dreg:$0x2];
	s3 =	simm.s32 $0x0;
	s20 =	srdreg.scid  }
0x4: {  	s5 =	stileid.u32;
	s18 =	simm.s32 $0x1;
	[dreg:$0x4] =	wrdreg s2  }
0x5: {  	[smem:$0x7FF] =	sst s3;
	s2 =	sand.u32 $0x1, s20;
	s5 =	sshll.u32 s5, $0x1  }
0x6: {  	s6 =	sadd.s32 $0x2200, s0;
	s0 =	sadd.s32 $0x2600, s0;
	s4 =	ssub.s32 $0x2, s2  }
0x7: {  	_ =	strace $0x80000047;
	s2 =	sor.u32 s2, s5;
	s7 =	sshrl.u32 s4, $0x1  }
0x8: {  	s21 =	sshll.u32 s2, $0x5;
	s5 =	sshll.u32 s2, $0x8;
	s8 =	sshll.u32 s2, $0xF  }
0x9: {  	s2 =	sshll.u32 s2, $0xB;
	s7 =	ssub.s32 s4, s7;
	s4 =	sadd.s32 s6, s21  }
0xa: {  	s8 =	sadd.s32 s0, s8;
	s9 =	sor.u32 $0x40, s5;
	s10 =	sor.u32 $0x80, s5  }
0xb: {  	s29 =	sor.u32 $0xC0, s5;
	s5 =	sadd.s32 $0x200, s1;
	[dreg:$0x5] =	wrdreg s4  }
0xc: {  	s4 =	sadd.s32 $0x100, s1;
	[dreg:$0x6] =	wrdreg s8;
	s22 =	sshrl.u32 s9, $0x3  }
0xd: {  	s9 =	sshll.u32 s9, $0x7;
	s24 =	sshrl.u32 s10, $0x3;
	s8 =	sadd.s32 s6, s22  }
0xe: {  	s26 =	sshll.u32 s10, $0x7;
	s23 =	sadd.s32 s0, s9;
	[dreg:$0x7] =	wrdreg s8  }
0xf: {  	s30 =	sshrl.u32 s29, $0x3;
	s25 =	sadd.s32 s6, s24;
	[dreg:$0x8] =	wrdreg s23  }
0x10: {  	s31 =	sshll.u32 s29, $0x7;
	s28 =	sadd.s32 s0, s26;
	[dreg:$0x9] =	wrdreg s25  }
0x11: {  	s7 =	smax.u32 s7, $0x1;
	s6 =	sadd.s32 s6, s30;
	[dreg:$0xa] =	wrdreg s28  }
0x12: {  	v2 =	vlaneseq.u32;
	[dreg:$0xb] =	wrdreg s6;
	s8 =	sadd.s32 s0, s31;
	s0 =	sadd.s32 s2, s0  }
0x13: {  	vm0 =	vmmov $0xffff;
	v1 =	vshrl.u32 v2, $0x3;
	s6 =	sadd.s32 $0x300, s1;
	[dreg:$0xc] =	wrdreg s8;
	s0 =	sadd.s32 $0x100000, s0  }
0x14: {  	v0 =	vand.u32 $0x7, v2;
	v2 =	vor.u32 $0x8, v2;
	v1 =	vmul.u32 $0x8, v1;
	s23 =	simm.s32 $0x80;
	s8 =	simm.s32 $0x2;
	[dreg:$0xd] =	wrdreg s0  }
.LBB2_1:
0x15: {  	s19 =	rddreg [dreg:$0x5]  }
0x16: {  	[tilespmem:s3], [sflag:$0x2] =	stream.linear.gather [hbm4b:s19+s3], $0x40, $0x38;
	[tilespmem:$0x10080] =	vst v63  }
0x17: {  	_ =	swait.ge [sflag:s8], $0x40  }
0x18: {  	[sflag:s8] =	ssyncset.done $0x0  }
0x19: {  	[sflag:s8] =	ssyncadd.s32 $0xFFFFFFC0  }
0x1a: {  	v3 =	vld [tilespmem:$0x0];
	_ =	sdelay $0x4  }
0x1b: {  	v4 =	vshll.u32 v3, $0x3  }
0x1c: {  	v3 =	vand.u32 $0x7, v3;
	v4 =	vand.u32 $0xFFFFFFC0, v4  }
0x1d: {  	v3 =	vor.u32 v3, v4  }
0x1e: {  	v4 =	vperm.xlane v3, v0;
	_ =	sdelay $0x1  }
0x1f: {  	v4 =	vadd.s32 v1, v4;
	_ =	sdelay $0x4  }
0x20: {  	[tilespmem:s23], [sflag:$0x1] =	stream.indirect_vreg.gather [hbm4b:s1+s3], $0x80, v4, vm0, $0xb8;
	[tilespmem:$0x10080] =	vst v63  }
0x21: {  	s0 =	simm.s32 $0x880;
	v3 =	vperm.xlane v3, v2  }
0x22: {  	[tilespmem:s0], [sflag:$0x1] =	stream.indirect_vreg.gather [hbm4b:s4+s3], $0x80, v4, vm0, $0xb8;
	[tilespmem:$0x10080] =	vst v63  }
0x23: {  	s12 =	simm.s32 $0x1080;
	v3 =	vadd.s32 v1, v3  }
0x24: {  	[tilespmem:s12], [sflag:$0x1] =	stream.indirect_vreg.gather [hbm4b:s5+s3], $0x80, v4, vm0, $0xb8;
	[tilespmem:$0x10080] =	vst v63  }
0x25: {  	s13 =	simm.s32 $0x1880  }
0x26: {  	[tilespmem:s13], [sflag:$0x1] =	stream.indirect_vreg.gather [hbm4b:s6+s3], $0x80, v4, vm0, $0xb8;
	[tilespmem:$0x10080] =	vst v63  }
0x27: {  	s15 =	simm.s32 $0x2080  }
0x28: {  	[tilespmem:s15], [sflag:$0x1] =	stream.indirect_vreg.gather [hbm4b:s1+s3], $0x80, v3, vm0, $0xb8;
	[tilespmem:$0x10080] =	vst v63  }
0x29: {  	s16 =	simm.s32 $0x2880  }
0x2a: {  	[tilespmem:s16], [sflag:$0x1] =	stream.indirect_vreg.gather [hbm4b:s4+s3], $0x80, v3, vm0, $0xb8;
	[tilespmem:$0x10080] =	vst v63  }
0x2b: {  	s17 =	simm.s32 $0x3080  }
0x2c: {  	[tilespmem:s17], [sflag:$0x1] =	stream.indirect_vreg.gather [hbm4b:s5+s3], $0x80, v3, vm0, $0xb8;
	[tilespmem:$0x10080] =	vst v63  }
0x2d: {  	s19 =	simm.s32 $0x3880  }
0x2e: {  	[tilespmem:s19], [sflag:$0x1] =	stream.indirect_vreg.gather [hbm4b:s6+s3], $0x80, v3, vm0, $0xb8;
	[tilespmem:$0x10080] =	vst v63  }
0x2f: {  	v3 =	vld [tilespmem:$0x10];
	_ =	sdelay $0x4  }
0x30: {  	v49 =	vshll.u32 v3, $0x3  }
0x31: {  	v3 =	vand.u32 $0x7, v3;
	v4 =	vand.u32 $0xFFFFFFC0, v49  }
0x32: {  	v3 =	vor.u32 v3, v4  }
0x33: {  	v4 =	vperm.xlane v3, v0;
	_ =	sdelay $0x1  }
0x34: {  	v4 =	vadd.s32 v1, v4;
	_ =	sdelay $0x3  }
0x35: {  	s20 =	simm.s32 $0x4080  }
0x36: {  	[tilespmem:s20], [sflag:$0x1] =	stream.indirect_vreg.gather [hbm4b:s1+s3], $0x80, v4, vm0, $0xb8;
	[tilespmem:$0x10080] =	vst v63  }
0x37: {  	s21 =	simm.s32 $0x4880;
	v3 =	vperm.xlane v3, v2  }
0x38: {  	[tilespmem:s21], [sflag:$0x1] =	stream.indirect_vreg.gather [hbm4b:s4+s3], $0x80, v4, vm0, $0xb8;
	[tilespmem:$0x10080] =	vst v63  }
0x39: {  	s22 =	simm.s32 $0x5080;
	v3 =	vadd.s32 v1, v3  }
0x3a: {  	[tilespmem:s22], [sflag:$0x1] =	stream.indirect_vreg.gather [hbm4b:s5+s3], $0x80, v4, vm0, $0xb8;
	[tilespmem:$0x10080] =	vst v63  }
0x3b: {  	s24 =	simm.s32 $0x5880  }
0x3c: {  	[tilespmem:s24], [sflag:$0x1] =	stream.indirect_vreg.gather [hbm4b:s6+s3], $0x80, v4, vm0, $0xb8;
	[tilespmem:$0x10080] =	vst v63  }
0x3d: {  	s25 =	simm.s32 $0x6080  }
0x3e: {  	[tilespmem:s25], [sflag:$0x1] =	stream.indirect_vreg.gather [hbm4b:s1+s3], $0x80, v3, vm0, $0xb8;
	[tilespmem:$0x10080] =	vst v63  }
0x3f: {  	s26 =	simm.s32 $0x6880  }
0x40: {  	[tilespmem:s26], [sflag:$0x1] =	stream.indirect_vreg.gather [hbm4b:s4+s3], $0x80, v3, vm0, $0xb8;
	[tilespmem:$0x10080] =	vst v63  }
0x41: {  	s28 =	simm.s32 $0x7080  }
0x42: {  	[tilespmem:s28], [sflag:$0x1] =	stream.indirect_vreg.gather [hbm4b:s5+s3], $0x80, v3, vm0, $0xb8;
	[tilespmem:$0x10080] =	vst v63  }
0x43: {  	s29 =	simm.s32 $0x7880  }
0x44: {  	[tilespmem:s29], [sflag:$0x1] =	stream.indirect_vreg.gather [hbm4b:s6+s3], $0x80, v3, vm0, $0xb8;
	[tilespmem:$0x10080] =	vst v63  }
0x45: {  	v3 =	vld [tilespmem:$0x20];
	_ =	sdelay $0x4  }
0x46: {  	v50 =	vshll.u32 v3, $0x3  }
0x47: {  	v3 =	vand.u32 $0x7, v3;
	v4 =	vand.u32 $0xFFFFFFC0, v50  }
0x48: {  	v3 =	vor.u32 v3, v4  }
0x49: {  	v4 =	vperm.xlane v3, v0;
	_ =	sdelay $0x1  }
0x4a: {  	v4 =	vadd.s32 v1, v4;
	_ =	sdelay $0x3  }
0x4b: {  	s30 =	simm.s32 $0x8080  }
0x4c: {  	[tilespmem:s30], [sflag:$0x1] =	stream.indirect_vreg.gather [hbm4b:s1+s3], $0x80, v4, vm0, $0xb8;
	[tilespmem:$0x10080] =	vst v63  }
0x4d: {  	s16 =	simm.s32 $0x8880;
	v3 =	vperm.xlane v3, v2  }
0x4e: {  	[tilespmem:s16], [sflag:$0x1] =	stream.indirect_vreg.gather [hbm4b:s4+s3], $0x80, v4, vm0, $0xb8;
	[tilespmem:$0x10080] =	vst v63  }
0x4f: {  	s17 =	simm.s32 $0x9080;
	v3 =	vadd.s32 v1, v3  }
0x50: {  	[tilespmem:s17], [sflag:$0x1] =	stream.indirect_vreg.gather [hbm4b:s5+s3], $0x80, v4, vm0, $0xb8;
	[tilespmem:$0x10080] =	vst v63  }
0x51: {  	s19 =	simm.s32 $0x9880  }
0x52: {  	[tilespmem:s19], [sflag:$0x1] =	stream.indirect_vreg.gather [hbm4b:s6+s3], $0x80, v4, vm0, $0xb8;
	[tilespmem:$0x10080] =	vst v63  }
0x53: {  	s20 =	simm.s32 $0xA080  }
0x54: {  	[tilespmem:s20], [sflag:$0x1] =	stream.indirect_vreg.gather [hbm4b:s1+s3], $0x80, v3, vm0, $0xb8;
	[tilespmem:$0x10080] =	vst v63  }
0x55: {  	s21 =	simm.s32 $0xA880  }
0x56: {  	[tilespmem:s21], [sflag:$0x1] =	stream.indirect_vreg.gather [hbm4b:s4+s3], $0x80, v3, vm0, $0xb8;
	[tilespmem:$0x10080] =	vst v63  }
0x57: {  	s22 =	simm.s32 $0xB080  }
0x58: {  	[tilespmem:s22], [sflag:$0x1] =	stream.indirect_vreg.gather [hbm4b:s5+s3], $0x80, v3, vm0, $0xb8;
	[tilespmem:$0x10080] =	vst v63  }
0x59: {  	s24 =	simm.s32 $0xB880  }
0x5a: {  	[tilespmem:s24], [sflag:$0x1] =	stream.indirect_vreg.gather [hbm4b:s6+s3], $0x80, v3, vm0, $0xb8;
	[tilespmem:$0x10080] =	vst v63  }
0x5b: {  	v3 =	vld [tilespmem:$0x30];
	_ =	sdelay $0x4  }
0x5c: {  	v51 =	vshll.u32 v3, $0x3  }
0x5d: {  	v3 =	vand.u32 $0x7, v3;
	v4 =	vand.u32 $0xFFFFFFC0, v51  }
0x5e: {  	v3 =	vor.u32 v3, v4  }
0x5f: {  	v4 =	vperm.xlane v3, v0;
	_ =	sdelay $0x1  }
0x60: {  	v4 =	vadd.s32 v1, v4;
	_ =	sdelay $0x3  }
0x61: {  	s25 =	simm.s32 $0xC080  }
0x62: {  	[tilespmem:s25], [sflag:$0x1] =	stream.indirect_vreg.gather [hbm4b:s1+s3], $0x80, v4, vm0, $0xb8;
	[tilespmem:$0x10080] =	vst v63  }
0x63: {  	s26 =	simm.s32 $0xC880;
	v3 =	vperm.xlane v3, v2  }
0x64: {  	[tilespmem:s26], [sflag:$0x1] =	stream.indirect_vreg.gather [hbm4b:s4+s3], $0x80, v4, vm0, $0xb8;
	[tilespmem:$0x10080] =	vst v63  }
0x65: {  	s29 =	simm.s32 $0xD080;
	v3 =	vadd.s32 v1, v3  }
0x66: {  	[tilespmem:s29], [sflag:$0x1] =	stream.indirect_vreg.gather [hbm4b:s5+s3], $0x80, v4, vm0, $0xb8;
	[tilespmem:$0x10080] =	vst v63  }
0x67: {  	s0 =	simm.s32 $0xD880  }
0x68: {  	[tilespmem:s0], [sflag:$0x1] =	stream.indirect_vreg.gather [hbm4b:s6+s3], $0x80, v4, vm0, $0xb8;
	[tilespmem:$0x10080] =	vst v63  }
0x69: {  	s16 =	simm.s32 $0xE080  }
0x6a: {  	[tilespmem:s16], [sflag:$0x1] =	stream.indirect_vreg.gather [hbm4b:s1+s3], $0x80, v3, vm0, $0xb8;
	[tilespmem:$0x10080] =	vst v63  }
0x6b: {  	s17 =	simm.s32 $0xE880  }
0x6c: {  	[tilespmem:s17], [sflag:$0x1] =	stream.indirect_vreg.gather [hbm4b:s4+s3], $0x80, v3, vm0, $0xb8;
	[tilespmem:$0x10080] =	vst v63  }
0x6d: {  	s24 =	simm.s32 $0xF080  }
0x6e: {  	[tilespmem:s24], [sflag:$0x1] =	stream.indirect_vreg.gather [hbm4b:s5+s3], $0x80, v3, vm0, $0xb8;
	[tilespmem:$0x10080] =	vst v63  }
0x6f: {  	s25 =	simm.s32 $0xF880  }
0x70: {  	[tilespmem:s25], [sflag:$0x1] =	stream.indirect_vreg.gather [hbm4b:s6+s3], $0x80, v3, vm0, $0xb8;
	[tilespmem:$0x10080] =	vst v63  }
0x71: {  	_ =	swait.ge [sflag:s18], $0x10000  }
0x72: {  	[sflag:s18] =	ssyncset.done $0x0  }
0x73: {  	s0 =	rddreg [dreg:$0x6];
	[sflag:s18] =	ssyncadd.s32 $0xFFFF0000  }
0x74: {  	[hbm4b:s0+s3] =	stream.linear.scatter [tilespmem:s23], [sflag:$0x2], $0x10000, $0x38;
	[tilespmem:$0x10080] =	vst v63  }
0x75: {  	_ =	swait.ge [sflag:s8], $0x10000  }
0x76: {  	[sflag:s8] =	ssyncset.done $0x0  }
0x77: {  	s16 =	rddreg [dreg:$0x7];
	[sflag:s8] =	ssyncadd.s32 $0xFFFF0000  }
0x78: {  	[tilespmem:s3], [sflag:$0x2] =	stream.linear.gather [hbm4b:s16+s3], $0x40, $0x38;
	[tilespmem:$0x10080] =	vst v63  }
0x79: {  	_ =	swait.ge [sflag:s8], $0x40  }
0x7a: {  	[sflag:s8] =	ssyncset.done $0x0  }
0x7b: {  	[sflag:s8] =	ssyncadd.s32 $0xFFFFFFC0  }
0x7c: {  	v3 =	vld [tilespmem:$0x0];
	_ =	sdelay $0x4  }
0x7d: {  	v52 =	vshll.u32 v3, $0x3  }
0x7e: {  	v3 =	vand.u32 $0x7, v3;
	v4 =	vand.u32 $0xFFFFFFC0, v52  }
0x7f: {  	v3 =	vor.u32 v3, v4  }
0x80: {  	v4 =	vperm.xlane v3, v0;
	_ =	sdelay $0x1  }
0x81: {  	v4 =	vadd.s32 v1, v4;
	_ =	sdelay $0x4  }
0x82: {  	[tilespmem:s23], [sflag:$0x1] =	stream.indirect_vreg.gather [hbm4b:s1+s3], $0x80, v4, vm0, $0xb8;
	[tilespmem:$0x10080] =	vst v63  }
0x83: {  	s14 =	simm.s32 $0x880;
	v3 =	vperm.xlane v3, v2  }
0x84: {  	[tilespmem:s14], [sflag:$0x1] =	stream.indirect_vreg.gather [hbm4b:s4+s3], $0x80, v4, vm0, $0xb8;
	[tilespmem:$0x10080] =	vst v63  }
0x85: {  	s2 =	simm.s32 $0x1080;
	v3 =	vadd.s32 v1, v3  }
0x86: {  	[tilespmem:s2], [sflag:$0x1] =	stream.indirect_vreg.gather [hbm4b:s5+s3], $0x80, v4, vm0, $0xb8;
	[tilespmem:$0x10080] =	vst v63  }
0x87: {  	s9 =	simm.s32 $0x1880  }
0x88: {  	[tilespmem:s9], [sflag:$0x1] =	stream.indirect_vreg.gather [hbm4b:s6+s3], $0x80, v4, vm0, $0xb8;
	[tilespmem:$0x10080] =	vst v63  }
0x89: {  	s10 =	simm.s32 $0x2080  }
0x8a: {  	[tilespmem:s10], [sflag:$0x1] =	stream.indirect_vreg.gather [hbm4b:s1+s3], $0x80, v3, vm0, $0xb8;
	[tilespmem:$0x10080] =	vst v63  }
0x8b: {  	s11 =	simm.s32 $0x2880  }
0x8c: {  	[tilespmem:s11], [sflag:$0x1] =	stream.indirect_vreg.gather [hbm4b:s4+s3], $0x80, v3, vm0, $0xb8;
	[tilespmem:$0x10080] =	vst v63  }
0x8d: {  	s12 =	simm.s32 $0x3080  }
0x8e: {  	[tilespmem:s12], [sflag:$0x1] =	stream.indirect_vreg.gather [hbm4b:s5+s3], $0x80, v3, vm0, $0xb8;
	[tilespmem:$0x10080] =	vst v63  }
0x8f: {  	s15 =	simm.s32 $0x3880  }
0x90: {  	[tilespmem:s15], [sflag:$0x1] =	stream.indirect_vreg.gather [hbm4b:s6+s3], $0x80, v3, vm0, $0xb8;
	[tilespmem:$0x10080] =	vst v63  }
0x91: {  	v3 =	vld [tilespmem:$0x10];
	_ =	sdelay $0x4  }
0x92: {  	v53 =	vshll.u32 v3, $0x3  }
0x93: {  	v3 =	vand.u32 $0x7, v3;
	v4 =	vand.u32 $0xFFFFFFC0, v53  }
0x94: {  	v3 =	vor.u32 v3, v4  }
0x95: {  	v4 =	vperm.xlane v3, v0;
	_ =	sdelay $0x1  }
0x96: {  	v4 =	vadd.s32 v1, v4;
	_ =	sdelay $0x3  }
0x97: {  	s16 =	simm.s32 $0x4080  }
0x98: {  	[tilespmem:s16], [sflag:$0x1] =	stream.indirect_vreg.gather [hbm4b:s1+s3], $0x80, v4, vm0, $0xb8;
	[tilespmem:$0x10080] =	vst v63  }
0x99: {  	s31 =	simm.s32 $0x4880;
	v3 =	vperm.xlane v3, v2  }
0x9a: {  	[tilespmem:s31], [sflag:$0x1] =	stream.indirect_vreg.gather [hbm4b:s4+s3], $0x80, v4, vm0, $0xb8;
	[tilespmem:$0x10080] =	vst v63  }
0x9b: {  	s13 =	simm.s32 $0x5080;
	v3 =	vadd.s32 v1, v3  }
0x9c: {  	[tilespmem:s13], [sflag:$0x1] =	stream.indirect_vreg.gather [hbm4b:s5+s3], $0x80, v4, vm0, $0xb8;
	[tilespmem:$0x10080] =	vst v63  }
0x9d: {  	s31 =	simm.s32 $0x5880  }
0x9e: {  	[tilespmem:s31], [sflag:$0x1] =	stream.indirect_vreg.gather [hbm4b:s6+s3], $0x80, v4, vm0, $0xb8;
	[tilespmem:$0x10080] =	vst v63  }
0x9f: {  	s0 =	simm.s32 $0x6080  }
0xa0: {  	[tilespmem:s0], [sflag:$0x1] =	stream.indirect_vreg.gather [hbm4b:s1+s3], $0x80, v3, vm0, $0xb8;
	[tilespmem:$0x10080] =	vst v63  }
0xa1: {  	s2 =	simm.s32 $0x6880  }
0xa2: {  	[tilespmem:s2], [sflag:$0x1] =	stream.indirect_vreg.gather [hbm4b:s4+s3], $0x80, v3, vm0, $0xb8;
	[tilespmem:$0x10080] =	vst v63  }
0xa3: {  	s9 =	simm.s32 $0x7080  }
0xa4: {  	[tilespmem:s9], [sflag:$0x1] =	stream.indirect_vreg.gather [hbm4b:s5+s3], $0x80, v3, vm0, $0xb8;
	[tilespmem:$0x10080] =	vst v63  }
0xa5: {  	s13 =	simm.s32 $0x7880  }
0xa6: {  	[tilespmem:s13], [sflag:$0x1] =	stream.indirect_vreg.gather [hbm4b:s6+s3], $0x80, v3, vm0, $0xb8;
	[tilespmem:$0x10080] =	vst v63  }
0xa7: {  	v3 =	vld [tilespmem:$0x20];
	_ =	sdelay $0x4  }
0xa8: {  	v54 =	vshll.u32 v3, $0x3  }
0xa9: {  	v3 =	vand.u32 $0x7, v3;
	v4 =	vand.u32 $0xFFFFFFC0, v54  }
0xaa: {  	v3 =	vor.u32 v3, v4  }
0xab: {  	v4 =	vperm.xlane v3, v0;
	_ =	sdelay $0x1  }
0xac: {  	v4 =	vadd.s32 v1, v4;
	_ =	sdelay $0x3  }
0xad: {  	s14 =	simm.s32 $0x8080  }
0xae: {  	[tilespmem:s14], [sflag:$0x1] =	stream.indirect_vreg.gather [hbm4b:s1+s3], $0x80, v4, vm0, $0xb8;
	[tilespmem:$0x10080] =	vst v63  }
0xaf: {  	s15 =	simm.s32 $0x8880;
	v3 =	vperm.xlane v3, v2  }
0xb0: {  	[tilespmem:s15], [sflag:$0x1] =	stream.indirect_vreg.gather [hbm4b:s4+s3], $0x80, v4, vm0, $0xb8;
	[tilespmem:$0x10080] =	vst v63  }
0xb1: {  	s10 =	simm.s32 $0x9080;
	v3 =	vadd.s32 v1, v3  }
0xb2: {  	[tilespmem:s10], [sflag:$0x1] =	stream.indirect_vreg.gather [hbm4b:s5+s3], $0x80, v4, vm0, $0xb8;
	[tilespmem:$0x10080] =	vst v63  }
0xb3: {  	s11 =	simm.s32 $0x9880  }
0xb4: {  	[tilespmem:s11], [sflag:$0x1] =	stream.indirect_vreg.gather [hbm4b:s6+s3], $0x80, v4, vm0, $0xb8;
	[tilespmem:$0x10080] =	vst v63  }
0xb5: {  	s12 =	simm.s32 $0xA080  }
0xb6: {  	[tilespmem:s12], [sflag:$0x1] =	stream.indirect_vreg.gather [hbm4b:s1+s3], $0x80, v3, vm0, $0xb8;
	[tilespmem:$0x10080] =	vst v63  }
0xb7: {  	s30 =	simm.s32 $0xA880  }
0xb8: {  	[tilespmem:s30], [sflag:$0x1] =	stream.indirect_vreg.gather [hbm4b:s4+s3], $0x80, v3, vm0, $0xb8;
	[tilespmem:$0x10080] =	vst v63  }
0xb9: {  	s28 =	simm.s32 $0xB080  }
0xba: {  	[tilespmem:s28], [sflag:$0x1] =	stream.indirect_vreg.gather [hbm4b:s5+s3], $0x80, v3, vm0, $0xb8;
	[tilespmem:$0x10080] =	vst v63  }
0xbb: {  	s20 =	simm.s32 $0xB880  }
0xbc: {  	[tilespmem:s20], [sflag:$0x1] =	stream.indirect_vreg.gather [hbm4b:s6+s3], $0x80, v3, vm0, $0xb8;
	[tilespmem:$0x10080] =	vst v63  }
0xbd: {  	v3 =	vld [tilespmem:$0x30];
	_ =	sdelay $0x4  }
0xbe: {  	v55 =	vshll.u32 v3, $0x3  }
0xbf: {  	v3 =	vand.u32 $0x7, v3;
	v4 =	vand.u32 $0xFFFFFFC0, v55  }
0xc0: {  	v3 =	vor.u32 v3, v4  }
0xc1: {  	v4 =	vperm.xlane v3, v0;
	_ =	sdelay $0x1  }
0xc2: {  	v4 =	vadd.s32 v1, v4;
	_ =	sdelay $0x3  }
0xc3: {  	s21 =	simm.s32 $0xC080  }
0xc4: {  	[tilespmem:s21], [sflag:$0x1] =	stream.indirect_vreg.gather [hbm4b:s1+s3], $0x80, v4, vm0, $0xb8;
	[tilespmem:$0x10080] =	vst v63  }
0xc5: {  	s22 =	simm.s32 $0xC880;
	v3 =	vperm.xlane v3, v2  }
0xc6: {  	[tilespmem:s22], [sflag:$0x1] =	stream.indirect_vreg.gather [hbm4b:s4+s3], $0x80, v4, vm0, $0xb8;
	[tilespmem:$0x10080] =	vst v63  }
0xc7: {  	v3 =	vadd.s32 v1, v3;
	s22 =	simm.s32 $0xD080  }
0xc8: {  	[tilespmem:s22], [sflag:$0x1] =	stream.indirect_vreg.gather [hbm4b:s5+s3], $0x80, v4, vm0, $0xb8;
	[tilespmem:$0x10080] =	vst v63  }
0xc9: {  	s26 =	simm.s32 $0xD880  }
0xca: {  	[tilespmem:s26], [sflag:$0x1] =	stream.indirect_vreg.gather [hbm4b:s6+s3], $0x80, v4, vm0, $0xb8;
	[tilespmem:$0x10080] =	vst v63  }
0xcb: {  	s29 =	simm.s32 $0xE080  }
0xcc: {  	[tilespmem:s29], [sflag:$0x1] =	stream.indirect_vreg.gather [hbm4b:s1+s3], $0x80, v3, vm0, $0xb8;
	[tilespmem:$0x10080] =	vst v63  }
0xcd: {  	s26 =	simm.s32 $0xE880  }
0xce: {  	[tilespmem:s26], [sflag:$0x1] =	stream.indirect_vreg.gather [hbm4b:s4+s3], $0x80, v3, vm0, $0xb8;
	[tilespmem:$0x10080] =	vst v63  }
0xcf: {  	s30 =	simm.s32 $0xF080  }
0xd0: {  	[tilespmem:s30], [sflag:$0x1] =	stream.indirect_vreg.gather [hbm4b:s5+s3], $0x80, v3, vm0, $0xb8;
	[tilespmem:$0x10080] =	vst v63  }
0xd1: {  	s17 =	simm.s32 $0xF880  }
0xd2: {  	[tilespmem:s17], [sflag:$0x1] =	stream.indirect_vreg.gather [hbm4b:s6+s3], $0x80, v3, vm0, $0xb8;
	[tilespmem:$0x10080] =	vst v63  }
0xd3: {  	_ =	swait.ge [sflag:s18], $0x10000  }
0xd4: {  	[sflag:s18] =	ssyncset.done $0x0  }
0xd5: {  	s21 =	rddreg [dreg:$0x8];
	[sflag:s18] =	ssyncadd.s32 $0xFFFF0000  }
0xd6: {  	[hbm4b:s21+s3] =	stream.linear.scatter [tilespmem:s23], [sflag:$0x2], $0x10000, $0x38;
	[tilespmem:$0x10080] =	vst v63  }
0xd7: {  	_ =	swait.ge [sflag:s8], $0x10000  }
0xd8: {  	[sflag:s8] =	ssyncset.done $0x0  }
0xd9: {  	s17 =	rddreg [dreg:$0x9];
	[sflag:s8] =	ssyncadd.s32 $0xFFFF0000  }
0xda: {  	[tilespmem:s3], [sflag:$0x2] =	stream.linear.gather [hbm4b:s17+s3], $0x40, $0x38;
	[tilespmem:$0x10080] =	vst v63  }
0xdb: {  	_ =	swait.ge [sflag:s8], $0x40  }
0xdc: {  	[sflag:s8] =	ssyncset.done $0x0  }
0xdd: {  	[sflag:s8] =	ssyncadd.s32 $0xFFFFFFC0  }
0xde: {  	v3 =	vld [tilespmem:$0x0];
	_ =	sdelay $0x4  }
0xdf: {  	v56 =	vshll.u32 v3, $0x3  }
0xe0: {  	v3 =	vand.u32 $0x7, v3;
	v4 =	vand.u32 $0xFFFFFFC0, v56  }
0xe1: {  	v3 =	vor.u32 v3, v4  }
0xe2: {  	v4 =	vperm.xlane v3, v0;
	_ =	sdelay $0x1  }
0xe3: {  	v4 =	vadd.s32 v1, v4;
	_ =	sdelay $0x4  }
0xe4: {  	[tilespmem:s23], [sflag:$0x1] =	stream.indirect_vreg.gather [hbm4b:s1+s3], $0x80, v4, vm0, $0xb8;
	[tilespmem:$0x10080] =	vst v63  }
0xe5: {  	s21 =	simm.s32 $0x880;
	v3 =	vperm.xlane v3, v2  }
0xe6: {  	[tilespmem:s21], [sflag:$0x1] =	stream.indirect_vreg.gather [hbm4b:s4+s3], $0x80, v4, vm0, $0xb8;
	[tilespmem:$0x10080] =	vst v63  }
0xe7: {  	s25 =	simm.s32 $0x1080;
	v3 =	vadd.s32 v1, v3  }
0xe8: {  	[tilespmem:s25], [sflag:$0x1] =	stream.indirect_vreg.gather [hbm4b:s5+s3], $0x80, v4, vm0, $0xb8;
	[tilespmem:$0x10080] =	vst v63  }
0xe9: {  	s25 =	simm.s32 $0x1880  }
0xea: {  	[tilespmem:s25], [sflag:$0x1] =	stream.indirect_vreg.gather [hbm4b:s6+s3], $0x80, v4, vm0, $0xb8;
	[tilespmem:$0x10080] =	vst v63  }
0xeb: {  	s19 =	simm.s32 $0x2080  }
0xec: {  	[tilespmem:s19], [sflag:$0x1] =	stream.indirect_vreg.gather [hbm4b:s1+s3], $0x80, v3, vm0, $0xb8;
	[tilespmem:$0x10080] =	vst v63  }
0xed: {  	s25 =	simm.s32 $0x2880  }
0xee: {  	[tilespmem:s25], [sflag:$0x1] =	stream.indirect_vreg.gather [hbm4b:s4+s3], $0x80, v3, vm0, $0xb8;
	[tilespmem:$0x10080] =	vst v63  }
0xef: {  	s19 =	simm.s32 $0x3080  }
0xf0: {  	[tilespmem:s19], [sflag:$0x1] =	stream.indirect_vreg.gather [hbm4b:s5+s3], $0x80, v3, vm0, $0xb8;
	[tilespmem:$0x10080] =	vst v63  }
0xf1: {  	s25 =	simm.s32 $0x3880  }
0xf2: {  	[tilespmem:s25], [sflag:$0x1] =	stream.indirect_vreg.gather [hbm4b:s6+s3], $0x80, v3, vm0, $0xb8;
	[tilespmem:$0x10080] =	vst v63  }
0xf3: {  	v3 =	vld [tilespmem:$0x10];
	_ =	sdelay $0x4  }
0xf4: {  	v57 =	vshll.u32 v3, $0x3  }
0xf5: {  	v3 =	vand.u32 $0x7, v3;
	v4 =	vand.u32 $0xFFFFFFC0, v57  }
0xf6: {  	v3 =	vor.u32 v3, v4  }
0xf7: {  	v4 =	vperm.xlane v3, v0;
	_ =	sdelay $0x1  }
0xf8: {  	v4 =	vadd.s32 v1, v4;
	_ =	sdelay $0x4  }
0xf9: {  	[tilespmem:s16], [sflag:$0x1] =	stream.indirect_vreg.gather [hbm4b:s1+s3], $0x80, v4, vm0, $0xb8;
	[tilespmem:$0x10080] =	vst v63  }
0xfa: {  	s19 =	simm.s32 $0x4880;
	v3 =	vperm.xlane v3, v2  }
0xfb: {  	[tilespmem:s19], [sflag:$0x1] =	stream.indirect_vreg.gather [hbm4b:s4+s3], $0x80, v4, vm0, $0xb8;
	[tilespmem:$0x10080] =	vst v63  }
0xfc: {  	s25 =	simm.s32 $0x5080;
	v3 =	vadd.s32 v1, v3  }
0xfd: {  	[tilespmem:s25], [sflag:$0x1] =	stream.indirect_vreg.gather [hbm4b:s5+s3], $0x80, v4, vm0, $0xb8;
	[tilespmem:$0x10080] =	vst v63  }
0xfe: {  	_ = 	snop  }
0xff: {  	[tilespmem:s31], [sflag:$0x1] =	stream.indirect_vreg.gather [hbm4b:s6+s3], $0x80, v4, vm0, $0xb8;
	[tilespmem:$0x10080] =	vst v63  }
0x100: {  	_ = 	snop  }
0x101: {  	[tilespmem:s0], [sflag:$0x1] =	stream.indirect_vreg.gather [hbm4b:s1+s3], $0x80, v3, vm0, $0xb8;
	[tilespmem:$0x10080] =	vst v63  }
0x102: {  	_ = 	snop  }
0x103: {  	[tilespmem:s2], [sflag:$0x1] =	stream.indirect_vreg.gather [hbm4b:s4+s3], $0x80, v3, vm0, $0xb8;
	[tilespmem:$0x10080] =	vst v63  }
0x104: {  	_ = 	snop  }
0x105: {  	[tilespmem:s9], [sflag:$0x1] =	stream.indirect_vreg.gather [hbm4b:s5+s3], $0x80, v3, vm0, $0xb8;
	[tilespmem:$0x10080] =	vst v63  }
0x106: {  	_ = 	snop  }
0x107: {  	[tilespmem:s13], [sflag:$0x1] =	stream.indirect_vreg.gather [hbm4b:s6+s3], $0x80, v3, vm0, $0xb8;
	[tilespmem:$0x10080] =	vst v63  }
0x108: {  	v3 =	vld [tilespmem:$0x20];
	_ =	sdelay $0x4  }
0x109: {  	v58 =	vshll.u32 v3, $0x3  }
0x10a: {  	v3 =	vand.u32 $0x7, v3;
	v4 =	vand.u32 $0xFFFFFFC0, v58  }
0x10b: {  	v3 =	vor.u32 v3, v4  }
0x10c: {  	v4 =	vperm.xlane v3, v0;
	_ =	sdelay $0x1  }
0x10d: {  	v4 =	vadd.s32 v1, v4;
	_ =	sdelay $0x4  }
0x10e: {  	[tilespmem:s14], [sflag:$0x1] =	stream.indirect_vreg.gather [hbm4b:s1+s3], $0x80, v4, vm0, $0xb8;
	[tilespmem:$0x10080] =	vst v63  }
0x10f: {  	v3 =	vperm.xlane v3, v2  }
0x110: {  	[tilespmem:s15], [sflag:$0x1] =	stream.indirect_vreg.gather [hbm4b:s4+s3], $0x80, v4, vm0, $0xb8;
	[tilespmem:$0x10080] =	vst v63  }
0x111: {  	v3 =	vadd.s32 v1, v3  }
0x112: {  	[tilespmem:s10], [sflag:$0x1] =	stream.indirect_vreg.gather [hbm4b:s5+s3], $0x80, v4, vm0, $0xb8;
	[tilespmem:$0x10080] =	vst v63  }
0x113: {  	_ = 	snop  }
0x114: {  	[tilespmem:s11], [sflag:$0x1] =	stream.indirect_vreg.gather [hbm4b:s6+s3], $0x80, v4, vm0, $0xb8;
	[tilespmem:$0x10080] =	vst v63  }
0x115: {  	_ = 	snop  }
0x116: {  	[tilespmem:s12], [sflag:$0x1] =	stream.indirect_vreg.gather [hbm4b:s1+s3], $0x80, v3, vm0, $0xb8;
	[tilespmem:$0x10080] =	vst v63  }
0x117: {  	s24 =	simm.s32 $0xA880  }
0x118: {  	[tilespmem:s24], [sflag:$0x1] =	stream.indirect_vreg.gather [hbm4b:s4+s3], $0x80, v3, vm0, $0xb8;
	[tilespmem:$0x10080] =	vst v63  }
0x119: {  	s28 =	simm.s32 $0xB080  }
0x11a: {  	[tilespmem:s28], [sflag:$0x1] =	stream.indirect_vreg.gather [hbm4b:s5+s3], $0x80, v3, vm0, $0xb8;
	[tilespmem:$0x10080] =	vst v63  }
0x11b: {  	s28 =	simm.s32 $0xB880  }
0x11c: {  	[tilespmem:s28], [sflag:$0x1] =	stream.indirect_vreg.gather [hbm4b:s6+s3], $0x80, v3, vm0, $0xb8;
	[tilespmem:$0x10080] =	vst v63  }
0x11d: {  	v3 =	vld [tilespmem:$0x30];
	_ =	sdelay $0x4  }
0x11e: {  	v59 =	vshll.u32 v3, $0x3  }
0x11f: {  	v3 =	vand.u32 $0x7, v3;
	v4 =	vand.u32 $0xFFFFFFC0, v59  }
0x120: {  	v3 =	vor.u32 v3, v4  }
0x121: {  	v4 =	vperm.xlane v3, v0;
	_ =	sdelay $0x1  }
0x122: {  	v4 =	vadd.s32 v1, v4;
	_ =	sdelay $0x3  }
0x123: {  	s24 =	simm.s32 $0xC080  }
0x124: {  	[tilespmem:s24], [sflag:$0x1] =	stream.indirect_vreg.gather [hbm4b:s1+s3], $0x80, v4, vm0, $0xb8;
	[tilespmem:$0x10080] =	vst v63  }
0x125: {  	s25 =	simm.s32 $0xC880;
	v3 =	vperm.xlane v3, v2  }
0x126: {  	[tilespmem:s25], [sflag:$0x1] =	stream.indirect_vreg.gather [hbm4b:s4+s3], $0x80, v4, vm0, $0xb8;
	[tilespmem:$0x10080] =	vst v63  }
0x127: {  	s20 =	simm.s32 $0xD080;
	v3 =	vadd.s32 v1, v3  }
0x128: {  	[tilespmem:s20], [sflag:$0x1] =	stream.indirect_vreg.gather [hbm4b:s5+s3], $0x80, v4, vm0, $0xb8;
	[tilespmem:$0x10080] =	vst v63  }
0x129: {  	s22 =	simm.s32 $0xD880  }
0x12a: {  	[tilespmem:s22], [sflag:$0x1] =	stream.indirect_vreg.gather [hbm4b:s6+s3], $0x80, v4, vm0, $0xb8;
	[tilespmem:$0x10080] =	vst v63  }
0x12b: {  	s29 =	simm.s32 $0xE080  }
0x12c: {  	[tilespmem:s29], [sflag:$0x1] =	stream.indirect_vreg.gather [hbm4b:s1+s3], $0x80, v3, vm0, $0xb8;
	[tilespmem:$0x10080] =	vst v63  }
0x12d: {  	s26 =	simm.s32 $0xE880  }
0x12e: {  	[tilespmem:s26], [sflag:$0x1] =	stream.indirect_vreg.gather [hbm4b:s4+s3], $0x80, v3, vm0, $0xb8;
	[tilespmem:$0x10080] =	vst v63  }
0x12f: {  	s30 =	simm.s32 $0xF080  }
0x130: {  	[tilespmem:s30], [sflag:$0x1] =	stream.indirect_vreg.gather [hbm4b:s5+s3], $0x80, v3, vm0, $0xb8;
	[tilespmem:$0x10080] =	vst v63  }
0x131: {  	s26 =	simm.s32 $0xF880  }
0x132: {  	[tilespmem:s26], [sflag:$0x1] =	stream.indirect_vreg.gather [hbm4b:s6+s3], $0x80, v3, vm0, $0xb8;
	[tilespmem:$0x10080] =	vst v63  }
0x133: {  	_ =	swait.ge [sflag:s18], $0x10000  }
0x134: {  	[sflag:s18] =	ssyncset.done $0x0  }
0x135: {  	s29 =	rddreg [dreg:$0xa];
	[sflag:s18] =	ssyncadd.s32 $0xFFFF0000  }
0x136: {  	[hbm4b:s29+s3] =	stream.linear.scatter [tilespmem:s23], [sflag:$0x2], $0x10000, $0x38;
	[tilespmem:$0x10080] =	vst v63  }
0x137: {  	_ =	swait.ge [sflag:s8], $0x10000  }
0x138: {  	[sflag:s8] =	ssyncset.done $0x0  }
0x139: {  	s30 =	rddreg [dreg:$0xb];
	[sflag:s8] =	ssyncadd.s32 $0xFFFF0000  }
0x13a: {  	[tilespmem:s3], [sflag:$0x2] =	stream.linear.gather [hbm4b:s30+s3], $0x40, $0x38;
	[tilespmem:$0x10080] =	vst v63  }
0x13b: {  	_ =	swait.ge [sflag:s8], $0x40  }
0x13c: {  	[sflag:s8] =	ssyncset.done $0x0  }
0x13d: {  	[sflag:s8] =	ssyncadd.s32 $0xFFFFFFC0  }
0x13e: {  	v3 =	vld [tilespmem:$0x0];
	_ =	sdelay $0x4  }
0x13f: {  	v60 =	vshll.u32 v3, $0x3  }
0x140: {  	v3 =	vand.u32 $0x7, v3;
	v4 =	vand.u32 $0xFFFFFFC0, v60  }
0x141: {  	v3 =	vor.u32 v3, v4  }
0x142: {  	v4 =	vperm.xlane v3, v0;
	_ =	sdelay $0x1  }
0x143: {  	v4 =	vadd.s32 v1, v4;
	_ =	sdelay $0x4  }
0x144: {  	[tilespmem:s23], [sflag:$0x1] =	stream.indirect_vreg.gather [hbm4b:s1+s3], $0x80, v4, vm0, $0xb8;
	[tilespmem:$0x10080] =	vst v63  }
0x145: {  	s29 =	simm.s32 $0x880;
	v3 =	vperm.xlane v3, v2  }
0x146: {  	[tilespmem:s29], [sflag:$0x1] =	stream.indirect_vreg.gather [hbm4b:s4+s3], $0x80, v4, vm0, $0xb8;
	[tilespmem:$0x10080] =	vst v63  }
0x147: {  	s21 =	simm.s32 $0x1080;
	v3 =	vadd.s32 v1, v3  }
0x148: {  	[tilespmem:s21], [sflag:$0x1] =	stream.indirect_vreg.gather [hbm4b:s5+s3], $0x80, v4, vm0, $0xb8;
	[tilespmem:$0x10080] =	vst v63  }
0x149: {  	s30 =	simm.s32 $0x1880  }
0x14a: {  	[tilespmem:s30], [sflag:$0x1] =	stream.indirect_vreg.gather [hbm4b:s6+s3], $0x80, v4, vm0, $0xb8;
	[tilespmem:$0x10080] =	vst v63  }
0x14b: {  	s21 =	simm.s32 $0x2080  }
0x14c: {  	[tilespmem:s21], [sflag:$0x1] =	stream.indirect_vreg.gather [hbm4b:s1+s3], $0x80, v3, vm0, $0xb8;
	[tilespmem:$0x10080] =	vst v63  }
0x14d: {  	s29 =	simm.s32 $0x2880  }
0x14e: {  	[tilespmem:s29], [sflag:$0x1] =	stream.indirect_vreg.gather [hbm4b:s4+s3], $0x80, v3, vm0, $0xb8;
	[tilespmem:$0x10080] =	vst v63  }
0x14f: {  	s30 =	simm.s32 $0x3080  }
0x150: {  	[tilespmem:s30], [sflag:$0x1] =	stream.indirect_vreg.gather [hbm4b:s5+s3], $0x80, v3, vm0, $0xb8;
	[tilespmem:$0x10080] =	vst v63  }
0x151: {  	s21 =	simm.s32 $0x3880  }
0x152: {  	[tilespmem:s21], [sflag:$0x1] =	stream.indirect_vreg.gather [hbm4b:s6+s3], $0x80, v3, vm0, $0xb8;
	[tilespmem:$0x10080] =	vst v63  }
0x153: {  	v3 =	vld [tilespmem:$0x10];
	_ =	sdelay $0x4  }
0x154: {  	v61 =	vshll.u32 v3, $0x3  }
0x155: {  	v3 =	vand.u32 $0x7, v3;
	v4 =	vand.u32 $0xFFFFFFC0, v61  }
0x156: {  	v3 =	vor.u32 v3, v4  }
0x157: {  	v4 =	vperm.xlane v3, v0;
	_ =	sdelay $0x1  }
0x158: {  	v4 =	vadd.s32 v1, v4;
	_ =	sdelay $0x3  }
0x159: {  	s16 =	simm.s32 $0x4080  }
0x15a: {  	[tilespmem:s16], [sflag:$0x1] =	stream.indirect_vreg.gather [hbm4b:s1+s3], $0x80, v4, vm0, $0xb8;
	[tilespmem:$0x10080] =	vst v63  }
0x15b: {  	s29 =	simm.s32 $0x4880;
	v3 =	vperm.xlane v3, v2  }
0x15c: {  	[tilespmem:s29], [sflag:$0x1] =	stream.indirect_vreg.gather [hbm4b:s4+s3], $0x80, v4, vm0, $0xb8;
	[tilespmem:$0x10080] =	vst v63  }
0x15d: {  	s30 =	simm.s32 $0x5080;
	v3 =	vadd.s32 v1, v3  }
0x15e: {  	[tilespmem:s30], [sflag:$0x1] =	stream.indirect_vreg.gather [hbm4b:s5+s3], $0x80, v4, vm0, $0xb8;
	[tilespmem:$0x10080] =	vst v63  }
0x15f: {  	s17 =	simm.s32 $0x5880  }
0x160: {  	[tilespmem:s17], [sflag:$0x1] =	stream.indirect_vreg.gather [hbm4b:s6+s3], $0x80, v4, vm0, $0xb8;
	[tilespmem:$0x10080] =	vst v63  }
0x161: {  	s0 =	simm.s32 $0x6080  }
0x162: {  	[tilespmem:s0], [sflag:$0x1] =	stream.indirect_vreg.gather [hbm4b:s1+s3], $0x80, v3, vm0, $0xb8;
	[tilespmem:$0x10080] =	vst v63  }
0x163: {  	s2 =	simm.s32 $0x6880  }
0x164: {  	[tilespmem:s2], [sflag:$0x1] =	stream.indirect_vreg.gather [hbm4b:s4+s3], $0x80, v3, vm0, $0xb8;
	[tilespmem:$0x10080] =	vst v63  }
0x165: {  	s9 =	simm.s32 $0x7080  }
0x166: {  	[tilespmem:s9], [sflag:$0x1] =	stream.indirect_vreg.gather [hbm4b:s5+s3], $0x80, v3, vm0, $0xb8;
	[tilespmem:$0x10080] =	vst v63  }
0x167: {  	s13 =	simm.s32 $0x7880  }
0x168: {  	[tilespmem:s13], [sflag:$0x1] =	stream.indirect_vreg.gather [hbm4b:s6+s3], $0x80, v3, vm0, $0xb8;
	[tilespmem:$0x10080] =	vst v63  }
0x169: {  	v3 =	vld [tilespmem:$0x20];
	_ =	sdelay $0x4  }
0x16a: {  	v62 =	vshll.u32 v3, $0x3  }
0x16b: {  	v3 =	vand.u32 $0x7, v3;
	v4 =	vand.u32 $0xFFFFFFC0, v62  }
0x16c: {  	v3 =	vor.u32 v3, v4  }
0x16d: {  	v4 =	vperm.xlane v3, v0;
	_ =	sdelay $0x1  }
0x16e: {  	v4 =	vadd.s32 v1, v4;
	_ =	sdelay $0x3  }
0x16f: {  	s14 =	simm.s32 $0x8080  }
0x170: {  	[tilespmem:s14], [sflag:$0x1] =	stream.indirect_vreg.gather [hbm4b:s1+s3], $0x80, v4, vm0, $0xb8;
	[tilespmem:$0x10080] =	vst v63  }
0x171: {  	s15 =	simm.s32 $0x8880;
	v3 =	vperm.xlane v3, v2  }
0x172: {  	[tilespmem:s15], [sflag:$0x1] =	stream.indirect_vreg.gather [hbm4b:s4+s3], $0x80, v4, vm0, $0xb8;
	[tilespmem:$0x10080] =	vst v63  }
0x173: {  	s10 =	simm.s32 $0x9080;
	v3 =	vadd.s32 v1, v3  }
0x174: {  	[tilespmem:s10], [sflag:$0x1] =	stream.indirect_vreg.gather [hbm4b:s5+s3], $0x80, v4, vm0, $0xb8;
	[tilespmem:$0x10080] =	vst v63  }
0x175: {  	s11 =	simm.s32 $0x9880  }
0x176: {  	[tilespmem:s11], [sflag:$0x1] =	stream.indirect_vreg.gather [hbm4b:s6+s3], $0x80, v4, vm0, $0xb8;
	[tilespmem:$0x10080] =	vst v63  }
0x177: {  	s12 =	simm.s32 $0xA080  }
0x178: {  	[tilespmem:s12], [sflag:$0x1] =	stream.indirect_vreg.gather [hbm4b:s1+s3], $0x80, v3, vm0, $0xb8;
	[tilespmem:$0x10080] =	vst v63  }
0x179: {  	s31 =	simm.s32 $0xA880  }
0x17a: {  	[tilespmem:s31], [sflag:$0x1] =	stream.indirect_vreg.gather [hbm4b:s4+s3], $0x80, v3, vm0, $0xb8;
	[tilespmem:$0x10080] =	vst v63  }
0x17b: {  	s16 =	simm.s32 $0xB080  }
0x17c: {  	[tilespmem:s16], [sflag:$0x1] =	stream.indirect_vreg.gather [hbm4b:s5+s3], $0x80, v3, vm0, $0xb8;
	[tilespmem:$0x10080] =	vst v63  }
0x17d: {  	s17 =	simm.s32 $0xB880  }
0x17e: {  	[tilespmem:s17], [sflag:$0x1] =	stream.indirect_vreg.gather [hbm4b:s6+s3], $0x80, v3, vm0, $0xb8;
	[tilespmem:$0x10080] =	vst v63  }
0x17f: {  	v3 =	vld [tilespmem:$0x30];
	_ =	sdelay $0x4  }
0x180: {  	v63 =	vshll.u32 v3, $0x3  }
0x181: {  	v3 =	vand.u32 $0x7, v3;
	v4 =	vand.u32 $0xFFFFFFC0, v63  }
0x182: {  	v3 =	vor.u32 v3, v4  }
0x183: {  	v4 =	vperm.xlane v3, v0;
	_ =	sdelay $0x1  }
0x184: {  	v4 =	vadd.s32 v1, v4;
	_ =	sdelay $0x3  }
0x185: {  	s19 =	simm.s32 $0xC080  }
0x186: {  	[tilespmem:s19], [sflag:$0x1] =	stream.indirect_vreg.gather [hbm4b:s1+s3], $0x80, v4, vm0, $0xb8;
	[tilespmem:$0x10080] =	vst v63  }
0x187: {  	s21 =	simm.s32 $0xC880;
	v3 =	vperm.xlane v3, v2  }
0x188: {  	[tilespmem:s21], [sflag:$0x1] =	stream.indirect_vreg.gather [hbm4b:s4+s3], $0x80, v4, vm0, $0xb8;
	[tilespmem:$0x10080] =	vst v63  }
0x189: {  	s28 =	simm.s32 $0xD080;
	v3 =	vadd.s32 v1, v3  }
0x18a: {  	[tilespmem:s28], [sflag:$0x1] =	stream.indirect_vreg.gather [hbm4b:s5+s3], $0x80, v4, vm0, $0xb8;
	[tilespmem:$0x10080] =	vst v63  }
0x18b: {  	s20 =	simm.s32 $0xD880  }
0x18c: {  	[tilespmem:s20], [sflag:$0x1] =	stream.indirect_vreg.gather [hbm4b:s6+s3], $0x80, v4, vm0, $0xb8;
	[tilespmem:$0x10080] =	vst v63  }
0x18d: {  	s24 =	simm.s32 $0xE080  }
0x18e: {  	[tilespmem:s24], [sflag:$0x1] =	stream.indirect_vreg.gather [hbm4b:s1+s3], $0x80, v3, vm0, $0xb8;
	[tilespmem:$0x10080] =	vst v63  }
0x18f: {  	s22 =	simm.s32 $0xE880  }
0x190: {  	[tilespmem:s22], [sflag:$0x1] =	stream.indirect_vreg.gather [hbm4b:s4+s3], $0x80, v3, vm0, $0xb8;
	[tilespmem:$0x10080] =	vst v63  }
0x191: {  	s25 =	simm.s32 $0xF080  }
0x192: {  	[tilespmem:s25], [sflag:$0x1] =	stream.indirect_vreg.gather [hbm4b:s5+s3], $0x80, v3, vm0, $0xb8;
	[tilespmem:$0x10080] =	vst v63  }
0x193: {  	s26 =	simm.s32 $0xF880  }
0x194: {  	[tilespmem:s26], [sflag:$0x1] =	stream.indirect_vreg.gather [hbm4b:s6+s3], $0x80, v3, vm0, $0xb8;
	[tilespmem:$0x10080] =	vst v63  }
0x195: {  	_ =	swait.ge [sflag:s18], $0x10000  }
0x196: {  	[sflag:s18] =	ssyncset.done $0x0  }
0x197: {  	s29 =	rddreg [dreg:$0xc];
	[sflag:s18] =	ssyncadd.s32 $0xFFFF0000  }
0x198: {  	[hbm4b:s29+s3] =	stream.linear.scatter [tilespmem:s23], [sflag:$0x2], $0x10000, $0x38;
	[tilespmem:$0x10080] =	vst v63  }
0x199: {  	_ =	swait.ge [sflag:s8], $0x10000  }
0x19a: {  	[sflag:s8] =	ssyncset.done $0x0  }
0x19b: {  	s30 =	rddreg [dreg:$0x4];
	[sflag:s8] =	ssyncadd.s32 $0xFFFF0000  }
0x19c: {  	[tilespmem:s23], [sflag:$0x2] =	stream.linear.gather [hbm4b:s30+s3], $0x4000, $0x38;
	[tilespmem:$0x10080] =	vst v63  }
0x19d: {  	_ =	swait.ge [sflag:s8], $0x4000  }
0x19e: {  	p0 =	sne.s32 s7, $0x1;
	[sflag:s8] =	ssyncset.done $0x0  }
.Ltmp0:
0x19f: {  	s31 =	rddreg [dreg:$0xd];
	[sflag:s8] =	ssyncadd.s32 $0xFFFFC000;
	(pc) =	sbr.rel @p0 .LBB2_1-.Ltmp0, $4  }
0x1a0: {  	[hbm4b:s31+s3] =	stream.linear.scatter [tilespmem:s23], [sflag:$0x2], $0x4000, $0x38;
	[tilespmem:$0x10080] =	vst v63  }
0x1a1: {  	_ =	swait.ge [sflag:s8], $0x4000  }
0x1a2: {  	[sflag:s8] =	ssyncset.done $0x0  }
0x1a3: {  	s7 =	sadd.s32 $0xFFFFFFFF, s7;
	[sflag:s8] =	ssyncadd.s32 $0xFFFFC000  }
0x1a4: {  	_ =	sfence.sel $0x180000  }
0x1a5: {  	[bflag:$0x0] =	sbarrier.arrive $0xFFFF  }
0x1a6: {  	_ =	strace $0x90000047  }
0x1a7: {  	s0 =	stileid.u32;
	[bflag:$0x2] =	sbarrier.arrive $0xFFFF  }
0x1a8: {  	p0 =	sne.s32 s0, $0x0;
	s0 =	rddreg [dreg:$0x3]  }
0x1a9: {  	s0 =	sadd.s32 @!p0 $0x100000, s0  }
0x1aa: {  	[sflag:s0] =	ssyncadd.tile.s32 @!p0 $0x1;
	_ =	shalt  }
.Lfunc_end2:
_tile_overlayer_lowered:
.L_overlay_start_2:
0x1ab: {  	(tag) =	ssettag $0x2  }
0x1ac: {  	s0 =	rddreg [dreg:$0x0];
	s2 =	stileid.u32  }
0x1ad: {  	s1 =	rddreg [dreg:$0x1];
	p0 =	sne.s32 s2, $0x0  }
0x1ae: {  	s3 =	rddreg [dreg:$0x2];
	[bflag:$0x3] =	sbarrier.arrive $0xFFFF;
	s2 =	simm.s32 @!p0 $0x1C02  }
0x1af: {  	[timem:s3], [sflag:s2] =	dma.local @!p0 [hbm:s0], s1  }
0x1b0: {  	s0 =	simm.s32 @!p0 $0x2  }
0x1b1: {  	_ =	swait.ge @!p0 [sflag:s0], s1  }
0x1b2: {  	s1 =	ssub.s32 @!p0 $0x0, s1;
	[sflag:s0] =	ssyncset.done @!p0 $0x0  }
0x1b3: {  	[sflag:s0] =	ssyncadd.s32 @!p0 s1  }
0x1b4: {  	[bflag:$0x3] =	sbarrier.arrive $0xFFFF  }
0x1b5: {  	_ =	shalt  }

// kernel: kernel.9.cloned.1.call-start
scs
__scs_entry_jumppad:
0x0: {  	(pc) =	sbr.rel $0x88, $3  }
0x1: {  	(tag) =	ssettag $0x0;
	lr =	simm.s32 $0x1  }
0x2: {  	[smem:$0x3F9A] =	sst lr;
	_ =	strace $0xD0000000  }
0x3: {  	_ = 	snop  }
0x4: {  	_ = 	snop  }
0x5: {  	_ = 	snop  }
0x6: {  	_ = 	snop  }
0x7: {  	_ = 	snop  }
__scs_overlays_trampoline_lowered:
0x8: {  	[smem:$0x3FA9] =	sst s0  }
0x9: {  	[smem:$0x3FAA] =	sst s1  }
0xa: {  	[smem:$0x3FAB] =	sst s2  }
0xb: {  	[smem:$0x3FAC] =	sst s3  }
0xc: {  	[smem:$0x3FAD] =	sst s4  }
0xd: {  	[smem:$0x3FAE] =	sst s5  }
0xe: {  	[smem:$0x3FAF] =	sst s6  }
0xf: {  	[smem:$0x3FB0] =	sst s7  }
0x10: {  	[smem:$0x3FB1] =	sst s8  }
0x11: {  	[smem:$0x3FB2] =	sst s9;
	s0 =	simm.s32 @!p0 $0x0  }
0x12: {  	s1 =	sld [smem:$0x3F98];
	s0 =	simm.s32 @p0 $0x1  }
0x13: {  	[smem:$0x3FB3] =	sst s0;
	s0 =	simm.s32 @!p1 $0x0  }
0x14: {  	s2 =	sld [smem:$0x3F97];
	s0 =	simm.s32 @p1 $0x1  }
0x15: {  	[smem:$0x3FB4] =	sst s0;
	s0 =	simm.s32 @!p2 $0x0  }
0x16: {  	s3 =	sld [smem:$0x3FDB];
	s0 =	simm.s32 @p2 $0x1  }
0x17: {  	s4 =	simm.s32 $0x1BF5;
	[smem:$0x3FB6] =	sst s0  }
0x18: {  	s0 =	sld [smem:$0x3F99];
	_ =	swait.ge [sflag:s4], $0x0  }
0x19: {  	s7 =	sld [smem:$0x3F9A]  }
0x1a: {  	s8 =	sadd.s32 $0xFFFFE003, lr  }
0x1b: {  	s9 =	sadd.s32 $0xFFFFFEF7, lr;
	s5 =	simm.s32 $0xFFFFFFFF;
	p2 =	slt.u32 s8, $0xFFFFF086  }
0x1c: {  	p1 =	slt.u32 s9, $0xF7A;
	s5 =	simm.s32 @!p2 $0x0  }
0x1d: {  	s5 =	simm.s32 @p1 $0x1;
	p0 =	seq.s32 s7, s2  }
0x1e: {  	s7 =	smul.u32 @!p0 $0xF7A, s2;
	p2 =	seq.s32 @!p0 s5, $0x0  }
0x1f: {  	s9 =	smul.u32 $0xF7A, s1;
	s8 =	simm.s32 @!p0 $0x1BF5;
	p2 =	por !p2, p0  }
0x20: {  	[sflag:s8] =	ssyncset.s32 @!p0 $0xFFFFF086;
	s6 =	sadd.s32 @!p0 s3, s7;
	s7 =	simm.s32 @!p0 $0x108  }
0x21: {  	s3 =	sadd.s32 s3, s9;
	s6 =	sadd.s32 @!p0 $0x88, s6;
	s7 =	simm.s32 @p2 $0x1082  }
0x22: {  	[simem:s7], [sflag:s8] =	dma.local @!p0 [hbm:s6], $0xF7A  }
0x23: {  	s9 =	sor.u32 $0xD0000000, s2;
	s6 =	simm.s32 $0x108;
	_ =	swait.ge @!p0 [sflag:s8], $0x0  }
0x24: {  	s3 =	sadd.s32 $0x88, s3;
	s6 =	simm.s32 @!p1 $0x1082;
	[sflag:s4] =	ssyncset.s32 $0xFFFFF086  }
0x25: {  	[simem:s6], [sflag:s4] =	dma.local [hbm:s3], $0xF7A  }
0x26: {  	[smem:$0x3F9A] =	sst s1;
	(tag) =	ssettag s2;
	_ =	strace s9  }
0x27: {  	s1 =	sld [smem:$0x3FAA]  }
0x28: {  	s2 =	sld [smem:$0x3FAB]  }
0x29: {  	s4 =	sld [smem:$0x3FAD]  }
0x2a: {  	p0 =	seq.s32 s5, $0x0;
	s5 =	sld [smem:$0x3FAE]  }
0x2b: {  	s6 =	sld [smem:$0x3FAF]  }
0x2c: {  	s7 =	sld [smem:$0x3FB0]  }
0x2d: {  	s3 =	simm.s32 $0x108;
	s8 =	sld [smem:$0x3FB1]  }
0x2e: {  	s3 =	simm.s32 @!p0 $0x1082;
	s9 =	sld [smem:$0x3FB2]  }
0x2f: {  	lr =	sadd.s32 s0, s3;
	s0 =	sld [smem:$0x3FA9]  }
0x30: {  	s3 =	sld [smem:$0x3FAC]  }
0x31: {  	[smem:$0x3FB5] =	sst s10  }
0x32: {  	s10 =	sld [smem:$0x3FB3];
	_ =	sdelay $0x3  }
0x33: {  	p0 =	seq.s32 s10, $0x1;
	s10 =	sld [smem:$0x3FB5];
	_ =	sdelay $0x3  }
0x34: {  	[smem:$0x3FB5] =	sst s10  }
0x35: {  	s10 =	sld [smem:$0x3FB4];
	_ =	sdelay $0x3  }
0x36: {  	p1 =	seq.s32 s10, $0x1;
	s10 =	sld [smem:$0x3FB5];
	_ =	sdelay $0x3  }
0x37: {  	[smem:$0x3FB5] =	sst s10  }
0x38: {  	s10 =	sld [smem:$0x3FB6]  }
0x39: {  	_ = 	snop;
	(pc) =	sbr.ind lr, $3  }
0x3a: {  	_ = 	snop  }
0x3b: {  	_ = 	snop  }
0x3c: {  	p2 =	seq.s32 s10, $0x1;
	s10 =	sld [smem:$0x3FB5]  }
0x3d: {  	_ =	shalt  }
0x3e: {  	_ =	shalt  }
0x3f: {  	_ =	shalt  }
0x40: {  	_ =	shalt  }
0x41: {  	_ =	shalt  }
0x42: {  	_ =	shalt  }
0x43: {  	_ =	shalt  }
0x44: {  	_ =	shalt  }
0x45: {  	_ =	shalt  }
0x46: {  	_ =	shalt  }
0x47: {  	_ =	shalt  }
0x48: {  	_ =	shalt  }
0x49: {  	_ =	shalt  }
0x4a: {  	_ =	shalt  }
0x4b: {  	_ =	shalt  }
0x4c: {  	_ =	shalt  }
0x4d: {  	_ =	shalt  }
0x4e: {  	_ =	shalt  }
0x4f: {  	_ =	shalt  }
0x50: {  	_ =	shalt  }
0x51: {  	_ =	shalt  }
0x52: {  	_ =	shalt  }
0x53: {  	_ =	shalt  }
0x54: {  	_ =	shalt  }
0x55: {  	_ =	shalt  }
0x56: {  	_ =	shalt  }
0x57: {  	_ =	shalt  }
0x58: {  	_ =	shalt  }
0x59: {  	_ =	shalt  }
0x5a: {  	_ =	shalt  }
0x5b: {  	_ =	shalt  }
0x5c: {  	_ =	shalt  }
0x5d: {  	_ =	shalt  }
0x5e: {  	_ =	shalt  }
0x5f: {  	_ =	shalt  }
0x60: {  	_ =	shalt  }
0x61: {  	_ =	shalt  }
0x62: {  	_ =	shalt  }
0x63: {  	_ =	shalt  }
0x64: {  	_ =	shalt  }
0x65: {  	_ =	shalt  }
0x66: {  	_ =	shalt  }
0x67: {  	_ =	shalt  }
0x68: {  	_ =	shalt  }
0x69: {  	_ =	shalt  }
0x6a: {  	_ =	shalt  }
0x6b: {  	_ =	shalt  }
0x6c: {  	_ =	shalt  }
0x6d: {  	_ =	shalt  }
0x6e: {  	_ =	shalt  }
0x6f: {  	_ =	shalt  }
0x70: {  	_ =	shalt  }
0x71: {  	_ =	shalt  }
0x72: {  	_ =	shalt  }
0x73: {  	_ =	shalt  }
0x74: {  	_ =	shalt  }
0x75: {  	_ =	shalt  }
0x76: {  	_ =	shalt  }
0x77: {  	_ =	shalt  }
0x78: {  	_ =	shalt  }
0x79: {  	_ =	shalt  }
0x7a: {  	_ =	shalt  }
0x7b: {  	_ =	shalt  }
0x7c: {  	_ =	shalt  }
0x7d: {  	_ =	shalt  }
0x7e: {  	_ =	shalt  }
0x7f: {  	_ =	shalt  }
0x80: {  	_ =	shalt  }
0x81: {  	_ =	shalt  }
0x82: {  	_ =	shalt  }
0x83: {  	_ =	shalt  }
0x84: {  	_ =	shalt  }
0x85: {  	_ =	shalt  }
0x86: {  	_ =	shalt  }
0x87: {  	_ =	shalt  }
.Lfunc_end0:
.L_simem_size_0:
called_computation.1_lowered:
.L_overlay_start_0:
0x88: {  	s2 =	sld [smem:$0x3FD9]  }
0x89: {  	s3 =	sld [smem:$0x3FFE];
	_ =	sdelay $0x1  }
0x8a: {  	s1 =	srdreg.scid  }
0x8b: {  	s0 =	sand.u32 $0x1, s1  }
0x8c: {  	s17 =	sshll.u32 s0, $0xA;
	s2 =	sadd.s32 s3, s2  }
0x8d: {  	s2 =	sadd.s32 s2, s17  }
0x8e: {  	[smem:$0x3FC1] =	sst s2  }
0x8f: {  	_ = 	snop  }
0x90: {  	s2 =	sld [smem:$0x3FD0];
	(tm) =	ssettm $0x1  }
0x91: {  	s18 =	sld [smem:$0x3FFB];
	_ =	sdelay $0x3  }
0x92: {  	_ =	strace s18  }
0x93: {  	s3 =	sld [smem:$0x3FFC];
	_ =	sdelay $0x3  }
0x94: {  	_ =	strace s3  }
0x95: {  	s3 =	sld [smem:$0x3FFD];
	_ =	sdelay $0x3  }
0x96: {  	_ =	strace s3  }
0x97: {  	_ =	strace $0x8FFFFFFF  }
0x98: {  	s19 =	sld [smem:$0x3FDB];
	_ =	sdelay $0x1  }
0x99: {  	s4 =	simm.s32 $_scs_section_size  }
0x9a: {  	s5 =	simm.s32 $_size__tile_overlayer_lowered;
	s6 =	simm.s32 $_tile_overlayer_lowered  }
0x9b: {  	s22 =	simm.s32 $0x1BFF;
	s21 =	sshll.u32 s6, $0x1;
	s3 =	sadd.s32 s4, s19  }
0x9c: {  	s7 =	simm.s32 $0x0;
	s20 =	sshll.u32 s5, $0x1;
	s5 =	sadd.s32 s21, s3  }
0x9d: {  	[timem:s7], [sflag:s22] =	dma.local [hbm:s5], s20  }
0x9e: {  	_ =	swait.ge [sflag:s22], s20  }
0x9f: {  	s4 =	ssub.s32 $0x0, s20;
	[sflag:s22] =	ssyncset.done $0x0  }
0xa0: {  	[sflag:s22] =	ssyncadd.s32 s4;
	_ =	sdelay $0x1  }
0xa1: {  	s23 =	simm.s32 $0x1B8B  }
0xa2: {  	_ =	swait.ge [sflag:s23], $0x1  }
0xa3: {  	[sflag:s23] =	ssyncset.done $0x0  }
0xa4: {  	s25 =	simm.s32 $0x1B8E;
	s24 =	sld [smem:$0x3FFE];
	[sflag:s23] =	ssyncadd.s32 $0xFFFFFFFF  }
0xa5: {  	s26 =	simm.s32 $execute0_lowered;
	[smem:$0x3FD2] =	sst s25  }
0xa6: {  	s5 =	sshll.u32 s26, $0x1;
	_ =	strace $0x80000049;
	[dreg:$0x1] =	wrdreg $0xFFFFFFFF  }
0xa7: {  	s28 =	simm.s32 $_size_execute0_lowered;
	s3 =	sadd.s32 s3, s5;
	[dreg:$0x0] =	wrdreg $0x0  }
0xa8: {  	s5 =	sshll.u32 s28, $0x1;
	[dreg:$0x2] =	wrdreg s3  }
0xa9: {  	[dreg:$0x3] =	wrdreg s5  }
0xaa: {  	[dreg:$0x4] =	wrdreg $0xC0  }
0xab: {  	_ =	task [dreg:s7], $0x5FFFF  }
0xac: {  	[dreg:$0x1] =	wrdreg $0xFFFFFFFF  }
0xad: {  	[dreg:$0x0] =	wrdreg $0x60  }
0xae: {  	[dreg:$0x2] =	wrdreg s24  }
0xaf: {  	[dreg:$0x3] =	wrdreg s2  }
0xb0: {  	[dreg:$0x4] =	wrdreg $0x9  }
0xb1: {  	_ =	task.clear_ibuf [dreg:s7], $0x5FFFF;
	_ =	strace $0x90000049  }
0xb2: {  	s29 =	simm.s32 $0x9;
	_ =	strace $0x8000004B  }
0xb3: {  	_ =	swait.ge [sflag:s29], $0x1  }
0xb4: {  	[sflag:s29] =	ssyncadd.s32 $0xFFFFFFFF  }
0xb5: {  	_ =	strace $0x9000004B  }
0xb6: {  	_ =	sfence  }
0xb7: {  	s30 =	sld [smem:$0x0];
	_ =	sdelay $0x2  }
0xb8: {  	s31 =	sshll.u32 s1, $0xD;
	s1 =	sshrl.u32 s1, $0x2  }
0xb9: {  	s3 =	sand.u32 $0x4000, s31;
	s1 =	sadd.s32 s1, s30  }
0xba: {  	s0 =	sor.u32 s3, s0;
	s1 =	sshll.u32 s1, $0x11  }
0xbb: {  	s0 =	sor.u32 s1, s0  }
0xbc: {  	s0 =	sadd.s32 $0x8F2B, s0  }
0xbd: {  	[sflag:s0] =	ssyncadd.remote.s32 $0x1  }
0xbe: {  	_ =	sfence.sel $0xFFFF  }
0xbf: {  	[dreg:$0x0] =	wrdreg $0xFFFFFFFF;
	(pc) =	sbr.abs _section_cstart, $3  }
0xc0: {  	[dreg:$0x1] =	wrdreg $0xFFFFFFFF  }
0xc1: {  	_ =	task.clear_ibuf [dreg:s7], $0x2FFFF;
	_ =	strace $0x9FFFFFFF  }
0xc2: {  	(tm) =	ssettm $0x7FFFFFFF  }
0xc3: {  	_ =	shalt  }
tec
execute0_lowered:
.L_overlay_start_1:
0x0: {  	(tag) =	ssettag $0x1  }
0x1: {  	s1 =	rddreg [dreg:$0x0]  }
0x2: {  	s0 =	rddreg [dreg:$0x1];
	s2 =	simm.s32 $0x0;
	s3 =	srdreg.scid  }
0x3: {  	s5 =	stileid.u32;
	[smem:$0x7FF] =	sst s2  }
0x4: {  	s4 =	sand.u32 $0x1, s3;
	s5 =	sshll.u32 s5, $0xA;
	s3 =	sadd.s32 $0x2600, s1  }
0x5: {  	s7 =	sadd.s32 $0x112600, s1;
	s6 =	sshll.u32 s4, $0x9;
	s4 =	ssub.s32 $0x2, s4  }
0x6: {  	_ =	strace $0x8000004A;
	s6 =	sor.u32 s6, s5;
	s26 =	sshrl.u32 s4, $0x1  }
0x7: {  	s8 =	sshrl.u32 s6, $0x3;
	s9 =	sshll.u32 s6, $0x7;
	s10 =	sor.u32 $0x40, s6  }
0x8: {  	s11 =	ssub.s32 s4, s26;
	s14 =	sor.u32 $0xC0, s6;
	s19 =	sor.u32 $0x100, s6  }
0x9: {  	s21 =	sor.u32 $0x140, s6;
	s26 =	sor.u32 $0x180, s6;
	s8 =	sadd.s32 s7, s8  }
0xa: {  	s28 =	sadd.s32 s0, s9;
	s29 =	sshrl.u32 s10, $0x3;
	s31 =	sshll.u32 s10, $0x7  }
0xb: {  	s10 =	sor.u32 $0x80, s6;
	s16 =	sshrl.u32 s14, $0x3;
	s18 =	sshll.u32 s14, $0x7  }
0xc: {  	s20 =	sshrl.u32 s19, $0x3;
	s23 =	sshrl.u32 s21, $0x3;
	[dreg:$0x3] =	wrdreg s8  }
0xd: {  	s25 =	sshll.u32 s21, $0x7;
	[dreg:$0x4] =	wrdreg s28;
	s30 =	sadd.s32 s7, s29  }
0xe: {  	s6 =	sor.u32 $0x1C0, s6;
	s9 =	sadd.s32 s0, s31;
	[dreg:$0x5] =	wrdreg s30  }
0xf: {  	s14 =	smax.u32 s11, $0x1;
	s17 =	sadd.s32 s7, s16;
	[dreg:$0x6] =	wrdreg s9  }
0x10: {  	s12 =	sshrl.u32 s10, $0x3;
	s5 =	sadd.s32 s0, s18;
	[dreg:$0x9] =	wrdreg s17  }
0x11: {  	s13 =	sshll.u32 s10, $0x7;
	s24 =	sadd.s32 s7, s23;
	[dreg:$0xa] =	wrdreg s5  }
0x12: {  	s8 =	sshll.u32 s19, $0x7;
	s4 =	sadd.s32 s7, s12;
	[dreg:$0xd] =	wrdreg s24  }
0x13: {  	s28 =	sshrl.u32 s26, $0x3;
	s15 =	sadd.s32 s0, s13;
	[dreg:$0x7] =	wrdreg s4  }
0x14: {  	s31 =	sshll.u32 s6, $0x7;
	s5 =	sadd.s32 s7, s20;
	[dreg:$0x8] =	wrdreg s15  }
0x15: {  	s18 =	simm.s32 $0x1;
	s22 =	sadd.s32 s0, s8;
	[dreg:$0xb] =	wrdreg s5  }
0x16: {  	s8 =	sadd.s32 s0, s25;
	s9 =	sshll.u32 s26, $0x7;
	[dreg:$0xc] =	wrdreg s22  }
0x17: {  	s30 =	sshrl.u32 s6, $0x3;
	[dreg:$0xe] =	wrdreg s8;
	s8 =	sadd.s32 s7, s28  }
0x18: {  	s6 =	sadd.s32 $0x2900, s1;
	s29 =	sadd.s32 s0, s9;
	[dreg:$0xf] =	wrdreg s8  }
0x19: {  	v2 =	vlaneseq.u32;
	s4 =	sadd.s32 $0x2700, s1;
	s7 =	sadd.s32 s7, s30;
	[dreg:$0x10] =	wrdreg s29  }
0x1a: {  	vm0 =	vmmov $0xffff;
	v1 =	vshrl.u32 v2, $0x3;
	s5 =	sadd.s32 $0x2800, s1;
	s0 =	sadd.s32 s0, s31;
	[dreg:$0x11] =	wrdreg s7  }
0x1b: {  	v0 =	vand.u32 $0x7, v2;
	v2 =	vor.u32 $0x8, v2;
	v1 =	vmul.u32 $0x8, v1;
	s9 =	simm.s32 $0x80;
	[dreg:$0x12] =	wrdreg s0;
	s8 =	simm.s32 $0x2  }
.LBB2_1:
0x1c: {  	s19 =	rddreg [dreg:$0x3]  }
0x1d: {  	[tilespmem:s2], [sflag:$0x2] =	stream.linear.gather [hbm4b:s19+s2], $0x40, $0x38;
	[tilespmem:$0x10080] =	vst v63  }
0x1e: {  	_ =	swait.ge [sflag:s8], $0x40  }
0x1f: {  	[sflag:s8] =	ssyncset.done $0x0  }
0x20: {  	[sflag:s8] =	ssyncadd.s32 $0xFFFFFFC0  }
0x21: {  	v3 =	vld [tilespmem:$0x0];
	_ =	sdelay $0x4  }
0x22: {  	v4 =	vshll.u32 v3, $0x3  }
0x23: {  	v3 =	vand.u32 $0x7, v3;
	v4 =	vand.u32 $0xFFFFFFC0, v4  }
0x24: {  	v3 =	vor.u32 v3, v4  }
0x25: {  	v4 =	vperm.xlane v3, v0;
	_ =	sdelay $0x1  }
0x26: {  	v4 =	vadd.s32 v1, v4;
	_ =	sdelay $0x4  }
0x27: {  	[tilespmem:s9], [sflag:$0x1] =	stream.indirect_vreg.gather [hbm4b:s3+s2], $0x80, v4, vm0, $0xb8;
	[tilespmem:$0x10080] =	vst v63  }
0x28: {  	s0 =	simm.s32 $0x880;
	v3 =	vperm.xlane v3, v2  }
0x29: {  	[tilespmem:s0], [sflag:$0x1] =	stream.indirect_vreg.gather [hbm4b:s4+s2], $0x80, v4, vm0, $0xb8;
	[tilespmem:$0x10080] =	vst v63  }
0x2a: {  	s10 =	simm.s32 $0x1080;
	v3 =	vadd.s32 v1, v3  }
0x2b: {  	[tilespmem:s10], [sflag:$0x1] =	stream.indirect_vreg.gather [hbm4b:s5+s2], $0x80, v4, vm0, $0xb8;
	[tilespmem:$0x10080] =	vst v63  }
0x2c: {  	s11 =	simm.s32 $0x1880  }
0x2d: {  	[tilespmem:s11], [sflag:$0x1] =	stream.indirect_vreg.gather [hbm4b:s6+s2], $0x80, v4, vm0, $0xb8;
	[tilespmem:$0x10080] =	vst v63  }
0x2e: {  	s12 =	simm.s32 $0x2080  }
0x2f: {  	[tilespmem:s12], [sflag:$0x1] =	stream.indirect_vreg.gather [hbm4b:s3+s2], $0x80, v3, vm0, $0xb8;
	[tilespmem:$0x10080] =	vst v63  }
0x30: {  	s13 =	simm.s32 $0x2880  }
0x31: {  	[tilespmem:s13], [sflag:$0x1] =	stream.indirect_vreg.gather [hbm4b:s4+s2], $0x80, v3, vm0, $0xb8;
	[tilespmem:$0x10080] =	vst v63  }
0x32: {  	s15 =	simm.s32 $0x3080  }
0x33: {  	[tilespmem:s15], [sflag:$0x1] =	stream.indirect_vreg.gather [hbm4b:s5+s2], $0x80, v3, vm0, $0xb8;
	[tilespmem:$0x10080] =	vst v63  }
0x34: {  	s19 =	simm.s32 $0x3880  }
0x35: {  	[tilespmem:s19], [sflag:$0x1] =	stream.indirect_vreg.gather [hbm4b:s6+s2], $0x80, v3, vm0, $0xb8;
	[tilespmem:$0x10080] =	vst v63  }
0x36: {  	v3 =	vld [tilespmem:$0x10];
	_ =	sdelay $0x4  }
0x37: {  	v33 =	vshll.u32 v3, $0x3  }
0x38: {  	v3 =	vand.u32 $0x7, v3;
	v4 =	vand.u32 $0xFFFFFFC0, v33  }
0x39: {  	v3 =	vor.u32 v3, v4  }
0x3a: {  	v4 =	vperm.xlane v3, v0;
	_ =	sdelay $0x1  }
0x3b: {  	v4 =	vadd.s32 v1, v4;
	_ =	sdelay $0x3  }
0x3c: {  	s21 =	simm.s32 $0x4080  }
0x3d: {  	[tilespmem:s21], [sflag:$0x1] =	stream.indirect_vreg.gather [hbm4b:s3+s2], $0x80, v4, vm0, $0xb8;
	[tilespmem:$0x10080] =	vst v63  }
0x3e: {  	s22 =	simm.s32 $0x4880;
	v3 =	vperm.xlane v3, v2  }
0x3f: {  	[tilespmem:s22], [sflag:$0x1] =	stream.indirect_vreg.gather [hbm4b:s4+s2], $0x80, v4, vm0, $0xb8;
	[tilespmem:$0x10080] =	vst v63  }
0x40: {  	s23 =	simm.s32 $0x5080;
	v3 =	vadd.s32 v1, v3  }
0x41: {  	[tilespmem:s23], [sflag:$0x1] =	stream.indirect_vreg.gather [hbm4b:s5+s2], $0x80, v4, vm0, $0xb8;
	[tilespmem:$0x10080] =	vst v63  }
0x42: {  	s24 =	simm.s32 $0x5880  }
0x43: {  	[tilespmem:s24], [sflag:$0x1] =	stream.indirect_vreg.gather [hbm4b:s6+s2], $0x80, v4, vm0, $0xb8;
	[tilespmem:$0x10080] =	vst v63  }
0x44: {  	s25 =	simm.s32 $0x6080  }
0x45: {  	[tilespmem:s25], [sflag:$0x1] =	stream.indirect_vreg.gather [hbm4b:s3+s2], $0x80, v3, vm0, $0xb8;
	[tilespmem:$0x10080] =	vst v63  }
0x46: {  	s26 =	simm.s32 $0x6880  }
0x47: {  	[tilespmem:s26], [sflag:$0x1] =	stream.indirect_vreg.gather [hbm4b:s4+s2], $0x80, v3, vm0, $0xb8;
	[tilespmem:$0x10080] =	vst v63  }
0x48: {  	s30 =	simm.s32 $0x7080  }
0x49: {  	[tilespmem:s30], [sflag:$0x1] =	stream.indirect_vreg.gather [hbm4b:s5+s2], $0x80, v3, vm0, $0xb8;
	[tilespmem:$0x10080] =	vst v63  }
0x4a: {  	s10 =	simm.s32 $0x7880  }
0x4b: {  	[tilespmem:s10], [sflag:$0x1] =	stream.indirect_vreg.gather [hbm4b:s6+s2], $0x80, v3, vm0, $0xb8;
	[tilespmem:$0x10080] =	vst v63  }
0x4c: {  	v3 =	vld [tilespmem:$0x20];
	_ =	sdelay $0x4  }
0x4d: {  	v34 =	vshll.u32 v3, $0x3  }
0x4e: {  	v3 =	vand.u32 $0x7, v3;
	v4 =	vand.u32 $0xFFFFFFC0, v34  }
0x4f: {  	v3 =	vor.u32 v3, v4  }
0x50: {  	v4 =	vperm.xlane v3, v0;
	_ =	sdelay $0x1  }
0x51: {  	v4 =	vadd.s32 v1, v4;
	_ =	sdelay $0x3  }
0x52: {  	s11 =	simm.s32 $0x8080  }
0x53: {  	[tilespmem:s11], [sflag:$0x1] =	stream.indirect_vreg.gather [hbm4b:s3+s2], $0x80, v4, vm0, $0xb8;
	[tilespmem:$0x10080] =	vst v63  }
0x54: {  	s12 =	simm.s32 $0x8880;
	v3 =	vperm.xlane v3, v2  }
0x55: {  	[tilespmem:s12], [sflag:$0x1] =	stream.indirect_vreg.gather [hbm4b:s4+s2], $0x80, v4, vm0, $0xb8;
	[tilespmem:$0x10080] =	vst v63  }
0x56: {  	s13 =	simm.s32 $0x9080;
	v3 =	vadd.s32 v1, v3  }
0x57: {  	[tilespmem:s13], [sflag:$0x1] =	stream.indirect_vreg.gather [hbm4b:s5+s2], $0x80, v4, vm0, $0xb8;
	[tilespmem:$0x10080] =	vst v63  }
0x58: {  	s15 =	simm.s32 $0x9880  }
0x59: {  	[tilespmem:s15], [sflag:$0x1] =	stream.indirect_vreg.gather [hbm4b:s6+s2], $0x80, v4, vm0, $0xb8;
	[tilespmem:$0x10080] =	vst v63  }
0x5a: {  	s19 =	simm.s32 $0xA080  }
0x5b: {  	[tilespmem:s19], [sflag:$0x1] =	stream.indirect_vreg.gather [hbm4b:s3+s2], $0x80, v3, vm0, $0xb8;
	[tilespmem:$0x10080] =	vst v63  }
0x5c: {  	s22 =	simm.s32 $0xA880  }
0x5d: {  	[tilespmem:s22], [sflag:$0x1] =	stream.indirect_vreg.gather [hbm4b:s4+s2], $0x80, v3, vm0, $0xb8;
	[tilespmem:$0x10080] =	vst v63  }
0x5e: {  	s23 =	simm.s32 $0xB080  }
0x5f: {  	[tilespmem:s23], [sflag:$0x1] =	stream.indirect_vreg.gather [hbm4b:s5+s2], $0x80, v3, vm0, $0xb8;
	[tilespmem:$0x10080] =	vst v63  }
0x60: {  	s24 =	simm.s32 $0xB880  }
0x61: {  	[tilespmem:s24], [sflag:$0x1] =	stream.indirect_vreg.gather [hbm4b:s6+s2], $0x80, v3, vm0, $0xb8;
	[tilespmem:$0x10080] =	vst v63  }
0x62: {  	v3 =	vld [tilespmem:$0x30];
	_ =	sdelay $0x4  }
0x63: {  	v35 =	vshll.u32 v3, $0x3  }
0x64: {  	v3 =	vand.u32 $0x7, v3;
	v4 =	vand.u32 $0xFFFFFFC0, v35  }
0x65: {  	v3 =	vor.u32 v3, v4  }
0x66: {  	v4 =	vperm.xlane v3, v0;
	_ =	sdelay $0x1  }
0x67: {  	v4 =	vadd.s32 v1, v4;
	_ =	sdelay $0x3  }
0x68: {  	s25 =	simm.s32 $0xC080  }
0x69: {  	[tilespmem:s25], [sflag:$0x1] =	stream.indirect_vreg.gather [hbm4b:s3+s2], $0x80, v4, vm0, $0xb8;
	[tilespmem:$0x10080] =	vst v63  }
0x6a: {  	s26 =	simm.s32 $0xC880;
	v3 =	vperm.xlane v3, v2  }
0x6b: {  	[tilespmem:s26], [sflag:$0x1] =	stream.indirect_vreg.gather [hbm4b:s4+s2], $0x80, v4, vm0, $0xb8;
	[tilespmem:$0x10080] =	vst v63  }
0x6c: {  	s30 =	simm.s32 $0xD080;
	v3 =	vadd.s32 v1, v3  }
0x6d: {  	[tilespmem:s30], [sflag:$0x1] =	stream.indirect_vreg.gather [hbm4b:s5+s2], $0x80, v4, vm0, $0xb8;
	[tilespmem:$0x10080] =	vst v63  }
0x6e: {  	s0 =	simm.s32 $0xD880  }
0x6f: {  	[tilespmem:s0], [sflag:$0x1] =	stream.indirect_vreg.gather [hbm4b:s6+s2], $0x80, v4, vm0, $0xb8;
	[tilespmem:$0x10080] =	vst v63  }
0x70: {  	s13 =	simm.s32 $0xE080  }
0x71: {  	[tilespmem:s13], [sflag:$0x1] =	stream.indirect_vreg.gather [hbm4b:s3+s2], $0x80, v3, vm0, $0xb8;
	[tilespmem:$0x10080] =	vst v63  }
0x72: {  	s24 =	simm.s32 $0xE880  }
0x73: {  	[tilespmem:s24], [sflag:$0x1] =	stream.indirect_vreg.gather [hbm4b:s4+s2], $0x80, v3, vm0, $0xb8;
	[tilespmem:$0x10080] =	vst v63  }
0x74: {  	s25 =	simm.s32 $0xF080  }
0x75: {  	[tilespmem:s25], [sflag:$0x1] =	stream.indirect_vreg.gather [hbm4b:s5+s2], $0x80, v3, vm0, $0xb8;
	[tilespmem:$0x10080] =	vst v63  }
0x76: {  	s26 =	simm.s32 $0xF880  }
0x77: {  	[tilespmem:s26], [sflag:$0x1] =	stream.indirect_vreg.gather [hbm4b:s6+s2], $0x80, v3, vm0, $0xb8;
	[tilespmem:$0x10080] =	vst v63  }
0x78: {  	_ =	swait.ge [sflag:s18], $0x10000  }
0x79: {  	[sflag:s18] =	ssyncset.done $0x0  }
0x7a: {  	s30 =	rddreg [dreg:$0x4];
	[sflag:s18] =	ssyncadd.s32 $0xFFFF0000  }
0x7b: {  	[hbm4b:s30+s2] =	stream.linear.scatter [tilespmem:s9], [sflag:$0x2], $0x10000, $0x38;
	[tilespmem:$0x10080] =	vst v63  }
0x7c: {  	_ =	swait.ge [sflag:s8], $0x10000  }
0x7d: {  	[sflag:s8] =	ssyncset.done $0x0  }
0x7e: {  	s0 =	rddreg [dreg:$0x5];
	[sflag:s8] =	ssyncadd.s32 $0xFFFF0000  }
0x7f: {  	[tilespmem:s2], [sflag:$0x2] =	stream.linear.gather [hbm4b:s0+s2], $0x40, $0x38;
	[tilespmem:$0x10080] =	vst v63  }
0x80: {  	_ =	swait.ge [sflag:s8], $0x40  }
0x81: {  	[sflag:s8] =	ssyncset.done $0x0  }
0x82: {  	[sflag:s8] =	ssyncadd.s32 $0xFFFFFFC0  }
0x83: {  	v3 =	vld [tilespmem:$0x0];
	_ =	sdelay $0x4  }
0x84: {  	v36 =	vshll.u32 v3, $0x3  }
0x85: {  	v3 =	vand.u32 $0x7, v3;
	v4 =	vand.u32 $0xFFFFFFC0, v36  }
0x86: {  	v3 =	vor.u32 v3, v4  }
0x87: {  	v4 =	vperm.xlane v3, v0;
	_ =	sdelay $0x1  }
0x88: {  	v4 =	vadd.s32 v1, v4;
	_ =	sdelay $0x4  }
0x89: {  	[tilespmem:s9], [sflag:$0x1] =	stream.indirect_vreg.gather [hbm4b:s3+s2], $0x80, v4, vm0, $0xb8;
	[tilespmem:$0x10080] =	vst v63  }
0x8a: {  	s28 =	simm.s32 $0x880;
	v3 =	vperm.xlane v3, v2  }
0x8b: {  	[tilespmem:s28], [sflag:$0x1] =	stream.indirect_vreg.gather [hbm4b:s4+s2], $0x80, v4, vm0, $0xb8;
	[tilespmem:$0x10080] =	vst v63  }
0x8c: {  	s1 =	simm.s32 $0x1080;
	v3 =	vadd.s32 v1, v3  }
0x8d: {  	[tilespmem:s1], [sflag:$0x1] =	stream.indirect_vreg.gather [hbm4b:s5+s2], $0x80, v4, vm0, $0xb8;
	[tilespmem:$0x10080] =	vst v63  }
0x8e: {  	s7 =	simm.s32 $0x1880  }
0x8f: {  	[tilespmem:s7], [sflag:$0x1] =	stream.indirect_vreg.gather [hbm4b:s6+s2], $0x80, v4, vm0, $0xb8;
	[tilespmem:$0x10080] =	vst v63  }
0x90: {  	s16 =	simm.s32 $0x2080  }
0x91: {  	[tilespmem:s16], [sflag:$0x1] =	stream.indirect_vreg.gather [hbm4b:s3+s2], $0x80, v3, vm0, $0xb8;
	[tilespmem:$0x10080] =	vst v63  }
0x92: {  	s17 =	simm.s32 $0x2880  }
0x93: {  	[tilespmem:s17], [sflag:$0x1] =	stream.indirect_vreg.gather [hbm4b:s4+s2], $0x80, v3, vm0, $0xb8;
	[tilespmem:$0x10080] =	vst v63  }
0x94: {  	s20 =	simm.s32 $0x3080  }
0x95: {  	[tilespmem:s20], [sflag:$0x1] =	stream.indirect_vreg.gather [hbm4b:s5+s2], $0x80, v3, vm0, $0xb8;
	[tilespmem:$0x10080] =	vst v63  }
0x96: {  	s29 =	simm.s32 $0x3880  }
0x97: {  	[tilespmem:s29], [sflag:$0x1] =	stream.indirect_vreg.gather [hbm4b:s6+s2], $0x80, v3, vm0, $0xb8;
	[tilespmem:$0x10080] =	vst v63  }
0x98: {  	v3 =	vld [tilespmem:$0x10];
	_ =	sdelay $0x4  }
0x99: {  	v37 =	vshll.u32 v3, $0x3  }
0x9a: {  	v3 =	vand.u32 $0x7, v3;
	v4 =	vand.u32 $0xFFFFFFC0, v37  }
0x9b: {  	v3 =	vor.u32 v3, v4  }
0x9c: {  	v4 =	vperm.xlane v3, v0;
	_ =	sdelay $0x1  }
0x9d: {  	v4 =	vadd.s32 v1, v4;
	_ =	sdelay $0x3  }
0x9e: {  	s30 =	simm.s32 $0x4080  }
0x9f: {  	[tilespmem:s30], [sflag:$0x1] =	stream.indirect_vreg.gather [hbm4b:s3+s2], $0x80, v4, vm0, $0xb8;
	[tilespmem:$0x10080] =	vst v63  }
0xa0: {  	s31 =	simm.s32 $0x4880;
	v3 =	vperm.xlane v3, v2  }
0xa1: {  	[tilespmem:s31], [sflag:$0x1] =	stream.indirect_vreg.gather [hbm4b:s4+s2], $0x80, v4, vm0, $0xb8;
	[tilespmem:$0x10080] =	vst v63  }
0xa2: {  	s21 =	simm.s32 $0x5080;
	v3 =	vadd.s32 v1, v3  }
0xa3: {  	[tilespmem:s21], [sflag:$0x1] =	stream.indirect_vreg.gather [hbm4b:s5+s2], $0x80, v4, vm0, $0xb8;
	[tilespmem:$0x10080] =	vst v63  }
0xa4: {  	s31 =	simm.s32 $0x5880  }
0xa5: {  	[tilespmem:s31], [sflag:$0x1] =	stream.indirect_vreg.gather [hbm4b:s6+s2], $0x80, v4, vm0, $0xb8;
	[tilespmem:$0x10080] =	vst v63  }
0xa6: {  	s0 =	simm.s32 $0x6080  }
0xa7: {  	[tilespmem:s0], [sflag:$0x1] =	stream.indirect_vreg.gather [hbm4b:s3+s2], $0x80, v3, vm0, $0xb8;
	[tilespmem:$0x10080] =	vst v63  }
0xa8: {  	s1 =	simm.s32 $0x6880  }
0xa9: {  	[tilespmem:s1], [sflag:$0x1] =	stream.indirect_vreg.gather [hbm4b:s4+s2], $0x80, v3, vm0, $0xb8;
	[tilespmem:$0x10080] =	vst v63  }
0xaa: {  	s7 =	simm.s32 $0x7080  }
0xab: {  	[tilespmem:s7], [sflag:$0x1] =	stream.indirect_vreg.gather [hbm4b:s5+s2], $0x80, v3, vm0, $0xb8;
	[tilespmem:$0x10080] =	vst v63  }
0xac: {  	s21 =	simm.s32 $0x7880  }
0xad: {  	[tilespmem:s21], [sflag:$0x1] =	stream.indirect_vreg.gather [hbm4b:s6+s2], $0x80, v3, vm0, $0xb8;
	[tilespmem:$0x10080] =	vst v63  }
0xae: {  	v3 =	vld [tilespmem:$0x20];
	_ =	sdelay $0x4  }
0xaf: {  	v38 =	vshll.u32 v3, $0x3  }
0xb0: {  	v3 =	vand.u32 $0x7, v3;
	v4 =	vand.u32 $0xFFFFFFC0, v38  }
0xb1: {  	v3 =	vor.u32 v3, v4  }
0xb2: {  	v4 =	vperm.xlane v3, v0;
	_ =	sdelay $0x1  }
0xb3: {  	v4 =	vadd.s32 v1, v4;
	_ =	sdelay $0x3  }
0xb4: {  	s28 =	simm.s32 $0x8080  }
0xb5: {  	[tilespmem:s28], [sflag:$0x1] =	stream.indirect_vreg.gather [hbm4b:s3+s2], $0x80, v4, vm0, $0xb8;
	[tilespmem:$0x10080] =	vst v63  }
0xb6: {  	s29 =	simm.s32 $0x8880;
	v3 =	vperm.xlane v3, v2  }
0xb7: {  	[tilespmem:s29], [sflag:$0x1] =	stream.indirect_vreg.gather [hbm4b:s4+s2], $0x80, v4, vm0, $0xb8;
	[tilespmem:$0x10080] =	vst v63  }
0xb8: {  	s16 =	simm.s32 $0x9080;
	v3 =	vadd.s32 v1, v3  }
0xb9: {  	[tilespmem:s16], [sflag:$0x1] =	stream.indirect_vreg.gather [hbm4b:s5+s2], $0x80, v4, vm0, $0xb8;
	[tilespmem:$0x10080] =	vst v63  }
0xba: {  	s17 =	simm.s32 $0x9880  }
0xbb: {  	[tilespmem:s17], [sflag:$0x1] =	stream.indirect_vreg.gather [hbm4b:s6+s2], $0x80, v4, vm0, $0xb8;
	[tilespmem:$0x10080] =	vst v63  }
0xbc: {  	s20 =	simm.s32 $0xA080  }
0xbd: {  	[tilespmem:s20], [sflag:$0x1] =	stream.indirect_vreg.gather [hbm4b:s3+s2], $0x80, v3, vm0, $0xb8;
	[tilespmem:$0x10080] =	vst v63  }
0xbe: {  	s22 =	simm.s32 $0xA880  }
0xbf: {  	[tilespmem:s22], [sflag:$0x1] =	stream.indirect_vreg.gather [hbm4b:s4+s2], $0x80, v3, vm0, $0xb8;
	[tilespmem:$0x10080] =	vst v63  }
0xc0: {  	s15 =	simm.s32 $0xB080  }
0xc1: {  	[tilespmem:s15], [sflag:$0x1] =	stream.indirect_vreg.gather [hbm4b:s5+s2], $0x80, v3, vm0, $0xb8;
	[tilespmem:$0x10080] =	vst v63  }
0xc2: {  	s10 =	simm.s32 $0xB880  }
0xc3: {  	[tilespmem:s10], [sflag:$0x1] =	stream.indirect_vreg.gather [hbm4b:s6+s2], $0x80, v3, vm0, $0xb8;
	[tilespmem:$0x10080] =	vst v63  }
0xc4: {  	v3 =	vld [tilespmem:$0x30];
	_ =	sdelay $0x4  }
0xc5: {  	v39 =	vshll.u32 v3, $0x3  }
0xc6: {  	v3 =	vand.u32 $0x7, v3;
	v4 =	vand.u32 $0xFFFFFFC0, v39  }
0xc7: {  	v3 =	vor.u32 v3, v4  }
0xc8: {  	v4 =	vperm.xlane v3, v0;
	_ =	sdelay $0x1  }
0xc9: {  	v4 =	vadd.s32 v1, v4;
	_ =	sdelay $0x3  }
0xca: {  	s11 =	simm.s32 $0xC080  }
0xcb: {  	[tilespmem:s11], [sflag:$0x1] =	stream.indirect_vreg.gather [hbm4b:s3+s2], $0x80, v4, vm0, $0xb8;
	[tilespmem:$0x10080] =	vst v63  }
0xcc: {  	s12 =	simm.s32 $0xC880;
	v3 =	vperm.xlane v3, v2  }
0xcd: {  	[tilespmem:s12], [sflag:$0x1] =	stream.indirect_vreg.gather [hbm4b:s4+s2], $0x80, v4, vm0, $0xb8;
	[tilespmem:$0x10080] =	vst v63  }
0xce: {  	v3 =	vadd.s32 v1, v3;
	s12 =	simm.s32 $0xD080  }
0xcf: {  	[tilespmem:s12], [sflag:$0x1] =	stream.indirect_vreg.gather [hbm4b:s5+s2], $0x80, v4, vm0, $0xb8;
	[tilespmem:$0x10080] =	vst v63  }
0xd0: {  	s23 =	simm.s32 $0xD880  }
0xd1: {  	[tilespmem:s23], [sflag:$0x1] =	stream.indirect_vreg.gather [hbm4b:s6+s2], $0x80, v4, vm0, $0xb8;
	[tilespmem:$0x10080] =	vst v63  }
0xd2: {  	s19 =	simm.s32 $0xE080  }
0xd3: {  	[tilespmem:s19], [sflag:$0x1] =	stream.indirect_vreg.gather [hbm4b:s3+s2], $0x80, v3, vm0, $0xb8;
	[tilespmem:$0x10080] =	vst v63  }
0xd4: {  	s22 =	simm.s32 $0xE880  }
0xd5: {  	[tilespmem:s22], [sflag:$0x1] =	stream.indirect_vreg.gather [hbm4b:s4+s2], $0x80, v3, vm0, $0xb8;
	[tilespmem:$0x10080] =	vst v63  }
0xd6: {  	s23 =	simm.s32 $0xF080  }
0xd7: {  	[tilespmem:s23], [sflag:$0x1] =	stream.indirect_vreg.gather [hbm4b:s5+s2], $0x80, v3, vm0, $0xb8;
	[tilespmem:$0x10080] =	vst v63  }
0xd8: {  	s13 =	simm.s32 $0xF880  }
0xd9: {  	[tilespmem:s13], [sflag:$0x1] =	stream.indirect_vreg.gather [hbm4b:s6+s2], $0x80, v3, vm0, $0xb8;
	[tilespmem:$0x10080] =	vst v63  }
0xda: {  	_ =	swait.ge [sflag:s18], $0x10000  }
0xdb: {  	[sflag:s18] =	ssyncset.done $0x0  }
0xdc: {  	s19 =	rddreg [dreg:$0x6];
	[sflag:s18] =	ssyncadd.s32 $0xFFFF0000  }
0xdd: {  	[hbm4b:s19+s2] =	stream.linear.scatter [tilespmem:s9], [sflag:$0x2], $0x10000, $0x38;
	[tilespmem:$0x10080] =	vst v63  }
0xde: {  	_ =	swait.ge [sflag:s8], $0x10000  }
0xdf: {  	[sflag:s8] =	ssyncset.done $0x0  }
0xe0: {  	s19 =	rddreg [dreg:$0x7];
	[sflag:s8] =	ssyncadd.s32 $0xFFFF0000  }
0xe1: {  	[tilespmem:s2], [sflag:$0x2] =	stream.linear.gather [hbm4b:s19+s2], $0x40, $0x38;
	[tilespmem:$0x10080] =	vst v63  }
0xe2: {  	_ =	swait.ge [sflag:s8], $0x40  }
0xe3: {  	[sflag:s8] =	ssyncset.done $0x0  }
0xe4: {  	[sflag:s8] =	ssyncadd.s32 $0xFFFFFFC0  }
0xe5: {  	v3 =	vld [tilespmem:$0x0];
	_ =	sdelay $0x4  }
0xe6: {  	v40 =	vshll.u32 v3, $0x3  }
0xe7: {  	v3 =	vand.u32 $0x7, v3;
	v4 =	vand.u32 $0xFFFFFFC0, v40  }
0xe8: {  	v3 =	vor.u32 v3, v4  }
0xe9: {  	v4 =	vperm.xlane v3, v0;
	_ =	sdelay $0x1  }
0xea: {  	v4 =	vadd.s32 v1, v4;
	_ =	sdelay $0x4  }
0xeb: {  	[tilespmem:s9], [sflag:$0x1] =	stream.indirect_vreg.gather [hbm4b:s3+s2], $0x80, v4, vm0, $0xb8;
	[tilespmem:$0x10080] =	vst v63  }
0xec: {  	s19 =	simm.s32 $0x880;
	v3 =	vperm.xlane v3, v2  }
0xed: {  	[tilespmem:s19], [sflag:$0x1] =	stream.indirect_vreg.gather [hbm4b:s4+s2], $0x80, v4, vm0, $0xb8;
	[tilespmem:$0x10080] =	vst v63  }
0xee: {  	s25 =	simm.s32 $0x1080;
	v3 =	vadd.s32 v1, v3  }
0xef: {  	[tilespmem:s25], [sflag:$0x1] =	stream.indirect_vreg.gather [hbm4b:s5+s2], $0x80, v4, vm0, $0xb8;
	[tilespmem:$0x10080] =	vst v63  }
0xf0: {  	s26 =	simm.s32 $0x1880  }
0xf1: {  	[tilespmem:s26], [sflag:$0x1] =	stream.indirect_vreg.gather [hbm4b:s6+s2], $0x80, v4, vm0, $0xb8;
	[tilespmem:$0x10080] =	vst v63  }
0xf2: {  	s26 =	simm.s32 $0x2080  }
0xf3: {  	[tilespmem:s26], [sflag:$0x1] =	stream.indirect_vreg.gather [hbm4b:s3+s2], $0x80, v3, vm0, $0xb8;
	[tilespmem:$0x10080] =	vst v63  }
0xf4: {  	s26 =	simm.s32 $0x2880  }
0xf5: {  	[tilespmem:s26], [sflag:$0x1] =	stream.indirect_vreg.gather [hbm4b:s4+s2], $0x80, v3, vm0, $0xb8;
	[tilespmem:$0x10080] =	vst v63  }
0xf6: {  	s26 =	simm.s32 $0x3080  }
0xf7: {  	[tilespmem:s26], [sflag:$0x1] =	stream.indirect_vreg.gather [hbm4b:s5+s2], $0x80, v3, vm0, $0xb8;
	[tilespmem:$0x10080] =	vst v63  }
0xf8: {  	s26 =	simm.s32 $0x3880  }
0xf9: {  	[tilespmem:s26], [sflag:$0x1] =	stream.indirect_vreg.gather [hbm4b:s6+s2], $0x80, v3, vm0, $0xb8;
	[tilespmem:$0x10080] =	vst v63  }
0xfa: {  	v3 =	vld [tilespmem:$0x10];
	_ =	sdelay $0x4  }
0xfb: {  	v41 =	vshll.u32 v3, $0x3  }
0xfc: {  	v3 =	vand.u32 $0x7, v3;
	v4 =	vand.u32 $0xFFFFFFC0, v41  }
0xfd: {  	v3 =	vor.u32 v3, v4  }
0xfe: {  	v4 =	vperm.xlane v3, v0;
	_ =	sdelay $0x1  }
0xff: {  	v4 =	vadd.s32 v1, v4;
	_ =	sdelay $0x4  }
0x100: {  	[tilespmem:s30], [sflag:$0x1] =	stream.indirect_vreg.gather [hbm4b:s3+s2], $0x80, v4, vm0, $0xb8;
	[tilespmem:$0x10080] =	vst v63  }
0x101: {  	s26 =	simm.s32 $0x4880;
	v3 =	vperm.xlane v3, v2  }
0x102: {  	[tilespmem:s26], [sflag:$0x1] =	stream.indirect_vreg.gather [hbm4b:s4+s2], $0x80, v4, vm0, $0xb8;
	[tilespmem:$0x10080] =	vst v63  }
0x103: {  	v3 =	vadd.s32 v1, v3;
	s26 =	simm.s32 $0x5080  }
0x104: {  	[tilespmem:s26], [sflag:$0x1] =	stream.indirect_vreg.gather [hbm4b:s5+s2], $0x80, v4, vm0, $0xb8;
	[tilespmem:$0x10080] =	vst v63  }
0x105: {  	_ = 	snop  }
0x106: {  	[tilespmem:s31], [sflag:$0x1] =	stream.indirect_vreg.gather [hbm4b:s6+s2], $0x80, v4, vm0, $0xb8;
	[tilespmem:$0x10080] =	vst v63  }
0x107: {  	_ = 	snop  }
0x108: {  	[tilespmem:s0], [sflag:$0x1] =	stream.indirect_vreg.gather [hbm4b:s3+s2], $0x80, v3, vm0, $0xb8;
	[tilespmem:$0x10080] =	vst v63  }
0x109: {  	_ = 	snop  }
0x10a: {  	[tilespmem:s1], [sflag:$0x1] =	stream.indirect_vreg.gather [hbm4b:s4+s2], $0x80, v3, vm0, $0xb8;
	[tilespmem:$0x10080] =	vst v63  }
0x10b: {  	_ = 	snop  }
0x10c: {  	[tilespmem:s7], [sflag:$0x1] =	stream.indirect_vreg.gather [hbm4b:s5+s2], $0x80, v3, vm0, $0xb8;
	[tilespmem:$0x10080] =	vst v63  }
0x10d: {  	_ = 	snop  }
0x10e: {  	[tilespmem:s21], [sflag:$0x1] =	stream.indirect_vreg.gather [hbm4b:s6+s2], $0x80, v3, vm0, $0xb8;
	[tilespmem:$0x10080] =	vst v63  }
0x10f: {  	v3 =	vld [tilespmem:$0x20];
	_ =	sdelay $0x4  }
0x110: {  	v42 =	vshll.u32 v3, $0x3  }
0x111: {  	v3 =	vand.u32 $0x7, v3;
	v4 =	vand.u32 $0xFFFFFFC0, v42  }
0x112: {  	v3 =	vor.u32 v3, v4  }
0x113: {  	v4 =	vperm.xlane v3, v0;
	_ =	sdelay $0x1  }
0x114: {  	v4 =	vadd.s32 v1, v4;
	_ =	sdelay $0x4  }
0x115: {  	[tilespmem:s28], [sflag:$0x1] =	stream.indirect_vreg.gather [hbm4b:s3+s2], $0x80, v4, vm0, $0xb8;
	[tilespmem:$0x10080] =	vst v63  }
0x116: {  	v3 =	vperm.xlane v3, v2  }
0x117: {  	[tilespmem:s29], [sflag:$0x1] =	stream.indirect_vreg.gather [hbm4b:s4+s2], $0x80, v4, vm0, $0xb8;
	[tilespmem:$0x10080] =	vst v63  }
0x118: {  	v3 =	vadd.s32 v1, v3  }
0x119: {  	[tilespmem:s16], [sflag:$0x1] =	stream.indirect_vreg.gather [hbm4b:s5+s2], $0x80, v4, vm0, $0xb8;
	[tilespmem:$0x10080] =	vst v63  }
0x11a: {  	_ = 	snop  }
0x11b: {  	[tilespmem:s17], [sflag:$0x1] =	stream.indirect_vreg.gather [hbm4b:s6+s2], $0x80, v4, vm0, $0xb8;
	[tilespmem:$0x10080] =	vst v63  }
0x11c: {  	_ = 	snop  }
0x11d: {  	[tilespmem:s20], [sflag:$0x1] =	stream.indirect_vreg.gather [hbm4b:s3+s2], $0x80, v3, vm0, $0xb8;
	[tilespmem:$0x10080] =	vst v63  }
0x11e: {  	s24 =	simm.s32 $0xA880  }
0x11f: {  	[tilespmem:s24], [sflag:$0x1] =	stream.indirect_vreg.gather [hbm4b:s4+s2], $0x80, v3, vm0, $0xb8;
	[tilespmem:$0x10080] =	vst v63  }
0x120: {  	s15 =	simm.s32 $0xB080  }
0x121: {  	[tilespmem:s15], [sflag:$0x1] =	stream.indirect_vreg.gather [hbm4b:s5+s2], $0x80, v3, vm0, $0xb8;
	[tilespmem:$0x10080] =	vst v63  }
0x122: {  	s29 =	simm.s32 $0xB880  }
0x123: {  	[tilespmem:s29], [sflag:$0x1] =	stream.indirect_vreg.gather [hbm4b:s6+s2], $0x80, v3, vm0, $0xb8;
	[tilespmem:$0x10080] =	vst v63  }
0x124: {  	v3 =	vld [tilespmem:$0x30];
	_ =	sdelay $0x4  }
0x125: {  	v43 =	vshll.u32 v3, $0x3  }
0x126: {  	v3 =	vand.u32 $0x7, v3;
	v4 =	vand.u32 $0xFFFFFFC0, v43  }
0x127: {  	v3 =	vor.u32 v3, v4  }
0x128: {  	v4 =	vperm.xlane v3, v0;
	_ =	sdelay $0x1  }
0x129: {  	v4 =	vadd.s32 v1, v4;
	_ =	sdelay $0x3  }
0x12a: {  	s20 =	simm.s32 $0xC080  }
0x12b: {  	[tilespmem:s20], [sflag:$0x1] =	stream.indirect_vreg.gather [hbm4b:s3+s2], $0x80, v4, vm0, $0xb8;
	[tilespmem:$0x10080] =	vst v63  }
0x12c: {  	v3 =	vperm.xlane v3, v2;
	s20 =	simm.s32 $0xC880  }
0x12d: {  	[tilespmem:s20], [sflag:$0x1] =	stream.indirect_vreg.gather [hbm4b:s4+s2], $0x80, v4, vm0, $0xb8;
	[tilespmem:$0x10080] =	vst v63  }
0x12e: {  	s10 =	simm.s32 $0xD080;
	v3 =	vadd.s32 v1, v3  }
0x12f: {  	[tilespmem:s10], [sflag:$0x1] =	stream.indirect_vreg.gather [hbm4b:s5+s2], $0x80, v4, vm0, $0xb8;
	[tilespmem:$0x10080] =	vst v63  }
0x130: {  	s11 =	simm.s32 $0xD880  }
0x131: {  	[tilespmem:s11], [sflag:$0x1] =	stream.indirect_vreg.gather [hbm4b:s6+s2], $0x80, v4, vm0, $0xb8;
	[tilespmem:$0x10080] =	vst v63  }
0x132: {  	s12 =	simm.s32 $0xE080  }
0x133: {  	[tilespmem:s12], [sflag:$0x1] =	stream.indirect_vreg.gather [hbm4b:s3+s2], $0x80, v3, vm0, $0xb8;
	[tilespmem:$0x10080] =	vst v63  }
0x134: {  	s22 =	simm.s32 $0xE880  }
0x135: {  	[tilespmem:s22], [sflag:$0x1] =	stream.indirect_vreg.gather [hbm4b:s4+s2], $0x80, v3, vm0, $0xb8;
	[tilespmem:$0x10080] =	vst v63  }
0x136: {  	s23 =	simm.s32 $0xF080  }
0x137: {  	[tilespmem:s23], [sflag:$0x1] =	stream.indirect_vreg.gather [hbm4b:s5+s2], $0x80, v3, vm0, $0xb8;
	[tilespmem:$0x10080] =	vst v63  }
0x138: {  	s13 =	simm.s32 $0xF880  }
0x139: {  	[tilespmem:s13], [sflag:$0x1] =	stream.indirect_vreg.gather [hbm4b:s6+s2], $0x80, v3, vm0, $0xb8;
	[tilespmem:$0x10080] =	vst v63  }
0x13a: {  	_ =	swait.ge [sflag:s18], $0x10000  }
0x13b: {  	[sflag:s18] =	ssyncset.done $0x0  }
0x13c: {  	s23 =	rddreg [dreg:$0x8];
	[sflag:s18] =	ssyncadd.s32 $0xFFFF0000  }
0x13d: {  	[hbm4b:s23+s2] =	stream.linear.scatter [tilespmem:s9], [sflag:$0x2], $0x10000, $0x38;
	[tilespmem:$0x10080] =	vst v63  }
0x13e: {  	_ =	swait.ge [sflag:s8], $0x10000  }
0x13f: {  	[sflag:s8] =	ssyncset.done $0x0  }
0x140: {  	s23 =	rddreg [dreg:$0x9];
	[sflag:s8] =	ssyncadd.s32 $0xFFFF0000  }
0x141: {  	[tilespmem:s2], [sflag:$0x2] =	stream.linear.gather [hbm4b:s23+s2], $0x40, $0x38;
	[tilespmem:$0x10080] =	vst v63  }
0x142: {  	_ =	swait.ge [sflag:s8], $0x40  }
0x143: {  	[sflag:s8] =	ssyncset.done $0x0  }
0x144: {  	[sflag:s8] =	ssyncadd.s32 $0xFFFFFFC0  }
0x145: {  	v3 =	vld [tilespmem:$0x0];
	_ =	sdelay $0x4  }
0x146: {  	v44 =	vshll.u32 v3, $0x3  }
0x147: {  	v3 =	vand.u32 $0x7, v3;
	v4 =	vand.u32 $0xFFFFFFC0, v44  }
0x148: {  	v3 =	vor.u32 v3, v4  }
0x149: {  	v4 =	vperm.xlane v3, v0;
	_ =	sdelay $0x1  }
0x14a: {  	v4 =	vadd.s32 v1, v4;
	_ =	sdelay $0x4  }
0x14b: {  	[tilespmem:s9], [sflag:$0x1] =	stream.indirect_vreg.gather [hbm4b:s3+s2], $0x80, v4, vm0, $0xb8;
	[tilespmem:$0x10080] =	vst v63  }
0x14c: {  	s23 =	simm.s32 $0x880;
	v3 =	vperm.xlane v3, v2  }
0x14d: {  	[tilespmem:s23], [sflag:$0x1] =	stream.indirect_vreg.gather [hbm4b:s4+s2], $0x80, v4, vm0, $0xb8;
	[tilespmem:$0x10080] =	vst v63  }
0x14e: {  	s25 =	simm.s32 $0x1080;
	v3 =	vadd.s32 v1, v3  }
0x14f: {  	[tilespmem:s25], [sflag:$0x1] =	stream.indirect_vreg.gather [hbm4b:s5+s2], $0x80, v4, vm0, $0xb8;
	[tilespmem:$0x10080] =	vst v63  }
0x150: {  	s25 =	simm.s32 $0x1880  }
0x151: {  	[tilespmem:s25], [sflag:$0x1] =	stream.indirect_vreg.gather [hbm4b:s6+s2], $0x80, v4, vm0, $0xb8;
	[tilespmem:$0x10080] =	vst v63  }
0x152: {  	s25 =	simm.s32 $0x2080  }
0x153: {  	[tilespmem:s25], [sflag:$0x1] =	stream.indirect_vreg.gather [hbm4b:s3+s2], $0x80, v3, vm0, $0xb8;
	[tilespmem:$0x10080] =	vst v63  }
0x154: {  	s25 =	simm.s32 $0x2880  }
0x155: {  	[tilespmem:s25], [sflag:$0x1] =	stream.indirect_vreg.gather [hbm4b:s4+s2], $0x80, v3, vm0, $0xb8;
	[tilespmem:$0x10080] =	vst v63  }
0x156: {  	s25 =	simm.s32 $0x3080  }
0x157: {  	[tilespmem:s25], [sflag:$0x1] =	stream.indirect_vreg.gather [hbm4b:s5+s2], $0x80, v3, vm0, $0xb8;
	[tilespmem:$0x10080] =	vst v63  }
0x158: {  	s25 =	simm.s32 $0x3880  }
0x159: {  	[tilespmem:s25], [sflag:$0x1] =	stream.indirect_vreg.gather [hbm4b:s6+s2], $0x80, v3, vm0, $0xb8;
	[tilespmem:$0x10080] =	vst v63  }
0x15a: {  	v3 =	vld [tilespmem:$0x10];
	_ =	sdelay $0x4  }
0x15b: {  	v45 =	vshll.u32 v3, $0x3  }
0x15c: {  	v3 =	vand.u32 $0x7, v3;
	v4 =	vand.u32 $0xFFFFFFC0, v45  }
0x15d: {  	v3 =	vor.u32 v3, v4  }
0x15e: {  	v4 =	vperm.xlane v3, v0;
	_ =	sdelay $0x1  }
0x15f: {  	v4 =	vadd.s32 v1, v4;
	_ =	sdelay $0x3  }
0x160: {  	s30 =	simm.s32 $0x4080  }
0x161: {  	[tilespmem:s30], [sflag:$0x1] =	stream.indirect_vreg.gather [hbm4b:s3+s2], $0x80, v4, vm0, $0xb8;
	[tilespmem:$0x10080] =	vst v63  }
0x162: {  	v3 =	vperm.xlane v3, v2;
	s30 =	simm.s32 $0x4880  }
0x163: {  	[tilespmem:s30], [sflag:$0x1] =	stream.indirect_vreg.gather [hbm4b:s4+s2], $0x80, v4, vm0, $0xb8;
	[tilespmem:$0x10080] =	vst v63  }
0x164: {  	v3 =	vadd.s32 v1, v3;
	s30 =	simm.s32 $0x5080  }
0x165: {  	[tilespmem:s30], [sflag:$0x1] =	stream.indirect_vreg.gather [hbm4b:s5+s2], $0x80, v4, vm0, $0xb8;
	[tilespmem:$0x10080] =	vst v63  }
0x166: {  	s31 =	simm.s32 $0x5880  }
0x167: {  	[tilespmem:s31], [sflag:$0x1] =	stream.indirect_vreg.gather [hbm4b:s6+s2], $0x80, v4, vm0, $0xb8;
	[tilespmem:$0x10080] =	vst v63  }
0x168: {  	s0 =	simm.s32 $0x6080  }
0x169: {  	[tilespmem:s0], [sflag:$0x1] =	stream.indirect_vreg.gather [hbm4b:s3+s2], $0x80, v3, vm0, $0xb8;
	[tilespmem:$0x10080] =	vst v63  }
0x16a: {  	s1 =	simm.s32 $0x6880  }
0x16b: {  	[tilespmem:s1], [sflag:$0x1] =	stream.indirect_vreg.gather [hbm4b:s4+s2], $0x80, v3, vm0, $0xb8;
	[tilespmem:$0x10080] =	vst v63  }
0x16c: {  	s7 =	simm.s32 $0x7080  }
0x16d: {  	[tilespmem:s7], [sflag:$0x1] =	stream.indirect_vreg.gather [hbm4b:s5+s2], $0x80, v3, vm0, $0xb8;
	[tilespmem:$0x10080] =	vst v63  }
0x16e: {  	s30 =	simm.s32 $0x7880  }
0x16f: {  	[tilespmem:s30], [sflag:$0x1] =	stream.indirect_vreg.gather [hbm4b:s6+s2], $0x80, v3, vm0, $0xb8;
	[tilespmem:$0x10080] =	vst v63  }
0x170: {  	v3 =	vld [tilespmem:$0x20];
	_ =	sdelay $0x4  }
0x171: {  	v46 =	vshll.u32 v3, $0x3  }
0x172: {  	v3 =	vand.u32 $0x7, v3;
	v4 =	vand.u32 $0xFFFFFFC0, v46  }
0x173: {  	v3 =	vor.u32 v3, v4  }
0x174: {  	v4 =	vperm.xlane v3, v0;
	_ =	sdelay $0x1  }
0x175: {  	v4 =	vadd.s32 v1, v4;
	_ =	sdelay $0x3  }
0x176: {  	s21 =	simm.s32 $0x8080  }
0x177: {  	[tilespmem:s21], [sflag:$0x1] =	stream.indirect_vreg.gather [hbm4b:s3+s2], $0x80, v4, vm0, $0xb8;
	[tilespmem:$0x10080] =	vst v63  }
0x178: {  	s26 =	simm.s32 $0x8880;
	v3 =	vperm.xlane v3, v2  }
0x179: {  	[tilespmem:s26], [sflag:$0x1] =	stream.indirect_vreg.gather [hbm4b:s4+s2], $0x80, v4, vm0, $0xb8;
	[tilespmem:$0x10080] =	vst v63  }
0x17a: {  	s16 =	simm.s32 $0x9080;
	v3 =	vadd.s32 v1, v3  }
0x17b: {  	[tilespmem:s16], [sflag:$0x1] =	stream.indirect_vreg.gather [hbm4b:s5+s2], $0x80, v4, vm0, $0xb8;
	[tilespmem:$0x10080] =	vst v63  }
0x17c: {  	s28 =	simm.s32 $0x9880  }
0x17d: {  	[tilespmem:s28], [sflag:$0x1] =	stream.indirect_vreg.gather [hbm4b:s6+s2], $0x80, v4, vm0, $0xb8;
	[tilespmem:$0x10080] =	vst v63  }
0x17e: {  	s17 =	simm.s32 $0xA080  }
0x17f: {  	[tilespmem:s17], [sflag:$0x1] =	stream.indirect_vreg.gather [hbm4b:s3+s2], $0x80, v3, vm0, $0xb8;
	[tilespmem:$0x10080] =	vst v63  }
0x180: {  	s24 =	simm.s32 $0xA880  }
0x181: {  	[tilespmem:s24], [sflag:$0x1] =	stream.indirect_vreg.gather [hbm4b:s4+s2], $0x80, v3, vm0, $0xb8;
	[tilespmem:$0x10080] =	vst v63  }
0x182: {  	s15 =	simm.s32 $0xB080  }
0x183: {  	[tilespmem:s15], [sflag:$0x1] =	stream.indirect_vreg.gather [hbm4b:s5+s2], $0x80, v3, vm0, $0xb8;
	[tilespmem:$0x10080] =	vst v63  }
0x184: {  	s29 =	simm.s32 $0xB880  }
0x185: {  	[tilespmem:s29], [sflag:$0x1] =	stream.indirect_vreg.gather [hbm4b:s6+s2], $0x80, v3, vm0, $0xb8;
	[tilespmem:$0x10080] =	vst v63  }
0x186: {  	v3 =	vld [tilespmem:$0x30];
	_ =	sdelay $0x4  }
0x187: {  	v47 =	vshll.u32 v3, $0x3  }
0x188: {  	v3 =	vand.u32 $0x7, v3;
	v4 =	vand.u32 $0xFFFFFFC0, v47  }
0x189: {  	v3 =	vor.u32 v3, v4  }
0x18a: {  	v4 =	vperm.xlane v3, v0;
	_ =	sdelay $0x1  }
0x18b: {  	v4 =	vadd.s32 v1, v4;
	_ =	sdelay $0x3  }
0x18c: {  	s29 =	simm.s32 $0xC080  }
0x18d: {  	[tilespmem:s29], [sflag:$0x1] =	stream.indirect_vreg.gather [hbm4b:s3+s2], $0x80, v4, vm0, $0xb8;
	[tilespmem:$0x10080] =	vst v63  }
0x18e: {  	s19 =	simm.s32 $0xC880;
	v3 =	vperm.xlane v3, v2  }
0x18f: {  	[tilespmem:s19], [sflag:$0x1] =	stream.indirect_vreg.gather [hbm4b:s4+s2], $0x80, v4, vm0, $0xb8;
	[tilespmem:$0x10080] =	vst v63  }
0x190: {  	s10 =	simm.s32 $0xD080;
	v3 =	vadd.s32 v1, v3  }
0x191: {  	[tilespmem:s10], [sflag:$0x1] =	stream.indirect_vreg.gather [hbm4b:s5+s2], $0x80, v4, vm0, $0xb8;
	[tilespmem:$0x10080] =	vst v63  }
0x192: {  	s11 =	simm.s32 $0xD880  }
0x193: {  	[tilespmem:s11], [sflag:$0x1] =	stream.indirect_vreg.gather [hbm4b:s6+s2], $0x80, v4, vm0, $0xb8;
	[tilespmem:$0x10080] =	vst v63  }
0x194: {  	s12 =	simm.s32 $0xE080  }
0x195: {  	[tilespmem:s12], [sflag:$0x1] =	stream.indirect_vreg.gather [hbm4b:s3+s2], $0x80, v3, vm0, $0xb8;
	[tilespmem:$0x10080] =	vst v63  }
0x196: {  	s20 =	simm.s32 $0xE880  }
0x197: {  	[tilespmem:s20], [sflag:$0x1] =	stream.indirect_vreg.gather [hbm4b:s4+s2], $0x80, v3, vm0, $0xb8;
	[tilespmem:$0x10080] =	vst v63  }
0x198: {  	s22 =	simm.s32 $0xF080  }
0x199: {  	[tilespmem:s22], [sflag:$0x1] =	stream.indirect_vreg.gather [hbm4b:s5+s2], $0x80, v3, vm0, $0xb8;
	[tilespmem:$0x10080] =	vst v63  }
0x19a: {  	s13 =	simm.s32 $0xF880  }
0x19b: {  	[tilespmem:s13], [sflag:$0x1] =	stream.indirect_vreg.gather [hbm4b:s6+s2], $0x80, v3, vm0, $0xb8;
	[tilespmem:$0x10080] =	vst v63  }
0x19c: {  	_ =	swait.ge [sflag:s18], $0x10000  }
0x19d: {  	[sflag:s18] =	ssyncset.done $0x0  }
0x19e: {  	s19 =	rddreg [dreg:$0xa];
	[sflag:s18] =	ssyncadd.s32 $0xFFFF0000  }
0x19f: {  	[hbm4b:s19+s2] =	stream.linear.scatter [tilespmem:s9], [sflag:$0x2], $0x10000, $0x38;
	[tilespmem:$0x10080] =	vst v63  }
0x1a0: {  	_ =	swait.ge [sflag:s8], $0x10000  }
0x1a1: {  	[sflag:s8] =	ssyncset.done $0x0  }
0x1a2: {  	s19 =	rddreg [dreg:$0xb];
	[sflag:s8] =	ssyncadd.s32 $0xFFFF0000  }
0x1a3: {  	[tilespmem:s2], [sflag:$0x2] =	stream.linear.gather [hbm4b:s19+s2], $0x40, $0x38;
	[tilespmem:$0x10080] =	vst v63  }
0x1a4: {  	_ =	swait.ge [sflag:s8], $0x40  }
0x1a5: {  	[sflag:s8] =	ssyncset.done $0x0  }
0x1a6: {  	[sflag:s8] =	ssyncadd.s32 $0xFFFFFFC0  }
0x1a7: {  	v3 =	vld [tilespmem:$0x0];
	_ =	sdelay $0x4  }
0x1a8: {  	v48 =	vshll.u32 v3, $0x3  }
0x1a9: {  	v3 =	vand.u32 $0x7, v3;
	v4 =	vand.u32 $0xFFFFFFC0, v48  }
0x1aa: {  	v3 =	vor.u32 v3, v4  }
0x1ab: {  	v4 =	vperm.xlane v3, v0;
	_ =	sdelay $0x1  }
0x1ac: {  	v4 =	vadd.s32 v1, v4;
	_ =	sdelay $0x4  }
0x1ad: {  	[tilespmem:s9], [sflag:$0x1] =	stream.indirect_vreg.gather [hbm4b:s3+s2], $0x80, v4, vm0, $0xb8;
	[tilespmem:$0x10080] =	vst v63  }
0x1ae: {  	s19 =	simm.s32 $0x880;
	v3 =	vperm.xlane v3, v2  }
0x1af: {  	[tilespmem:s19], [sflag:$0x1] =	stream.indirect_vreg.gather [hbm4b:s4+s2], $0x80, v4, vm0, $0xb8;
	[tilespmem:$0x10080] =	vst v63  }
0x1b0: {  	s23 =	simm.s32 $0x1080;
	v3 =	vadd.s32 v1, v3  }
0x1b1: {  	[tilespmem:s23], [sflag:$0x1] =	stream.indirect_vreg.gather [hbm4b:s5+s2], $0x80, v4, vm0, $0xb8;
	[tilespmem:$0x10080] =	vst v63  }
0x1b2: {  	s19 =	simm.s32 $0x1880  }
0x1b3: {  	[tilespmem:s19], [sflag:$0x1] =	stream.indirect_vreg.gather [hbm4b:s6+s2], $0x80, v4, vm0, $0xb8;
	[tilespmem:$0x10080] =	vst v63  }
0x1b4: {  	s19 =	simm.s32 $0x2080  }
0x1b5: {  	[tilespmem:s19], [sflag:$0x1] =	stream.indirect_vreg.gather [hbm4b:s3+s2], $0x80, v3, vm0, $0xb8;
	[tilespmem:$0x10080] =	vst v63  }
0x1b6: {  	s19 =	simm.s32 $0x2880  }
0x1b7: {  	[tilespmem:s19], [sflag:$0x1] =	stream.indirect_vreg.gather [hbm4b:s4+s2], $0x80, v3, vm0, $0xb8;
	[tilespmem:$0x10080] =	vst v63  }
0x1b8: {  	s19 =	simm.s32 $0x3080  }
0x1b9: {  	[tilespmem:s19], [sflag:$0x1] =	stream.indirect_vreg.gather [hbm4b:s5+s2], $0x80, v3, vm0, $0xb8;
	[tilespmem:$0x10080] =	vst v63  }
0x1ba: {  	s19 =	simm.s32 $0x3880  }
0x1bb: {  	[tilespmem:s19], [sflag:$0x1] =	stream.indirect_vreg.gather [hbm4b:s6+s2], $0x80, v3, vm0, $0xb8;
	[tilespmem:$0x10080] =	vst v63  }
0x1bc: {  	v3 =	vld [tilespmem:$0x10];
	_ =	sdelay $0x4  }
0x1bd: {  	v49 =	vshll.u32 v3, $0x3  }
0x1be: {  	v3 =	vand.u32 $0x7, v3;
	v4 =	vand.u32 $0xFFFFFFC0, v49  }
0x1bf: {  	v3 =	vor.u32 v3, v4  }
0x1c0: {  	v4 =	vperm.xlane v3, v0;
	_ =	sdelay $0x1  }
0x1c1: {  	v4 =	vadd.s32 v1, v4;
	_ =	sdelay $0x3  }
0x1c2: {  	s25 =	simm.s32 $0x4080  }
0x1c3: {  	[tilespmem:s25], [sflag:$0x1] =	stream.indirect_vreg.gather [hbm4b:s3+s2], $0x80, v4, vm0, $0xb8;
	[tilespmem:$0x10080] =	vst v63  }
0x1c4: {  	s19 =	simm.s32 $0x4880;
	v3 =	vperm.xlane v3, v2  }
0x1c5: {  	[tilespmem:s19], [sflag:$0x1] =	stream.indirect_vreg.gather [hbm4b:s4+s2], $0x80, v4, vm0, $0xb8;
	[tilespmem:$0x10080] =	vst v63  }
0x1c6: {  	v3 =	vadd.s32 v1, v3;
	s19 =	simm.s32 $0x5080  }
0x1c7: {  	[tilespmem:s19], [sflag:$0x1] =	stream.indirect_vreg.gather [hbm4b:s5+s2], $0x80, v4, vm0, $0xb8;
	[tilespmem:$0x10080] =	vst v63  }
0x1c8: {  	s31 =	simm.s32 $0x5880  }
0x1c9: {  	[tilespmem:s31], [sflag:$0x1] =	stream.indirect_vreg.gather [hbm4b:s6+s2], $0x80, v4, vm0, $0xb8;
	[tilespmem:$0x10080] =	vst v63  }
0x1ca: {  	s0 =	simm.s32 $0x6080  }
0x1cb: {  	[tilespmem:s0], [sflag:$0x1] =	stream.indirect_vreg.gather [hbm4b:s3+s2], $0x80, v3, vm0, $0xb8;
	[tilespmem:$0x10080] =	vst v63  }
0x1cc: {  	s1 =	simm.s32 $0x6880  }
0x1cd: {  	[tilespmem:s1], [sflag:$0x1] =	stream.indirect_vreg.gather [hbm4b:s4+s2], $0x80, v3, vm0, $0xb8;
	[tilespmem:$0x10080] =	vst v63  }
0x1ce: {  	s7 =	simm.s32 $0x7080  }
0x1cf: {  	[tilespmem:s7], [sflag:$0x1] =	stream.indirect_vreg.gather [hbm4b:s5+s2], $0x80, v3, vm0, $0xb8;
	[tilespmem:$0x10080] =	vst v63  }
0x1d0: {  	s19 =	simm.s32 $0x7880  }
0x1d1: {  	[tilespmem:s19], [sflag:$0x1] =	stream.indirect_vreg.gather [hbm4b:s6+s2], $0x80, v3, vm0, $0xb8;
	[tilespmem:$0x10080] =	vst v63  }
0x1d2: {  	v3 =	vld [tilespmem:$0x20];
	_ =	sdelay $0x4  }
0x1d3: {  	v50 =	vshll.u32 v3, $0x3  }
0x1d4: {  	v3 =	vand.u32 $0x7, v3;
	v4 =	vand.u32 $0xFFFFFFC0, v50  }
0x1d5: {  	v3 =	vor.u32 v3, v4  }
0x1d6: {  	v4 =	vperm.xlane v3, v0;
	_ =	sdelay $0x1  }
0x1d7: {  	v4 =	vadd.s32 v1, v4;
	_ =	sdelay $0x3  }
0x1d8: {  	s30 =	simm.s32 $0x8080  }
0x1d9: {  	[tilespmem:s30], [sflag:$0x1] =	stream.indirect_vreg.gather [hbm4b:s3+s2], $0x80, v4, vm0, $0xb8;
	[tilespmem:$0x10080] =	vst v63  }
0x1da: {  	s21 =	simm.s32 $0x8880;
	v3 =	vperm.xlane v3, v2  }
0x1db: {  	[tilespmem:s21], [sflag:$0x1] =	stream.indirect_vreg.gather [hbm4b:s4+s2], $0x80, v4, vm0, $0xb8;
	[tilespmem:$0x10080] =	vst v63  }
0x1dc: {  	s16 =	simm.s32 $0x9080;
	v3 =	vadd.s32 v1, v3  }
0x1dd: {  	[tilespmem:s16], [sflag:$0x1] =	stream.indirect_vreg.gather [hbm4b:s5+s2], $0x80, v4, vm0, $0xb8;
	[tilespmem:$0x10080] =	vst v63  }
0x1de: {  	s26 =	simm.s32 $0x9880  }
0x1df: {  	[tilespmem:s26], [sflag:$0x1] =	stream.indirect_vreg.gather [hbm4b:s6+s2], $0x80, v4, vm0, $0xb8;
	[tilespmem:$0x10080] =	vst v63  }
0x1e0: {  	s17 =	simm.s32 $0xA080  }
0x1e1: {  	[tilespmem:s17], [sflag:$0x1] =	stream.indirect_vreg.gather [hbm4b:s3+s2], $0x80, v3, vm0, $0xb8;
	[tilespmem:$0x10080] =	vst v63  }
0x1e2: {  	s24 =	simm.s32 $0xA880  }
0x1e3: {  	[tilespmem:s24], [sflag:$0x1] =	stream.indirect_vreg.gather [hbm4b:s4+s2], $0x80, v3, vm0, $0xb8;
	[tilespmem:$0x10080] =	vst v63  }
0x1e4: {  	s15 =	simm.s32 $0xB080  }
0x1e5: {  	[tilespmem:s15], [sflag:$0x1] =	stream.indirect_vreg.gather [hbm4b:s5+s2], $0x80, v3, vm0, $0xb8;
	[tilespmem:$0x10080] =	vst v63  }
0x1e6: {  	s28 =	simm.s32 $0xB880  }
0x1e7: {  	[tilespmem:s28], [sflag:$0x1] =	stream.indirect_vreg.gather [hbm4b:s6+s2], $0x80, v3, vm0, $0xb8;
	[tilespmem:$0x10080] =	vst v63  }
0x1e8: {  	v3 =	vld [tilespmem:$0x30];
	_ =	sdelay $0x4  }
0x1e9: {  	v51 =	vshll.u32 v3, $0x3  }
0x1ea: {  	v3 =	vand.u32 $0x7, v3;
	v4 =	vand.u32 $0xFFFFFFC0, v51  }
0x1eb: {  	v3 =	vor.u32 v3, v4  }
0x1ec: {  	v4 =	vperm.xlane v3, v0;
	_ =	sdelay $0x1  }
0x1ed: {  	v4 =	vadd.s32 v1, v4;
	_ =	sdelay $0x3  }
0x1ee: {  	s29 =	simm.s32 $0xC080  }
0x1ef: {  	[tilespmem:s29], [sflag:$0x1] =	stream.indirect_vreg.gather [hbm4b:s3+s2], $0x80, v4, vm0, $0xb8;
	[tilespmem:$0x10080] =	vst v63  }
0x1f0: {  	s24 =	simm.s32 $0xC880;
	v3 =	vperm.xlane v3, v2  }
0x1f1: {  	[tilespmem:s24], [sflag:$0x1] =	stream.indirect_vreg.gather [hbm4b:s4+s2], $0x80, v4, vm0, $0xb8;
	[tilespmem:$0x10080] =	vst v63  }
0x1f2: {  	s10 =	simm.s32 $0xD080;
	v3 =	vadd.s32 v1, v3  }
0x1f3: {  	[tilespmem:s10], [sflag:$0x1] =	stream.indirect_vreg.gather [hbm4b:s5+s2], $0x80, v4, vm0, $0xb8;
	[tilespmem:$0x10080] =	vst v63  }
0x1f4: {  	s11 =	simm.s32 $0xD880  }
0x1f5: {  	[tilespmem:s11], [sflag:$0x1] =	stream.indirect_vreg.gather [hbm4b:s6+s2], $0x80, v4, vm0, $0xb8;
	[tilespmem:$0x10080] =	vst v63  }
0x1f6: {  	s12 =	simm.s32 $0xE080  }
0x1f7: {  	[tilespmem:s12], [sflag:$0x1] =	stream.indirect_vreg.gather [hbm4b:s3+s2], $0x80, v3, vm0, $0xb8;
	[tilespmem:$0x10080] =	vst v63  }
0x1f8: {  	s20 =	simm.s32 $0xE880  }
0x1f9: {  	[tilespmem:s20], [sflag:$0x1] =	stream.indirect_vreg.gather [hbm4b:s4+s2], $0x80, v3, vm0, $0xb8;
	[tilespmem:$0x10080] =	vst v63  }
0x1fa: {  	s22 =	simm.s32 $0xF080  }
0x1fb: {  	[tilespmem:s22], [sflag:$0x1] =	stream.indirect_vreg.gather [hbm4b:s5+s2], $0x80, v3, vm0, $0xb8;
	[tilespmem:$0x10080] =	vst v63  }
0x1fc: {  	s13 =	simm.s32 $0xF880  }
0x1fd: {  	[tilespmem:s13], [sflag:$0x1] =	stream.indirect_vreg.gather [hbm4b:s6+s2], $0x80, v3, vm0, $0xb8;
	[tilespmem:$0x10080] =	vst v63  }
0x1fe: {  	_ =	swait.ge [sflag:s18], $0x10000  }
0x1ff: {  	[sflag:s18] =	ssyncset.done $0x0  }
0x200: {  	s22 =	rddreg [dreg:$0xc];
	[sflag:s18] =	ssyncadd.s32 $0xFFFF0000  }
0x201: {  	[hbm4b:s22+s2] =	stream.linear.scatter [tilespmem:s9], [sflag:$0x2], $0x10000, $0x38;
	[tilespmem:$0x10080] =	vst v63  }
0x202: {  	_ =	swait.ge [sflag:s8], $0x10000  }
0x203: {  	[sflag:s8] =	ssyncset.done $0x0  }
0x204: {  	s22 =	rddreg [dreg:$0xd];
	[sflag:s8] =	ssyncadd.s32 $0xFFFF0000  }
0x205: {  	[tilespmem:s2], [sflag:$0x2] =	stream.linear.gather [hbm4b:s22+s2], $0x40, $0x38;
	[tilespmem:$0x10080] =	vst v63  }
0x206: {  	_ =	swait.ge [sflag:s8], $0x40  }
0x207: {  	[sflag:s8] =	ssyncset.done $0x0  }
0x208: {  	[sflag:s8] =	ssyncadd.s32 $0xFFFFFFC0  }
0x209: {  	v3 =	vld [tilespmem:$0x0];
	_ =	sdelay $0x4  }
0x20a: {  	v52 =	vshll.u32 v3, $0x3  }
0x20b: {  	v3 =	vand.u32 $0x7, v3;
	v4 =	vand.u32 $0xFFFFFFC0, v52  }
0x20c: {  	v3 =	vor.u32 v3, v4  }
0x20d: {  	v4 =	vperm.xlane v3, v0;
	_ =	sdelay $0x1  }
0x20e: {  	v4 =	vadd.s32 v1, v4;
	_ =	sdelay $0x4  }
0x20f: {  	[tilespmem:s9], [sflag:$0x1] =	stream.indirect_vreg.gather [hbm4b:s3+s2], $0x80, v4, vm0, $0xb8;
	[tilespmem:$0x10080] =	vst v63  }
0x210: {  	s22 =	simm.s32 $0x880;
	v3 =	vperm.xlane v3, v2  }
0x211: {  	[tilespmem:s22], [sflag:$0x1] =	stream.indirect_vreg.gather [hbm4b:s4+s2], $0x80, v4, vm0, $0xb8;
	[tilespmem:$0x10080] =	vst v63  }
0x212: {  	s23 =	simm.s32 $0x1080;
	v3 =	vadd.s32 v1, v3  }
0x213: {  	[tilespmem:s23], [sflag:$0x1] =	stream.indirect_vreg.gather [hbm4b:s5+s2], $0x80, v4, vm0, $0xb8;
	[tilespmem:$0x10080] =	vst v63  }
0x214: {  	s23 =	simm.s32 $0x1880  }
0x215: {  	[tilespmem:s23], [sflag:$0x1] =	stream.indirect_vreg.gather [hbm4b:s6+s2], $0x80, v4, vm0, $0xb8;
	[tilespmem:$0x10080] =	vst v63  }
0x216: {  	s22 =	simm.s32 $0x2080  }
0x217: {  	[tilespmem:s22], [sflag:$0x1] =	stream.indirect_vreg.gather [hbm4b:s3+s2], $0x80, v3, vm0, $0xb8;
	[tilespmem:$0x10080] =	vst v63  }
0x218: {  	s23 =	simm.s32 $0x2880  }
0x219: {  	[tilespmem:s23], [sflag:$0x1] =	stream.indirect_vreg.gather [hbm4b:s4+s2], $0x80, v3, vm0, $0xb8;
	[tilespmem:$0x10080] =	vst v63  }
0x21a: {  	s22 =	simm.s32 $0x3080  }
0x21b: {  	[tilespmem:s22], [sflag:$0x1] =	stream.indirect_vreg.gather [hbm4b:s5+s2], $0x80, v3, vm0, $0xb8;
	[tilespmem:$0x10080] =	vst v63  }
0x21c: {  	s23 =	simm.s32 $0x3880  }
0x21d: {  	[tilespmem:s23], [sflag:$0x1] =	stream.indirect_vreg.gather [hbm4b:s6+s2], $0x80, v3, vm0, $0xb8;
	[tilespmem:$0x10080] =	vst v63  }
0x21e: {  	v3 =	vld [tilespmem:$0x10];
	_ =	sdelay $0x4  }
0x21f: {  	v53 =	vshll.u32 v3, $0x3  }
0x220: {  	v3 =	vand.u32 $0x7, v3;
	v4 =	vand.u32 $0xFFFFFFC0, v53  }
0x221: {  	v3 =	vor.u32 v3, v4  }
0x222: {  	v4 =	vperm.xlane v3, v0;
	_ =	sdelay $0x1  }
0x223: {  	v4 =	vadd.s32 v1, v4;
	_ =	sdelay $0x3  }
0x224: {  	s25 =	simm.s32 $0x4080  }
0x225: {  	[tilespmem:s25], [sflag:$0x1] =	stream.indirect_vreg.gather [hbm4b:s3+s2], $0x80, v4, vm0, $0xb8;
	[tilespmem:$0x10080] =	vst v63  }
0x226: {  	s22 =	simm.s32 $0x4880;
	v3 =	vperm.xlane v3, v2  }
0x227: {  	[tilespmem:s22], [sflag:$0x1] =	stream.indirect_vreg.gather [hbm4b:s4+s2], $0x80, v4, vm0, $0xb8;
	[tilespmem:$0x10080] =	vst v63  }
0x228: {  	s23 =	simm.s32 $0x5080;
	v3 =	vadd.s32 v1, v3  }
0x229: {  	[tilespmem:s23], [sflag:$0x1] =	stream.indirect_vreg.gather [hbm4b:s5+s2], $0x80, v4, vm0, $0xb8;
	[tilespmem:$0x10080] =	vst v63  }
0x22a: {  	s31 =	simm.s32 $0x5880  }
0x22b: {  	[tilespmem:s31], [sflag:$0x1] =	stream.indirect_vreg.gather [hbm4b:s6+s2], $0x80, v4, vm0, $0xb8;
	[tilespmem:$0x10080] =	vst v63  }
0x22c: {  	s0 =	simm.s32 $0x6080  }
0x22d: {  	[tilespmem:s0], [sflag:$0x1] =	stream.indirect_vreg.gather [hbm4b:s3+s2], $0x80, v3, vm0, $0xb8;
	[tilespmem:$0x10080] =	vst v63  }
0x22e: {  	s1 =	simm.s32 $0x6880  }
0x22f: {  	[tilespmem:s1], [sflag:$0x1] =	stream.indirect_vreg.gather [hbm4b:s4+s2], $0x80, v3, vm0, $0xb8;
	[tilespmem:$0x10080] =	vst v63  }
0x230: {  	s7 =	simm.s32 $0x7080  }
0x231: {  	[tilespmem:s7], [sflag:$0x1] =	stream.indirect_vreg.gather [hbm4b:s5+s2], $0x80, v3, vm0, $0xb8;
	[tilespmem:$0x10080] =	vst v63  }
0x232: {  	s25 =	simm.s32 $0x7880  }
0x233: {  	[tilespmem:s25], [sflag:$0x1] =	stream.indirect_vreg.gather [hbm4b:s6+s2], $0x80, v3, vm0, $0xb8;
	[tilespmem:$0x10080] =	vst v63  }
0x234: {  	v3 =	vld [tilespmem:$0x20];
	_ =	sdelay $0x4  }
0x235: {  	v54 =	vshll.u32 v3, $0x3  }
0x236: {  	v3 =	vand.u32 $0x7, v3;
	v4 =	vand.u32 $0xFFFFFFC0, v54  }
0x237: {  	v3 =	vor.u32 v3, v4  }
0x238: {  	v4 =	vperm.xlane v3, v0;
	_ =	sdelay $0x1  }
0x239: {  	v4 =	vadd.s32 v1, v4;
	_ =	sdelay $0x3  }
0x23a: {  	s30 =	simm.s32 $0x8080  }
0x23b: {  	[tilespmem:s30], [sflag:$0x1] =	stream.indirect_vreg.gather [hbm4b:s3+s2], $0x80, v4, vm0, $0xb8;
	[tilespmem:$0x10080] =	vst v63  }
0x23c: {  	s21 =	simm.s32 $0x8880;
	v3 =	vperm.xlane v3, v2  }
0x23d: {  	[tilespmem:s21], [sflag:$0x1] =	stream.indirect_vreg.gather [hbm4b:s4+s2], $0x80, v4, vm0, $0xb8;
	[tilespmem:$0x10080] =	vst v63  }
0x23e: {  	s16 =	simm.s32 $0x9080;
	v3 =	vadd.s32 v1, v3  }
0x23f: {  	[tilespmem:s16], [sflag:$0x1] =	stream.indirect_vreg.gather [hbm4b:s5+s2], $0x80, v4, vm0, $0xb8;
	[tilespmem:$0x10080] =	vst v63  }
0x240: {  	s26 =	simm.s32 $0x9880  }
0x241: {  	[tilespmem:s26], [sflag:$0x1] =	stream.indirect_vreg.gather [hbm4b:s6+s2], $0x80, v4, vm0, $0xb8;
	[tilespmem:$0x10080] =	vst v63  }
0x242: {  	s17 =	simm.s32 $0xA080  }
0x243: {  	[tilespmem:s17], [sflag:$0x1] =	stream.indirect_vreg.gather [hbm4b:s3+s2], $0x80, v3, vm0, $0xb8;
	[tilespmem:$0x10080] =	vst v63  }
0x244: {  	s30 =	simm.s32 $0xA880  }
0x245: {  	[tilespmem:s30], [sflag:$0x1] =	stream.indirect_vreg.gather [hbm4b:s4+s2], $0x80, v3, vm0, $0xb8;
	[tilespmem:$0x10080] =	vst v63  }
0x246: {  	s15 =	simm.s32 $0xB080  }
0x247: {  	[tilespmem:s15], [sflag:$0x1] =	stream.indirect_vreg.gather [hbm4b:s5+s2], $0x80, v3, vm0, $0xb8;
	[tilespmem:$0x10080] =	vst v63  }
0x248: {  	s28 =	simm.s32 $0xB880  }
0x249: {  	[tilespmem:s28], [sflag:$0x1] =	stream.indirect_vreg.gather [hbm4b:s6+s2], $0x80, v3, vm0, $0xb8;
	[tilespmem:$0x10080] =	vst v63  }
0x24a: {  	v3 =	vld [tilespmem:$0x30];
	_ =	sdelay $0x4  }
0x24b: {  	v55 =	vshll.u32 v3, $0x3  }
0x24c: {  	v3 =	vand.u32 $0x7, v3;
	v4 =	vand.u32 $0xFFFFFFC0, v55  }
0x24d: {  	v3 =	vor.u32 v3, v4  }
0x24e: {  	v4 =	vperm.xlane v3, v0;
	_ =	sdelay $0x1  }
0x24f: {  	v4 =	vadd.s32 v1, v4;
	_ =	sdelay $0x3  }
0x250: {  	s29 =	simm.s32 $0xC080  }
0x251: {  	[tilespmem:s29], [sflag:$0x1] =	stream.indirect_vreg.gather [hbm4b:s3+s2], $0x80, v4, vm0, $0xb8;
	[tilespmem:$0x10080] =	vst v63  }
0x252: {  	s19 =	simm.s32 $0xC880;
	v3 =	vperm.xlane v3, v2  }
0x253: {  	[tilespmem:s19], [sflag:$0x1] =	stream.indirect_vreg.gather [hbm4b:s4+s2], $0x80, v4, vm0, $0xb8;
	[tilespmem:$0x10080] =	vst v63  }
0x254: {  	s24 =	simm.s32 $0xD080;
	v3 =	vadd.s32 v1, v3  }
0x255: {  	[tilespmem:s24], [sflag:$0x1] =	stream.indirect_vreg.gather [hbm4b:s5+s2], $0x80, v4, vm0, $0xb8;
	[tilespmem:$0x10080] =	vst v63  }
0x256: {  	s10 =	simm.s32 $0xD880  }
0x257: {  	[tilespmem:s10], [sflag:$0x1] =	stream.indirect_vreg.gather [hbm4b:s6+s2], $0x80, v4, vm0, $0xb8;
	[tilespmem:$0x10080] =	vst v63  }
0x258: {  	s11 =	simm.s32 $0xE080  }
0x259: {  	[tilespmem:s11], [sflag:$0x1] =	stream.indirect_vreg.gather [hbm4b:s3+s2], $0x80, v3, vm0, $0xb8;
	[tilespmem:$0x10080] =	vst v63  }
0x25a: {  	s12 =	simm.s32 $0xE880  }
0x25b: {  	[tilespmem:s12], [sflag:$0x1] =	stream.indirect_vreg.gather [hbm4b:s4+s2], $0x80, v3, vm0, $0xb8;
	[tilespmem:$0x10080] =	vst v63  }
0x25c: {  	s20 =	simm.s32 $0xF080  }
0x25d: {  	[tilespmem:s20], [sflag:$0x1] =	stream.indirect_vreg.gather [hbm4b:s5+s2], $0x80, v3, vm0, $0xb8;
	[tilespmem:$0x10080] =	vst v63  }
0x25e: {  	s13 =	simm.s32 $0xF880  }
0x25f: {  	[tilespmem:s13], [sflag:$0x1] =	stream.indirect_vreg.gather [hbm4b:s6+s2], $0x80, v3, vm0, $0xb8;
	[tilespmem:$0x10080] =	vst v63  }
0x260: {  	_ =	swait.ge [sflag:s18], $0x10000  }
0x261: {  	[sflag:s18] =	ssyncset.done $0x0  }
0x262: {  	s24 =	rddreg [dreg:$0xe];
	[sflag:s18] =	ssyncadd.s32 $0xFFFF0000  }
0x263: {  	[hbm4b:s24+s2] =	stream.linear.scatter [tilespmem:s9], [sflag:$0x2], $0x10000, $0x38;
	[tilespmem:$0x10080] =	vst v63  }
0x264: {  	_ =	swait.ge [sflag:s8], $0x10000  }
0x265: {  	[sflag:s8] =	ssyncset.done $0x0  }
0x266: {  	s28 =	rddreg [dreg:$0xf];
	[sflag:s8] =	ssyncadd.s32 $0xFFFF0000  }
0x267: {  	[tilespmem:s2], [sflag:$0x2] =	stream.linear.gather [hbm4b:s28+s2], $0x40, $0x38;
	[tilespmem:$0x10080] =	vst v63  }
0x268: {  	_ =	swait.ge [sflag:s8], $0x40  }
0x269: {  	[sflag:s8] =	ssyncset.done $0x0  }
0x26a: {  	[sflag:s8] =	ssyncadd.s32 $0xFFFFFFC0  }
0x26b: {  	v3 =	vld [tilespmem:$0x0];
	_ =	sdelay $0x4  }
0x26c: {  	v56 =	vshll.u32 v3, $0x3  }
0x26d: {  	v3 =	vand.u32 $0x7, v3;
	v4 =	vand.u32 $0xFFFFFFC0, v56  }
0x26e: {  	v3 =	vor.u32 v3, v4  }
0x26f: {  	v4 =	vperm.xlane v3, v0;
	_ =	sdelay $0x1  }
0x270: {  	v4 =	vadd.s32 v1, v4;
	_ =	sdelay $0x4  }
0x271: {  	[tilespmem:s9], [sflag:$0x1] =	stream.indirect_vreg.gather [hbm4b:s3+s2], $0x80, v4, vm0, $0xb8;
	[tilespmem:$0x10080] =	vst v63  }
0x272: {  	s30 =	simm.s32 $0x880;
	v3 =	vperm.xlane v3, v2  }
0x273: {  	[tilespmem:s30], [sflag:$0x1] =	stream.indirect_vreg.gather [hbm4b:s4+s2], $0x80, v4, vm0, $0xb8;
	[tilespmem:$0x10080] =	vst v63  }
0x274: {  	s11 =	simm.s32 $0x1080;
	v3 =	vadd.s32 v1, v3  }
0x275: {  	[tilespmem:s11], [sflag:$0x1] =	stream.indirect_vreg.gather [hbm4b:s5+s2], $0x80, v4, vm0, $0xb8;
	[tilespmem:$0x10080] =	vst v63  }
0x276: {  	s13 =	simm.s32 $0x1880  }
0x277: {  	[tilespmem:s13], [sflag:$0x1] =	stream.indirect_vreg.gather [hbm4b:s6+s2], $0x80, v4, vm0, $0xb8;
	[tilespmem:$0x10080] =	vst v63  }
0x278: {  	s19 =	simm.s32 $0x2080  }
0x279: {  	[tilespmem:s19], [sflag:$0x1] =	stream.indirect_vreg.gather [hbm4b:s3+s2], $0x80, v3, vm0, $0xb8;
	[tilespmem:$0x10080] =	vst v63  }
0x27a: {  	s20 =	simm.s32 $0x2880  }
0x27b: {  	[tilespmem:s20], [sflag:$0x1] =	stream.indirect_vreg.gather [hbm4b:s4+s2], $0x80, v3, vm0, $0xb8;
	[tilespmem:$0x10080] =	vst v63  }
0x27c: {  	s24 =	simm.s32 $0x3080  }
0x27d: {  	[tilespmem:s24], [sflag:$0x1] =	stream.indirect_vreg.gather [hbm4b:s5+s2], $0x80, v3, vm0, $0xb8;
	[tilespmem:$0x10080] =	vst v63  }
0x27e: {  	s28 =	simm.s32 $0x3880  }
0x27f: {  	[tilespmem:s28], [sflag:$0x1] =	stream.indirect_vreg.gather [hbm4b:s6+s2], $0x80, v3, vm0, $0xb8;
	[tilespmem:$0x10080] =	vst v63  }
0x280: {  	v3 =	vld [tilespmem:$0x10];
	_ =	sdelay $0x4  }
0x281: {  	v57 =	vshll.u32 v3, $0x3  }
0x282: {  	v3 =	vand.u32 $0x7, v3;
	v4 =	vand.u32 $0xFFFFFFC0, v57  }
0x283: {  	v3 =	vor.u32 v3, v4  }
0x284: {  	v4 =	vperm.xlane v3, v0;
	_ =	sdelay $0x1  }
0x285: {  	v4 =	vadd.s32 v1, v4;
	_ =	sdelay $0x3  }
0x286: {  	s13 =	simm.s32 $0x4080  }
0x287: {  	[tilespmem:s13], [sflag:$0x1] =	stream.indirect_vreg.gather [hbm4b:s3+s2], $0x80, v4, vm0, $0xb8;
	[tilespmem:$0x10080] =	vst v63  }
0x288: {  	s19 =	simm.s32 $0x4880;
	v3 =	vperm.xlane v3, v2  }
0x289: {  	[tilespmem:s19], [sflag:$0x1] =	stream.indirect_vreg.gather [hbm4b:s4+s2], $0x80, v4, vm0, $0xb8;
	[tilespmem:$0x10080] =	vst v63  }
0x28a: {  	s20 =	simm.s32 $0x5080;
	v3 =	vadd.s32 v1, v3  }
0x28b: {  	[tilespmem:s20], [sflag:$0x1] =	stream.indirect_vreg.gather [hbm4b:s5+s2], $0x80, v4, vm0, $0xb8;
	[tilespmem:$0x10080] =	vst v63  }
0x28c: {  	s23 =	simm.s32 $0x5880  }
0x28d: {  	[tilespmem:s23], [sflag:$0x1] =	stream.indirect_vreg.gather [hbm4b:s6+s2], $0x80, v4, vm0, $0xb8;
	[tilespmem:$0x10080] =	vst v63  }
0x28e: {  	s0 =	simm.s32 $0x6080  }
0x28f: {  	[tilespmem:s0], [sflag:$0x1] =	stream.indirect_vreg.gather [hbm4b:s3+s2], $0x80, v3, vm0, $0xb8;
	[tilespmem:$0x10080] =	vst v63  }
0x290: {  	s1 =	simm.s32 $0x6880  }
0x291: {  	[tilespmem:s1], [sflag:$0x1] =	stream.indirect_vreg.gather [hbm4b:s4+s2], $0x80, v3, vm0, $0xb8;
	[tilespmem:$0x10080] =	vst v63  }
0x292: {  	s7 =	simm.s32 $0x7080  }
0x293: {  	[tilespmem:s7], [sflag:$0x1] =	stream.indirect_vreg.gather [hbm4b:s5+s2], $0x80, v3, vm0, $0xb8;
	[tilespmem:$0x10080] =	vst v63  }
0x294: {  	s24 =	simm.s32 $0x7880  }
0x295: {  	[tilespmem:s24], [sflag:$0x1] =	stream.indirect_vreg.gather [hbm4b:s6+s2], $0x80, v3, vm0, $0xb8;
	[tilespmem:$0x10080] =	vst v63  }
0x296: {  	v3 =	vld [tilespmem:$0x20];
	_ =	sdelay $0x4  }
0x297: {  	v58 =	vshll.u32 v3, $0x3  }
0x298: {  	v3 =	vand.u32 $0x7, v3;
	v4 =	vand.u32 $0xFFFFFFC0, v58  }
0x299: {  	v3 =	vor.u32 v3, v4  }
0x29a: {  	v4 =	vperm.xlane v3, v0;
	_ =	sdelay $0x1  }
0x29b: {  	v4 =	vadd.s32 v1, v4;
	_ =	sdelay $0x3  }
0x29c: {  	s22 =	simm.s32 $0x8080  }
0x29d: {  	[tilespmem:s22], [sflag:$0x1] =	stream.indirect_vreg.gather [hbm4b:s3+s2], $0x80, v4, vm0, $0xb8;
	[tilespmem:$0x10080] =	vst v63  }
0x29e: {  	s25 =	simm.s32 $0x8880;
	v3 =	vperm.xlane v3, v2  }
0x29f: {  	[tilespmem:s25], [sflag:$0x1] =	stream.indirect_vreg.gather [hbm4b:s4+s2], $0x80, v4, vm0, $0xb8;
	[tilespmem:$0x10080] =	vst v63  }
0x2a0: {  	s31 =	simm.s32 $0x9080;
	v3 =	vadd.s32 v1, v3  }
0x2a1: {  	[tilespmem:s31], [sflag:$0x1] =	stream.indirect_vreg.gather [hbm4b:s5+s2], $0x80, v4, vm0, $0xb8;
	[tilespmem:$0x10080] =	vst v63  }
0x2a2: {  	s31 =	simm.s32 $0x9880  }
0x2a3: {  	[tilespmem:s31], [sflag:$0x1] =	stream.indirect_vreg.gather [hbm4b:s6+s2], $0x80, v4, vm0, $0xb8;
	[tilespmem:$0x10080] =	vst v63  }
0x2a4: {  	s17 =	simm.s32 $0xA080  }
0x2a5: {  	[tilespmem:s17], [sflag:$0x1] =	stream.indirect_vreg.gather [hbm4b:s3+s2], $0x80, v3, vm0, $0xb8;
	[tilespmem:$0x10080] =	vst v63  }
0x2a6: {  	s20 =	simm.s32 $0xA880  }
0x2a7: {  	[tilespmem:s20], [sflag:$0x1] =	stream.indirect_vreg.gather [hbm4b:s4+s2], $0x80, v3, vm0, $0xb8;
	[tilespmem:$0x10080] =	vst v63  }
0x2a8: {  	s21 =	simm.s32 $0xB080  }
0x2a9: {  	[tilespmem:s21], [sflag:$0x1] =	stream.indirect_vreg.gather [hbm4b:s5+s2], $0x80, v3, vm0, $0xb8;
	[tilespmem:$0x10080] =	vst v63  }
0x2aa: {  	s21 =	simm.s32 $0xB880  }
0x2ab: {  	[tilespmem:s21], [sflag:$0x1] =	stream.indirect_vreg.gather [hbm4b:s6+s2], $0x80, v3, vm0, $0xb8;
	[tilespmem:$0x10080] =	vst v63  }
0x2ac: {  	v3 =	vld [tilespmem:$0x30];
	_ =	sdelay $0x4  }
0x2ad: {  	v59 =	vshll.u32 v3, $0x3  }
0x2ae: {  	v3 =	vand.u32 $0x7, v3;
	v4 =	vand.u32 $0xFFFFFFC0, v59  }
0x2af: {  	v3 =	vor.u32 v3, v4  }
0x2b0: {  	v4 =	vperm.xlane v3, v0;
	_ =	sdelay $0x1  }
0x2b1: {  	v4 =	vadd.s32 v1, v4;
	_ =	sdelay $0x3  }
0x2b2: {  	s22 =	simm.s32 $0xC080  }
0x2b3: {  	[tilespmem:s22], [sflag:$0x1] =	stream.indirect_vreg.gather [hbm4b:s3+s2], $0x80, v4, vm0, $0xb8;
	[tilespmem:$0x10080] =	vst v63  }
0x2b4: {  	s23 =	simm.s32 $0xC880;
	v3 =	vperm.xlane v3, v2  }
0x2b5: {  	[tilespmem:s23], [sflag:$0x1] =	stream.indirect_vreg.gather [hbm4b:s4+s2], $0x80, v4, vm0, $0xb8;
	[tilespmem:$0x10080] =	vst v63  }
0x2b6: {  	s16 =	simm.s32 $0xD080;
	v3 =	vadd.s32 v1, v3  }
0x2b7: {  	[tilespmem:s16], [sflag:$0x1] =	stream.indirect_vreg.gather [hbm4b:s5+s2], $0x80, v4, vm0, $0xb8;
	[tilespmem:$0x10080] =	vst v63  }
0x2b8: {  	s26 =	simm.s32 $0xD880  }
0x2b9: {  	[tilespmem:s26], [sflag:$0x1] =	stream.indirect_vreg.gather [hbm4b:s6+s2], $0x80, v4, vm0, $0xb8;
	[tilespmem:$0x10080] =	vst v63  }
0x2ba: {  	s15 =	simm.s32 $0xE080  }
0x2bb: {  	[tilespmem:s15], [sflag:$0x1] =	stream.indirect_vreg.gather [hbm4b:s3+s2], $0x80, v3, vm0, $0xb8;
	[tilespmem:$0x10080] =	vst v63  }
0x2bc: {  	s12 =	simm.s32 $0xE880  }
0x2bd: {  	[tilespmem:s12], [sflag:$0x1] =	stream.indirect_vreg.gather [hbm4b:s4+s2], $0x80, v3, vm0, $0xb8;
	[tilespmem:$0x10080] =	vst v63  }
0x2be: {  	s29 =	simm.s32 $0xF080  }
0x2bf: {  	[tilespmem:s29], [sflag:$0x1] =	stream.indirect_vreg.gather [hbm4b:s5+s2], $0x80, v3, vm0, $0xb8;
	[tilespmem:$0x10080] =	vst v63  }
0x2c0: {  	s26 =	simm.s32 $0xF880  }
0x2c1: {  	[tilespmem:s26], [sflag:$0x1] =	stream.indirect_vreg.gather [hbm4b:s6+s2], $0x80, v3, vm0, $0xb8;
	[tilespmem:$0x10080] =	vst v63  }
0x2c2: {  	_ =	swait.ge [sflag:s18], $0x10000  }
0x2c3: {  	[sflag:s18] =	ssyncset.done $0x0  }
0x2c4: {  	s29 =	rddreg [dreg:$0x10];
	[sflag:s18] =	ssyncadd.s32 $0xFFFF0000  }
0x2c5: {  	[hbm4b:s29+s2] =	stream.linear.scatter [tilespmem:s9], [sflag:$0x2], $0x10000, $0x38;
	[tilespmem:$0x10080] =	vst v63  }
0x2c6: {  	_ =	swait.ge [sflag:s8], $0x10000  }
0x2c7: {  	[sflag:s8] =	ssyncset.done $0x0  }
0x2c8: {  	s29 =	rddreg [dreg:$0x11];
	[sflag:s8] =	ssyncadd.s32 $0xFFFF0000  }
0x2c9: {  	[tilespmem:s2], [sflag:$0x2] =	stream.linear.gather [hbm4b:s29+s2], $0x40, $0x38;
	[tilespmem:$0x10080] =	vst v63  }
0x2ca: {  	_ =	swait.ge [sflag:s8], $0x40  }
0x2cb: {  	[sflag:s8] =	ssyncset.done $0x0  }
0x2cc: {  	[sflag:s8] =	ssyncadd.s32 $0xFFFFFFC0  }
0x2cd: {  	v3 =	vld [tilespmem:$0x0];
	_ =	sdelay $0x4  }
0x2ce: {  	v60 =	vshll.u32 v3, $0x3  }
0x2cf: {  	v3 =	vand.u32 $0x7, v3;
	v4 =	vand.u32 $0xFFFFFFC0, v60  }
0x2d0: {  	v3 =	vor.u32 v3, v4  }
0x2d1: {  	v4 =	vperm.xlane v3, v0;
	_ =	sdelay $0x1  }
0x2d2: {  	v4 =	vadd.s32 v1, v4;
	_ =	sdelay $0x4  }
0x2d3: {  	[tilespmem:s9], [sflag:$0x1] =	stream.indirect_vreg.gather [hbm4b:s3+s2], $0x80, v4, vm0, $0xb8;
	[tilespmem:$0x10080] =	vst v63  }
0x2d4: {  	s29 =	simm.s32 $0x880;
	v3 =	vperm.xlane v3, v2  }
0x2d5: {  	[tilespmem:s29], [sflag:$0x1] =	stream.indirect_vreg.gather [hbm4b:s4+s2], $0x80, v4, vm0, $0xb8;
	[tilespmem:$0x10080] =	vst v63  }
0x2d6: {  	s11 =	simm.s32 $0x1080;
	v3 =	vadd.s32 v1, v3  }
0x2d7: {  	[tilespmem:s11], [sflag:$0x1] =	stream.indirect_vreg.gather [hbm4b:s5+s2], $0x80, v4, vm0, $0xb8;
	[tilespmem:$0x10080] =	vst v63  }
0x2d8: {  	s30 =	simm.s32 $0x1880  }
0x2d9: {  	[tilespmem:s30], [sflag:$0x1] =	stream.indirect_vreg.gather [hbm4b:s6+s2], $0x80, v4, vm0, $0xb8;
	[tilespmem:$0x10080] =	vst v63  }
0x2da: {  	s19 =	simm.s32 $0x2080  }
0x2db: {  	[tilespmem:s19], [sflag:$0x1] =	stream.indirect_vreg.gather [hbm4b:s3+s2], $0x80, v3, vm0, $0xb8;
	[tilespmem:$0x10080] =	vst v63  }
0x2dc: {  	s29 =	simm.s32 $0x2880  }
0x2dd: {  	[tilespmem:s29], [sflag:$0x1] =	stream.indirect_vreg.gather [hbm4b:s4+s2], $0x80, v3, vm0, $0xb8;
	[tilespmem:$0x10080] =	vst v63  }
0x2de: {  	s30 =	simm.s32 $0x3080  }
0x2df: {  	[tilespmem:s30], [sflag:$0x1] =	stream.indirect_vreg.gather [hbm4b:s5+s2], $0x80, v3, vm0, $0xb8;
	[tilespmem:$0x10080] =	vst v63  }
0x2e0: {  	s19 =	simm.s32 $0x3880  }
0x2e1: {  	[tilespmem:s19], [sflag:$0x1] =	stream.indirect_vreg.gather [hbm4b:s6+s2], $0x80, v3, vm0, $0xb8;
	[tilespmem:$0x10080] =	vst v63  }
0x2e2: {  	v3 =	vld [tilespmem:$0x10];
	_ =	sdelay $0x4  }
0x2e3: {  	v61 =	vshll.u32 v3, $0x3  }
0x2e4: {  	v3 =	vand.u32 $0x7, v3;
	v4 =	vand.u32 $0xFFFFFFC0, v61  }
0x2e5: {  	v3 =	vor.u32 v3, v4  }
0x2e6: {  	v4 =	vperm.xlane v3, v0;
	_ =	sdelay $0x1  }
0x2e7: {  	v4 =	vadd.s32 v1, v4;
	_ =	sdelay $0x3  }
0x2e8: {  	s28 =	simm.s32 $0x4080  }
0x2e9: {  	[tilespmem:s28], [sflag:$0x1] =	stream.indirect_vreg.gather [hbm4b:s3+s2], $0x80, v4, vm0, $0xb8;
	[tilespmem:$0x10080] =	vst v63  }
0x2ea: {  	s29 =	simm.s32 $0x4880;
	v3 =	vperm.xlane v3, v2  }
0x2eb: {  	[tilespmem:s29], [sflag:$0x1] =	stream.indirect_vreg.gather [hbm4b:s4+s2], $0x80, v4, vm0, $0xb8;
	[tilespmem:$0x10080] =	vst v63  }
0x2ec: {  	s30 =	simm.s32 $0x5080;
	v3 =	vadd.s32 v1, v3  }
0x2ed: {  	[tilespmem:s30], [sflag:$0x1] =	stream.indirect_vreg.gather [hbm4b:s5+s2], $0x80, v4, vm0, $0xb8;
	[tilespmem:$0x10080] =	vst v63  }
0x2ee: {  	s10 =	simm.s32 $0x5880  }
0x2ef: {  	[tilespmem:s10], [sflag:$0x1] =	stream.indirect_vreg.gather [hbm4b:s6+s2], $0x80, v4, vm0, $0xb8;
	[tilespmem:$0x10080] =	vst v63  }
0x2f0: {  	s13 =	simm.s32 $0x6080  }
0x2f1: {  	[tilespmem:s13], [sflag:$0x1] =	stream.indirect_vreg.gather [hbm4b:s3+s2], $0x80, v3, vm0, $0xb8;
	[tilespmem:$0x10080] =	vst v63  }
0x2f2: {  	s0 =	simm.s32 $0x6880  }
0x2f3: {  	[tilespmem:s0], [sflag:$0x1] =	stream.indirect_vreg.gather [hbm4b:s4+s2], $0x80, v3, vm0, $0xb8;
	[tilespmem:$0x10080] =	vst v63  }
0x2f4: {  	s1 =	simm.s32 $0x7080  }
0x2f5: {  	[tilespmem:s1], [sflag:$0x1] =	stream.indirect_vreg.gather [hbm4b:s5+s2], $0x80, v3, vm0, $0xb8;
	[tilespmem:$0x10080] =	vst v63  }
0x2f6: {  	s19 =	simm.s32 $0x7880  }
0x2f7: {  	[tilespmem:s19], [sflag:$0x1] =	stream.indirect_vreg.gather [hbm4b:s6+s2], $0x80, v3, vm0, $0xb8;
	[tilespmem:$0x10080] =	vst v63  }
0x2f8: {  	v3 =	vld [tilespmem:$0x20];
	_ =	sdelay $0x4  }
0x2f9: {  	v62 =	vshll.u32 v3, $0x3  }
0x2fa: {  	v3 =	vand.u32 $0x7, v3;
	v4 =	vand.u32 $0xFFFFFFC0, v62  }
0x2fb: {  	v3 =	vor.u32 v3, v4  }
0x2fc: {  	v4 =	vperm.xlane v3, v0;
	_ =	sdelay $0x1  }
0x2fd: {  	v4 =	vadd.s32 v1, v4;
	_ =	sdelay $0x3  }
0x2fe: {  	s7 =	simm.s32 $0x8080  }
0x2ff: {  	[tilespmem:s7], [sflag:$0x1] =	stream.indirect_vreg.gather [hbm4b:s3+s2], $0x80, v4, vm0, $0xb8;
	[tilespmem:$0x10080] =	vst v63  }
0x300: {  	s24 =	simm.s32 $0x8880;
	v3 =	vperm.xlane v3, v2  }
0x301: {  	[tilespmem:s24], [sflag:$0x1] =	stream.indirect_vreg.gather [hbm4b:s4+s2], $0x80, v4, vm0, $0xb8;
	[tilespmem:$0x10080] =	vst v63  }
0x302: {  	s25 =	simm.s32 $0x9080;
	v3 =	vadd.s32 v1, v3  }
0x303: {  	[tilespmem:s25], [sflag:$0x1] =	stream.indirect_vreg.gather [hbm4b:s5+s2], $0x80, v4, vm0, $0xb8;
	[tilespmem:$0x10080] =	vst v63  }
0x304: {  	s31 =	simm.s32 $0x9880  }
0x305: {  	[tilespmem:s31], [sflag:$0x1] =	stream.indirect_vreg.gather [hbm4b:s6+s2], $0x80, v4, vm0, $0xb8;
	[tilespmem:$0x10080] =	vst v63  }
0x306: {  	s17 =	simm.s32 $0xA080  }
0x307: {  	[tilespmem:s17], [sflag:$0x1] =	stream.indirect_vreg.gather [hbm4b:s3+s2], $0x80, v3, vm0, $0xb8;
	[tilespmem:$0x10080] =	vst v63  }
0x308: {  	s28 =	simm.s32 $0xA880  }
0x309: {  	[tilespmem:s28], [sflag:$0x1] =	stream.indirect_vreg.gather [hbm4b:s4+s2], $0x80, v3, vm0, $0xb8;
	[tilespmem:$0x10080] =	vst v63  }
0x30a: {  	s20 =	simm.s32 $0xB080  }
0x30b: {  	[tilespmem:s20], [sflag:$0x1] =	stream.indirect_vreg.gather [hbm4b:s5+s2], $0x80, v3, vm0, $0xb8;
	[tilespmem:$0x10080] =	vst v63  }
0x30c: {  	s21 =	simm.s32 $0xB880  }
0x30d: {  	[tilespmem:s21], [sflag:$0x1] =	stream.indirect_vreg.gather [hbm4b:s6+s2], $0x80, v3, vm0, $0xb8;
	[tilespmem:$0x10080] =	vst v63  }
0x30e: {  	v3 =	vld [tilespmem:$0x30];
	_ =	sdelay $0x4  }
0x30f: {  	v63 =	vshll.u32 v3, $0x3  }
0x310: {  	v3 =	vand.u32 $0x7, v3;
	v4 =	vand.u32 $0xFFFFFFC0, v63  }
0x311: {  	v3 =	vor.u32 v3, v4  }
0x312: {  	v4 =	vperm.xlane v3, v0;
	_ =	sdelay $0x1  }
0x313: {  	v4 =	vadd.s32 v1, v4;
	_ =	sdelay $0x3  }
0x314: {  	s29 =	simm.s32 $0xC080  }
0x315: {  	[tilespmem:s29], [sflag:$0x1] =	stream.indirect_vreg.gather [hbm4b:s3+s2], $0x80, v4, vm0, $0xb8;
	[tilespmem:$0x10080] =	vst v63  }
0x316: {  	s30 =	simm.s32 $0xC880;
	v3 =	vperm.xlane v3, v2  }
0x317: {  	[tilespmem:s30], [sflag:$0x1] =	stream.indirect_vreg.gather [hbm4b:s4+s2], $0x80, v4, vm0, $0xb8;
	[tilespmem:$0x10080] =	vst v63  }
0x318: {  	s23 =	simm.s32 $0xD080;
	v3 =	vadd.s32 v1, v3  }
0x319: {  	[tilespmem:s23], [sflag:$0x1] =	stream.indirect_vreg.gather [hbm4b:s5+s2], $0x80, v4, vm0, $0xb8;
	[tilespmem:$0x10080] =	vst v63  }
0x31a: {  	s16 =	simm.s32 $0xD880  }
0x31b: {  	[tilespmem:s16], [sflag:$0x1] =	stream.indirect_vreg.gather [hbm4b:s6+s2], $0x80, v4, vm0, $0xb8;
	[tilespmem:$0x10080] =	vst v63  }
0x31c: {  	s22 =	simm.s32 $0xE080  }
0x31d: {  	[tilespmem:s22], [sflag:$0x1] =	stream.indirect_vreg.gather [hbm4b:s3+s2], $0x80, v3, vm0, $0xb8;
	[tilespmem:$0x10080] =	vst v63  }
0x31e: {  	s15 =	simm.s32 $0xE880  }
0x31f: {  	[tilespmem:s15], [sflag:$0x1] =	stream.indirect_vreg.gather [hbm4b:s4+s2], $0x80, v3, vm0, $0xb8;
	[tilespmem:$0x10080] =	vst v63  }
0x320: {  	s12 =	simm.s32 $0xF080  }
0x321: {  	[tilespmem:s12], [sflag:$0x1] =	stream.indirect_vreg.gather [hbm4b:s5+s2], $0x80, v3, vm0, $0xb8;
	[tilespmem:$0x10080] =	vst v63  }
0x322: {  	s26 =	simm.s32 $0xF880  }
0x323: {  	[tilespmem:s26], [sflag:$0x1] =	stream.indirect_vreg.gather [hbm4b:s6+s2], $0x80, v3, vm0, $0xb8;
	[tilespmem:$0x10080] =	vst v63  }
0x324: {  	_ =	swait.ge [sflag:s18], $0x10000  }
0x325: {  	p0 =	sne.s32 s14, $0x1;
	[sflag:s18] =	ssyncset.done $0x0  }
.Ltmp0:
0x326: {  	s31 =	rddreg [dreg:$0x12];
	[sflag:s18] =	ssyncadd.s32 $0xFFFF0000;
	(pc) =	sbr.rel @p0 .LBB2_1-.Ltmp0, $4  }
0x327: {  	[hbm4b:s31+s2] =	stream.linear.scatter [tilespmem:s9], [sflag:$0x2], $0x10000, $0x38;
	[tilespmem:$0x10080] =	vst v63  }
0x328: {  	_ =	swait.ge [sflag:s8], $0x10000  }
0x329: {  	[sflag:s8] =	ssyncset.done $0x0  }
0x32a: {  	s14 =	sadd.s32 $0xFFFFFFFF, s14;
	[sflag:s8] =	ssyncadd.s32 $0xFFFF0000  }
0x32b: {  	_ =	sfence.sel $0x180000  }
0x32c: {  	[bflag:$0x0] =	sbarrier.arrive $0xFFFF  }
0x32d: {  	_ =	strace $0x9000004A  }
0x32e: {  	s0 =	stileid.u32;
	[bflag:$0x2] =	sbarrier.arrive $0xFFFF  }
0x32f: {  	p0 =	sne.s32 s0, $0x0;
	s0 =	rddreg [dreg:$0x2]  }
0x330: {  	s0 =	sadd.s32 @!p0 $0x100000, s0  }
0x331: {  	[sflag:s0] =	ssyncadd.tile.s32 @!p0 $0x1;
	_ =	shalt  }
.Lfunc_end2:
_tile_overlayer_lowered:
.L_overlay_start_2:
0x332: {  	(tag) =	ssettag $0x2  }
0x333: {  	s0 =	rddreg [dreg:$0x0];
	s2 =	stileid.u32  }
0x334: {  	s1 =	rddreg [dreg:$0x1];
	p0 =	sne.s32 s2, $0x0  }
0x335: {  	s3 =	rddreg [dreg:$0x2];
	[bflag:$0x3] =	sbarrier.arrive $0xFFFF;
	s2 =	simm.s32 @!p0 $0x1C02  }
0x336: {  	[timem:s3], [sflag:s2] =	dma.local @!p0 [hbm:s0], s1  }
0x337: {  	s0 =	simm.s32 @!p0 $0x2  }
0x338: {  	_ =	swait.ge @!p0 [sflag:s0], s1  }
0x339: {  	s1 =	ssub.s32 @!p0 $0x0, s1;
	[sflag:s0] =	ssyncset.done @!p0 $0x0  }
0x33a: {  	[sflag:s0] =	ssyncadd.s32 @!p0 s1  }
0x33b: {  	[bflag:$0x3] =	sbarrier.arrive $0xFFFF  }
0x33c: {  	_ =	shalt  }

</sc_bundles>
